<compile_context>
chip_gen: v7x
topology: tpu7x:2x2x1
jax: 0.10.2.dev20260603
libtpu: 0.0.44.dev20260713+nightly
codegen_flags: <defaults>
</compile_context>

<pallas_src>
import functools
import numpy as np
import jax
import jax.numpy as jnp
from jax import lax
from jax.experimental import pallas as pl
from jax.experimental.pallas import tpu as pltpu
from jax.experimental.pallas import tpu_sc as plsc

_K = 16
_H = 8


def _knn_kernel(xb_ref, x_ref, idx_ref):
    N, D = x_ref.shape[1], x_ref.shape[2]
    R = xb_ref.shape[1]
    f32 = jnp.float32
    x_all = x_ref[0]
    xb = xb_ref[0]
    xsq = x_all * x_all
    st_row = lax.dot_general(jnp.ones((1, D), f32), xsq,
                             (((1,), (1,)), ((), ())),
                             precision=lax.Precision.HIGHEST,
                             preferred_element_type=f32)
    xdot = lax.dot_general(xb.astype(jnp.bfloat16), x_all.astype(jnp.bfloat16),
                           (((1,), (1,)), ((), ())),
                           preferred_element_type=f32)
    cur = st_row - 2.0 * xdot
    col = lax.broadcasted_iota(jnp.int32, (R, N), 1)
    ams = []
    for _ in range(_K):
        m = jnp.min(cur, axis=1, keepdims=True)
        am = jnp.min(jnp.where(cur <= m, col, N), axis=1, keepdims=True)
        ams.append(am)
        cur = jnp.where(col == am, jnp.float32(jnp.inf), cur)
    base = pl.program_id(0) * N
    idx_ref[0] = jnp.concatenate(ams, axis=1) + base


def _sc_gather(x_hbm, idx_hbm, out_hbm, idx_v, rows_v, sem):
    nc = 2
    wid = lax.axis_index("s") * nc + lax.axis_index("c")
    total = idx_hbm.shape[0]
    chunk = idx_v.shape[0]
    per_w = total // (nc * 16)
    steps = per_w // chunk
    base = wid * per_w

    def body(g, _):
        start = base + g * chunk
        pltpu.sync_copy(idx_hbm.at[pl.ds(start, chunk)], idx_v)
        pltpu.async_copy(x_hbm.at[idx_v], rows_v, sem).wait()
        pltpu.sync_copy(rows_v, out_hbm.at[pl.ds(start, chunk)])
        return 0

    lax.fori_loop(0, steps, body, 0)


def _attn_kernel(xg_ref, wqkvT_ref, woT_ref, wcol_ref, bw_ref, y_ref):
    RK, D = xg_ref.shape
    K, H = _K, _H
    R = RK // K
    dh = D // H
    f32 = jnp.float32
    bf16 = jnp.bfloat16

    wqkvT = wqkvT_ref[...].astype(bf16)
    qkv = jnp.dot(xg_ref[...].astype(bf16), wqkvT,
                  preferred_element_type=f32)
    qkv3 = qkv.reshape(R, K, 3 * D)
    Ks = qkv[:, D:2 * D]
    Vs = qkv[:, 2 * D:]

    di = lax.broadcasted_iota(jnp.int32, (D, H), 0)
    hi = lax.broadcasted_iota(jnp.int32, (D, H), 1)
    G = jnp.where(di // dh == hi, f32(1.0), f32(0.0)).astype(bf16)
    hi2 = lax.broadcasted_iota(jnp.int32, (H, D), 0)
    di2 = lax.broadcasted_iota(jnp.int32, (H, D), 1)
    GT = jnp.where(di2 // dh == hi2, f32(1.0), f32(0.0)).astype(bf16)
    inv_sqrt_dh = f32(1.0 / np.sqrt(dh))

    s_cols = []
    for a in range(K):
        qa = qkv3[:, a, :D].reshape(R, 1, D)
        qa_exp = jnp.broadcast_to(qa, (R, K, D)).reshape(RK, D)
        prod = (qa_exp * Ks).astype(bf16)
        s_cols.append(jnp.dot(prod, G,
                              preferred_element_type=f32) * inv_sqrt_dh)
    S3 = jnp.concatenate(s_cols, axis=1).reshape(R, K, K * H)
    mx = jnp.max(S3, axis=1, keepdims=True)
    E3 = jnp.exp(S3 - mx)
    sm = jnp.sum(E3, axis=1, keepdims=True)
    attn = (E3 / sm).reshape(RK, K * H)

    ci = lax.broadcasted_iota(jnp.int32, (K * H, K), 0)
    ai = lax.broadcasted_iota(jnp.int32, (K * H, K), 1)
    Mavg = jnp.where(ci // H == ai, f32(1.0 / H), f32(0.0)).astype(bf16)
    wav = jnp.dot(attn.astype(bf16), Mavg,
                  preferred_element_type=f32)
    z = jnp.sum((wav * wcol_ref[...]).reshape(R, K, K), axis=1)
    s = 1.0 / (1.0 + jnp.exp(-(z + bw_ref[0, 0])))
    aw = s / jnp.sum(s, axis=1, keepdims=True)

    acc = jnp.zeros((R, D), f32)
    for a in range(K):
        w_exp = jnp.dot(attn[:, a * H:(a + 1) * H].astype(bf16), GT,
                        preferred_element_type=f32)
        out_a = jnp.sum((w_exp * Vs).reshape(R, K, D), axis=1)
        acc = acc + out_a * aw[:, a:a + 1]

    y_ref[...] = jnp.dot(acc.astype(bf16), woT_ref[...].astype(bf16),
                         preferred_element_type=f32)


def kernel(x, Wqkv, Wo, Ww, bw):
    B, N, D = x.shape
    K = _K
    R = 256 if N % 256 == 0 else N

    wqkvT = Wqkv.T
    woT = Wo.T
    ra = 128 if N % 128 == 0 else N
    wcol = jnp.tile(Ww.reshape(K, 1), (ra, 1))
    bwa = bw.reshape(1, 1)
    chunk = 128

    sc_gather = functools.partial(
        pl.kernel,
        out_type=jax.ShapeDtypeStruct((N * K, D), jnp.float32),
        mesh=plsc.VectorSubcoreMesh(core_axis_name="c", subcore_axis_name="s"),
        scratch_types=[
            pltpu.VMEM((chunk,), jnp.int32),
            pltpu.VMEM((chunk, D), jnp.float32),
            pltpu.SemaphoreType.DMA,
        ],
    )(_sc_gather)

    ys = []
    for b in range(B):
        xb3 = lax.slice(x, (b, 0, 0), (b + 1, N, D))
        idxf = pl.pallas_call(
            _knn_kernel,
            grid=(1, N // R),
            in_specs=[
                pl.BlockSpec((1, R, D), lambda g, r: (g, r, 0)),
                pl.BlockSpec((1, N, D), lambda g, r: (g, 0, 0)),
            ],
            out_specs=pl.BlockSpec((1, R, K), lambda g, r: (g, r, 0)),
            out_shape=jax.ShapeDtypeStruct((1, N, K), jnp.int32),
        )(xb3, xb3)
        xg2d = sc_gather(xb3.reshape(N, D), idxf.reshape(N * K))
        y2d = pl.pallas_call(
            _attn_kernel,
            grid=(N // ra,),
            in_specs=[
                pl.BlockSpec((ra * K, D), lambda r: (r, 0)),
                pl.BlockSpec((D, 3 * D), lambda r: (0, 0)),
                pl.BlockSpec((D, D), lambda r: (0, 0)),
                pl.BlockSpec((ra * K, 1), lambda r: (0, 0)),
                pl.BlockSpec((1, 1), lambda r: (0, 0)),
            ],
            out_specs=pl.BlockSpec((ra, D), lambda r: (r, 0)),
            out_shape=jax.ShapeDtypeStruct((N, D), jnp.float32),
        )(xg2d, wqkvT, woT, wcol, bwa)
        ys.append(y2d)
    return jnp.stack(ys, axis=0)

# --- scband reference (transcript-rebuilt; emitter-appended) ---
"""Pipeline reference for scband-smooth-mha-15960098472040 (READ-ONLY COPY).

The authoritative reference and input builder live on the scoring server;
editing this copy changes nothing except your own understanding.
"""

import jax, jax.numpy as jnp
import numpy as np

B, N, D, K, H = 4, 2048, 256, 16, 8

def setup_inputs(seed: int = 0) -> dict:
    key = jax.random.key(seed)
    ks = jax.random.split(key, 5)
    x = jax.random.normal(ks[0], (B, N, D), dtype=jnp.float32)
    Wqkv = jax.random.normal(ks[1], (3 * D, D), dtype=jnp.float32) * (1.0 / np.sqrt(D))
    Wo = jax.random.normal(ks[2], (D, D), dtype=jnp.float32) * (1.0 / np.sqrt(D))
    Ww = jax.random.normal(ks[3], (1, K), dtype=jnp.float32) * (1.0 / np.sqrt(K))
    bw = jnp.zeros((1,), dtype=jnp.float32)
    return {"x": x, "Wqkv": Wqkv, "Wo": Wo, "Ww": Ww, "bw": bw}

def _forward(x, Wqkv, Wo, Ww, bw):
    B_, N_, D_ = x.shape
    # knn_points(x, x, K): squared-distance kNN (includes self)
    sq = jnp.sum(x * x, axis=-1)
    d2 = sq[:, :, None] + sq[:, None, :] - 2.0 * jnp.einsum('bnd,bmd->bnm', x, x)
    _, idx = jax.lax.top_k(-d2, K)  # [B, N, K] indices of K nearest
    # knn_gather
    xg = jax.vmap(lambda xb, ib: xb[ib])(x, idx)  # [B, N, K, D]
    # TimeDistributed MHA over neighbor axis (eval mode, dropout off)
    M = B_ * N_
    t = xg.reshape(M, K, D_)
    qkv = jnp.einsum('mkd,ed->mke', t, Wqkv)  # in_proj, no bias
    q, k_, v = jnp.split(qkv, 3, axis=-1)
    dh = D_ // H
    def heads(a):
        return a.reshape(M, K, H, dh).transpose(0, 2, 1, 3)
    qh, kh, vh = heads(q), heads(k_), heads(v)
    scores = jnp.einsum('mhqd,mhkd->mhqk', qh, kh) / np.sqrt(dh)
    attn = jax.nn.softmax(scores, axis=-1)  # [M, H, K, K]
    out = jnp.einsum('mhqk,mhkd->mhqd', attn, vh)
    out = out.transpose(0, 2, 1, 3).reshape(M, K, D_)
    out = jnp.einsum('mkd,ed->mke', out, Wo)  # out_proj, no bias
    w_avg = jnp.mean(attn, axis=1)  # averaged attention weights [M, K, K]
    out = out.reshape(B_, N_, K, D_)
    w_avg = w_avg.reshape(B_, N_, K, K)
    # smoothing weights
    x_s = jax.nn.sigmoid(jnp.einsum('bnkj,oj->bnko', w_avg, Ww) + bw)  # [B, N, K, 1]
    aw = x_s / jnp.sum(x_s, axis=2, keepdims=True)
    y = jnp.sum(aw * out, axis=2)  # [B, N, D]
    return y

def reference(x, Wqkv, Wo, Ww, bw):
    return _forward(x, Wqkv, Wo, Ww, bw)

if __name__ == "__main__":
    import jax
    _d = setup_inputs()
    print(jax.jit(kernel)(*tuple(_d.values())))

</pallas_src>

<mosaic_0001>
#map = affine_map<(d0, d1) -> (0, 0)>
#map1 = affine_map<(d0, d1) -> (0)>
module attributes {stable_mosaic.version = 14 : i64} {
  func.func @_sc_gather(%arg0: i32, %arg1: i32, %arg2: memref<2048x256xf32, #tpu.memory_space<hbm>>, %arg3: memref<32768xi32, #tpu.memory_space<hbm>>, %arg4: memref<32768x256xf32, #tpu.memory_space<hbm>>, %arg5: memref<128xi32, #tpu.memory_space<vmem>>, %arg6: memref<128x256xf32, #tpu.memory_space<vmem>>, %arg7: memref<!tpu.dma_semaphore, #tpu.memory_space<semaphore_mem>>) attributes {dimension_semantics = [#tpu.dimension_semantics<core_parallel>, #tpu.dimension_semantics<subcore_parallel>], iteration_bounds = array<i64: 2, 16>, scalar_prefetch = 0 : i64, scratch_operands = 3 : i64, tpu.core_type = #tpu.core_type<sc_vector_subcore>, window_params = [{transform_indices = #map}, {transform_indices = #map1}, {transform_indices = #map}]} {
    %mul3A = arith.constant 2 : i32
    %mul3A_0 = arith.muli %arg1, %mul3A : i32
    %add3A = arith.addi %mul3A_0, %arg0 : i32
    %mul3A_1 = arith.constant 1024 : i32
    %mul3A_2 = arith.muli %add3A, %mul3A_1 : i32
    %scan3A = arith.constant 0 : i32
    %scan3A_3 = arith.constant 0 : i32
    %scan3A_4 = arith.constant 8 : i32
    %scan3A_5 = arith.addi %scan3A_3, %scan3A_4 : i32
    %scan3A_6 = arith.constant 1 : i32
    %scan3A_7 = scf.for %scan3A_9 = %scan3A_3 to %scan3A_5 step %scan3A_6 iter_args(%scan3A_10 = %scan3A) -> (i32)  : i32 {
      %mul3A_11 = arith.constant 128 : i32
      %mul3A_12 = arith.muli %scan3A_9, %mul3A_11 : i32
      %add3A_13 = arith.addi %mul3A_2, %mul3A_12 : i32
      "tpu.region"() ({
        %run_scoped3A = tpu.sem_alloc : memref<!tpu.dma_semaphore, #tpu.memory_space<semaphore_mem>>
        %dma_start3A_19 = tpu.memref_slice %arg3[%add3A_13] : memref<32768xi32, #tpu.memory_space<hbm>> -> memref<128xi32, #tpu.memory_space<hbm>>
        %dma_start3A_20 = tpu.memref_slice %arg3[%add3A_13] : memref<32768xi32, #tpu.memory_space<hbm>> -> memref<128xi32, #tpu.memory_space<hbm>>
        tpu.enqueue_dma source(%dma_start3A_20 : memref<128xi32, #tpu.memory_space<hbm>>) target(%arg5 : memref<128xi32, #tpu.memory_space<vmem>>) target_semaphore(%run_scoped3A : memref<!tpu.dma_semaphore, #tpu.memory_space<semaphore_mem>>)
        %dma_wait3A_21 = tpu.memref_slice %arg3[%add3A_13] : memref<32768xi32, #tpu.memory_space<hbm>> -> memref<128xi32, #tpu.memory_space<hbm>>
        %dma_wait3A_22 = tpu.memref_slice %arg3[%add3A_13] : memref<32768xi32, #tpu.memory_space<hbm>> -> memref<128xi32, #tpu.memory_space<hbm>>
        tpu.wait_dma2 semaphore(%run_scoped3A : memref<!tpu.dma_semaphore, #tpu.memory_space<semaphore_mem>>) src(%dma_wait3A_22 : memref<128xi32, #tpu.memory_space<hbm>>) dst(%arg5 : memref<128xi32, #tpu.memory_space<vmem>>)
        tpu.yield
      }) : () -> ()
      %dma_start3A = arith.constant 0 : i32
      %dma_start3A_14 = arith.constant 0 : i32
      %dma_start3A_15 = tpu.memref_slice %arg2[%dma_start3A, %dma_start3A_14] : memref<2048x256xf32, #tpu.memory_space<hbm>> -> memref<2048x256xf32, #tpu.memory_space<hbm>>
      tpu.enqueue_indirect_dma source(%dma_start3A_15 : memref<2048x256xf32, #tpu.memory_space<hbm>>) target(%arg6 : memref<128x256xf32, #tpu.memory_space<vmem>>) offsets(%arg5 : memref<128xi32, #tpu.memory_space<vmem>>) semaphore(%arg7 : memref<!tpu.dma_semaphore, #tpu.memory_space<semaphore_mem>>)
      %dma_wait3A = arith.constant 0 : i32
      %dma_wait3A_16 = arith.constant 0 : i32
      %dma_wait3A_17 = tpu.memref_slice %arg2[%dma_wait3A, %dma_wait3A_16] : memref<2048x256xf32, #tpu.memory_space<hbm>> -> memref<2048x256xf32, #tpu.memory_space<hbm>>
      tpu.wait_indirect_dma semaphore(%arg7 : memref<!tpu.dma_semaphore, #tpu.memory_space<semaphore_mem>>) src(%dma_wait3A_17 : memref<2048x256xf32, #tpu.memory_space<hbm>>) dst(%arg6 : memref<128x256xf32, #tpu.memory_space<vmem>>)
      "tpu.region"() ({
        %run_scoped3A = tpu.sem_alloc : memref<!tpu.dma_semaphore, #tpu.memory_space<semaphore_mem>>
        %dma_start3A_19 = arith.constant 0 : i32
        %dma_start3A_20 = tpu.memref_slice %arg4[%add3A_13, %dma_start3A_19] : memref<32768x256xf32, #tpu.memory_space<hbm>> -> memref<128x256xf32, #tpu.memory_space<hbm>>
        %dma_start3A_21 = arith.constant 0 : i32
        %dma_start3A_22 = tpu.memref_slice %arg4[%add3A_13, %dma_start3A_21] : memref<32768x256xf32, #tpu.memory_space<hbm>> -> memref<128x256xf32, #tpu.memory_space<hbm>>
        tpu.enqueue_dma source(%arg6 : memref<128x256xf32, #tpu.memory_space<vmem>>) target(%dma_start3A_22 : memref<128x256xf32, #tpu.memory_space<hbm>>) target_semaphore(%run_scoped3A : memref<!tpu.dma_semaphore, #tpu.memory_space<semaphore_mem>>)
        %dma_wait3A_23 = arith.constant 0 : i32
        %dma_wait3A_24 = tpu.memref_slice %arg4[%add3A_13, %dma_wait3A_23] : memref<32768x256xf32, #tpu.memory_space<hbm>> -> memref<128x256xf32, #tpu.memory_space<hbm>>
        %dma_wait3A_25 = arith.constant 0 : i32
        %dma_wait3A_26 = tpu.memref_slice %arg4[%add3A_13, %dma_wait3A_25] : memref<32768x256xf32, #tpu.memory_space<hbm>> -> memref<128x256xf32, #tpu.memory_space<hbm>>
        tpu.wait_dma2 semaphore(%run_scoped3A : memref<!tpu.dma_semaphore, #tpu.memory_space<semaphore_mem>>) src(%arg6 : memref<128x256xf32, #tpu.memory_space<vmem>>) dst(%dma_wait3A_26 : memref<128x256xf32, #tpu.memory_space<hbm>>)
        tpu.yield
      }) : () -> ()
      %scan3A_18 = arith.constant 0 : i32
      scf.yield %scan3A_18 : i32
    }
    %scan3A_8 = arith.constant 8 : i32
    return
  }
}

#map = affine_map<(d0, d1) -> (0, 0)>
#map1 = affine_map<(d0, d1) -> (0)>
module attributes {stable_mosaic.version = 14 : i64} {
  func.func @_sc_gather(%arg0: i32, %arg1: i32, %arg2: memref<2048x256xf32, #tpu.memory_space<hbm>>, %arg3: memref<32768xi32, #tpu.memory_space<hbm>>, %arg4: memref<32768x256xf32, #tpu.memory_space<hbm>>, %arg5: memref<128xi32, #tpu.memory_space<vmem>>, %arg6: memref<128x256xf32, #tpu.memory_space<vmem>>, %arg7: memref<!tpu.dma_semaphore, #tpu.memory_space<semaphore_mem>>) attributes {dimension_semantics = [#tpu.dimension_semantics<core_parallel>, #tpu.dimension_semantics<subcore_parallel>], iteration_bounds = array<i64: 2, 16>, scalar_prefetch = 0 : i64, scratch_operands = 3 : i64, tpu.core_type = #tpu.core_type<sc_vector_subcore>, window_params = [{transform_indices = #map}, {transform_indices = #map1}, {transform_indices = #map}]} {
    %mul3A = arith.constant 2 : i32
    %mul3A_0 = arith.muli %arg1, %mul3A : i32
    %add3A = arith.addi %mul3A_0, %arg0 : i32
    %mul3A_1 = arith.constant 1024 : i32
    %mul3A_2 = arith.muli %add3A, %mul3A_1 : i32
    %scan3A = arith.constant 0 : i32
    %scan3A_3 = arith.constant 0 : i32
    %scan3A_4 = arith.constant 8 : i32
    %scan3A_5 = arith.addi %scan3A_3, %scan3A_4 : i32
    %scan3A_6 = arith.constant 1 : i32
    %scan3A_7 = scf.for %scan3A_9 = %scan3A_3 to %scan3A_5 step %scan3A_6 iter_args(%scan3A_10 = %scan3A) -> (i32)  : i32 {
      %mul3A_11 = arith.constant 128 : i32
      %mul3A_12 = arith.muli %scan3A_9, %mul3A_11 : i32
      %add3A_13 = arith.addi %mul3A_2, %mul3A_12 : i32
      "tpu.region"() ({
        %run_scoped3A = tpu.sem_alloc : memref<!tpu.dma_semaphore, #tpu.memory_space<semaphore_mem>>
        %dma_start3A_19 = tpu.memref_slice %arg3[%add3A_13] : memref<32768xi32, #tpu.memory_space<hbm>> -> memref<128xi32, #tpu.memory_space<hbm>>
        %dma_start3A_20 = tpu.memref_slice %arg3[%add3A_13] : memref<32768xi32, #tpu.memory_space<hbm>> -> memref<128xi32, #tpu.memory_space<hbm>>
        tpu.enqueue_dma source(%dma_start3A_20 : memref<128xi32, #tpu.memory_space<hbm>>) target(%arg5 : memref<128xi32, #tpu.memory_space<vmem>>) target_semaphore(%run_scoped3A : memref<!tpu.dma_semaphore, #tpu.memory_space<semaphore_mem>>)
        %dma_wait3A_21 = tpu.memref_slice %arg3[%add3A_13] : memref<32768xi32, #tpu.memory_space<hbm>> -> memref<128xi32, #tpu.memory_space<hbm>>
        %dma_wait3A_22 = tpu.memref_slice %arg3[%add3A_13] : memref<32768xi32, #tpu.memory_space<hbm>> -> memref<128xi32, #tpu.memory_space<hbm>>
        tpu.wait_dma2 semaphore(%run_scoped3A : memref<!tpu.dma_semaphore, #tpu.memory_space<semaphore_mem>>) src(%dma_wait3A_22 : memref<128xi32, #tpu.memory_space<hbm>>) dst(%arg5 : memref<128xi32, #tpu.memory_space<vmem>>)
        tpu.yield
      }) : () -> ()
      %dma_start3A = arith.constant 0 : i32
      %dma_start3A_14 = arith.constant 0 : i32
      %dma_start3A_15 = tpu.memref_slice %arg2[%dma_start3A, %dma_start3A_14] : memref<2048x256xf32, #tpu.memory_space<hbm>> -> memref<2048x256xf32, #tpu.memory_space<hbm>>
      tpu.enqueue_indirect_dma source(%dma_start3A_15 : memref<2048x256xf32, #tpu.memory_space<hbm>>) target(%arg6 : memref<128x256xf32, #tpu.memory_space<vmem>>) offsets(%arg5 : memref<128xi32, #tpu.memory_space<vmem>>) semaphore(%arg7 : memref<!tpu.dma_semaphore, #tpu.memory_space<semaphore_mem>>)
      %dma_wait3A = arith.constant 0 : i32
      %dma_wait3A_16 = arith.constant 0 : i32
      %dma_wait3A_17 = tpu.memref_slice %arg2[%dma_wait3A, %dma_wait3A_16] : memref<2048x256xf32, #tpu.memory_space<hbm>> -> memref<2048x256xf32, #tpu.memory_space<hbm>>
      tpu.wait_indirect_dma semaphore(%arg7 : memref<!tpu.dma_semaphore, #tpu.memory_space<semaphore_mem>>) src(%dma_wait3A_17 : memref<2048x256xf32, #tpu.memory_space<hbm>>) dst(%arg6 : memref<128x256xf32, #tpu.memory_space<vmem>>)
      "tpu.region"() ({
        %run_scoped3A = tpu.sem_alloc : memref<!tpu.dma_semaphore, #tpu.memory_space<semaphore_mem>>
        %dma_start3A_19 = arith.constant 0 : i32
        %dma_start3A_20 = tpu.memref_slice %arg4[%add3A_13, %dma_start3A_19] : memref<32768x256xf32, #tpu.memory_space<hbm>> -> memref<128x256xf32, #tpu.memory_space<hbm>>
        %dma_start3A_21 = arith.constant 0 : i32
        %dma_start3A_22 = tpu.memref_slice %arg4[%add3A_13, %dma_start3A_21] : memref<32768x256xf32, #tpu.memory_space<hbm>> -> memref<128x256xf32, #tpu.memory_space<hbm>>
        tpu.enqueue_dma source(%arg6 : memref<128x256xf32, #tpu.memory_space<vmem>>) target(%dma_start3A_22 : memref<128x256xf32, #tpu.memory_space<hbm>>) target_semaphore(%run_scoped3A : memref<!tpu.dma_semaphore, #tpu.memory_space<semaphore_mem>>)
        %dma_wait3A_23 = arith.constant 0 : i32
        %dma_wait3A_24 = tpu.memref_slice %arg4[%add3A_13, %dma_wait3A_23] : memref<32768x256xf32, #tpu.memory_space<hbm>> -> memref<128x256xf32, #tpu.memory_space<hbm>>
        %dma_wait3A_25 = arith.constant 0 : i32
        %dma_wait3A_26 = tpu.memref_slice %arg4[%add3A_13, %dma_wait3A_25] : memref<32768x256xf32, #tpu.memory_space<hbm>> -> memref<128x256xf32, #tpu.memory_space<hbm>>
        tpu.wait_dma2 semaphore(%run_scoped3A : memref<!tpu.dma_semaphore, #tpu.memory_space<semaphore_mem>>) src(%arg6 : memref<128x256xf32, #tpu.memory_space<vmem>>) dst(%dma_wait3A_26 : memref<128x256xf32, #tpu.memory_space<hbm>>)
        tpu.yield
      }) : () -> ()
      %scan3A_18 = arith.constant 0 : i32
      scf.yield %scan3A_18 : i32
    }
    %scan3A_8 = arith.constant 8 : i32
    return
  }
}

#map = affine_map<(d0, d1) -> (0, 0)>
#map1 = affine_map<(d0, d1) -> (0)>
module attributes {stable_mosaic.version = 14 : i64} {
  func.func @_sc_gather(%arg0: i32, %arg1: i32, %arg2: memref<2048x256xf32, #tpu.memory_space<hbm>>, %arg3: memref<32768xi32, #tpu.memory_space<hbm>>, %arg4: memref<32768x256xf32, #tpu.memory_space<hbm>>, %arg5: memref<128xi32, #tpu.memory_space<vmem>>, %arg6: memref<128x256xf32, #tpu.memory_space<vmem>>, %arg7: memref<!tpu.dma_semaphore, #tpu.memory_space<semaphore_mem>>) attributes {dimension_semantics = [#tpu.dimension_semantics<core_parallel>, #tpu.dimension_semantics<subcore_parallel>], iteration_bounds = array<i64: 2, 16>, scalar_prefetch = 0 : i64, scratch_operands = 3 : i64, tpu.core_type = #tpu.core_type<sc_vector_subcore>, window_params = [{transform_indices = #map}, {transform_indices = #map1}, {transform_indices = #map}]} {
    %mul3A = arith.constant 2 : i32
    %mul3A_0 = arith.muli %arg1, %mul3A : i32
    %add3A = arith.addi %mul3A_0, %arg0 : i32
    %mul3A_1 = arith.constant 1024 : i32
    %mul3A_2 = arith.muli %add3A, %mul3A_1 : i32
    %scan3A = arith.constant 0 : i32
    %scan3A_3 = arith.constant 0 : i32
    %scan3A_4 = arith.constant 8 : i32
    %scan3A_5 = arith.addi %scan3A_3, %scan3A_4 : i32
    %scan3A_6 = arith.constant 1 : i32
    %scan3A_7 = scf.for %scan3A_9 = %scan3A_3 to %scan3A_5 step %scan3A_6 iter_args(%scan3A_10 = %scan3A) -> (i32)  : i32 {
      %mul3A_11 = arith.constant 128 : i32
      %mul3A_12 = arith.muli %scan3A_9, %mul3A_11 : i32
      %add3A_13 = arith.addi %mul3A_2, %mul3A_12 : i32
      "tpu.region"() ({
        %run_scoped3A = tpu.sem_alloc : memref<!tpu.dma_semaphore, #tpu.memory_space<semaphore_mem>>
        %dma_start3A_19 = tpu.memref_slice %arg3[%add3A_13] : memref<32768xi32, #tpu.memory_space<hbm>> -> memref<128xi32, #tpu.memory_space<hbm>>
        %dma_start3A_20 = tpu.memref_slice %arg3[%add3A_13] : memref<32768xi32, #tpu.memory_space<hbm>> -> memref<128xi32, #tpu.memory_space<hbm>>
        tpu.enqueue_dma source(%dma_start3A_20 : memref<128xi32, #tpu.memory_space<hbm>>) target(%arg5 : memref<128xi32, #tpu.memory_space<vmem>>) target_semaphore(%run_scoped3A : memref<!tpu.dma_semaphore, #tpu.memory_space<semaphore_mem>>)
        %dma_wait3A_21 = tpu.memref_slice %arg3[%add3A_13] : memref<32768xi32, #tpu.memory_space<hbm>> -> memref<128xi32, #tpu.memory_space<hbm>>
        %dma_wait3A_22 = tpu.memref_slice %arg3[%add3A_13] : memref<32768xi32, #tpu.memory_space<hbm>> -> memref<128xi32, #tpu.memory_space<hbm>>
        tpu.wait_dma2 semaphore(%run_scoped3A : memref<!tpu.dma_semaphore, #tpu.memory_space<semaphore_mem>>) src(%dma_wait3A_22 : memref<128xi32, #tpu.memory_space<hbm>>) dst(%arg5 : memref<128xi32, #tpu.memory_space<vmem>>)
        tpu.yield
      }) : () -> ()
      %dma_start3A = arith.constant 0 : i32
      %dma_start3A_14 = arith.constant 0 : i32
      %dma_start3A_15 = tpu.memref_slice %arg2[%dma_start3A, %dma_start3A_14] : memref<2048x256xf32, #tpu.memory_space<hbm>> -> memref<2048x256xf32, #tpu.memory_space<hbm>>
      tpu.enqueue_indirect_dma source(%dma_start3A_15 : memref<2048x256xf32, #tpu.memory_space<hbm>>) target(%arg6 : memref<128x256xf32, #tpu.memory_space<vmem>>) offsets(%arg5 : memref<128xi32, #tpu.memory_space<vmem>>) semaphore(%arg7 : memref<!tpu.dma_semaphore, #tpu.memory_space<semaphore_mem>>)
      %dma_wait3A = arith.constant 0 : i32
      %dma_wait3A_16 = arith.constant 0 : i32
      %dma_wait3A_17 = tpu.memref_slice %arg2[%dma_wait3A, %dma_wait3A_16] : memref<2048x256xf32, #tpu.memory_space<hbm>> -> memref<2048x256xf32, #tpu.memory_space<hbm>>
      tpu.wait_indirect_dma semaphore(%arg7 : memref<!tpu.dma_semaphore, #tpu.memory_space<semaphore_mem>>) src(%dma_wait3A_17 : memref<2048x256xf32, #tpu.memory_space<hbm>>) dst(%arg6 : memref<128x256xf32, #tpu.memory_space<vmem>>)
      "tpu.region"() ({
        %run_scoped3A = tpu.sem_alloc : memref<!tpu.dma_semaphore, #tpu.memory_space<semaphore_mem>>
        %dma_start3A_19 = arith.constant 0 : i32
        %dma_start3A_20 = tpu.memref_slice %arg4[%add3A_13, %dma_start3A_19] : memref<32768x256xf32, #tpu.memory_space<hbm>> -> memref<128x256xf32, #tpu.memory_space<hbm>>
        %dma_start3A_21 = arith.constant 0 : i32
        %dma_start3A_22 = tpu.memref_slice %arg4[%add3A_13, %dma_start3A_21] : memref<32768x256xf32, #tpu.memory_space<hbm>> -> memref<128x256xf32, #tpu.memory_space<hbm>>
        tpu.enqueue_dma source(%arg6 : memref<128x256xf32, #tpu.memory_space<vmem>>) target(%dma_start3A_22 : memref<128x256xf32, #tpu.memory_space<hbm>>) target_semaphore(%run_scoped3A : memref<!tpu.dma_semaphore, #tpu.memory_space<semaphore_mem>>)
        %dma_wait3A_23 = arith.constant 0 : i32
        %dma_wait3A_24 = tpu.memref_slice %arg4[%add3A_13, %dma_wait3A_23] : memref<32768x256xf32, #tpu.memory_space<hbm>> -> memref<128x256xf32, #tpu.memory_space<hbm>>
        %dma_wait3A_25 = arith.constant 0 : i32
        %dma_wait3A_26 = tpu.memref_slice %arg4[%add3A_13, %dma_wait3A_25] : memref<32768x256xf32, #tpu.memory_space<hbm>> -> memref<128x256xf32, #tpu.memory_space<hbm>>
        tpu.wait_dma2 semaphore(%run_scoped3A : memref<!tpu.dma_semaphore, #tpu.memory_space<semaphore_mem>>) src(%arg6 : memref<128x256xf32, #tpu.memory_space<vmem>>) dst(%dma_wait3A_26 : memref<128x256xf32, #tpu.memory_space<hbm>>)
        tpu.yield
      }) : () -> ()
      %scan3A_18 = arith.constant 0 : i32
      scf.yield %scan3A_18 : i32
    }
    %scan3A_8 = arith.constant 8 : i32
    return
  }
}

#map = affine_map<(d0, d1) -> (0, 0)>
#map1 = affine_map<(d0, d1) -> (0)>
module attributes {stable_mosaic.version = 14 : i64} {
  func.func @_sc_gather(%arg0: i32, %arg1: i32, %arg2: memref<2048x256xf32, #tpu.memory_space<hbm>>, %arg3: memref<32768xi32, #tpu.memory_space<hbm>>, %arg4: memref<32768x256xf32, #tpu.memory_space<hbm>>, %arg5: memref<128xi32, #tpu.memory_space<vmem>>, %arg6: memref<128x256xf32, #tpu.memory_space<vmem>>, %arg7: memref<!tpu.dma_semaphore, #tpu.memory_space<semaphore_mem>>) attributes {dimension_semantics = [#tpu.dimension_semantics<core_parallel>, #tpu.dimension_semantics<subcore_parallel>], iteration_bounds = array<i64: 2, 16>, scalar_prefetch = 0 : i64, scratch_operands = 3 : i64, tpu.core_type = #tpu.core_type<sc_vector_subcore>, window_params = [{transform_indices = #map}, {transform_indices = #map1}, {transform_indices = #map}]} {
    %mul3A = arith.constant 2 : i32
    %mul3A_0 = arith.muli %arg1, %mul3A : i32
    %add3A = arith.addi %mul3A_0, %arg0 : i32
    %mul3A_1 = arith.constant 1024 : i32
    %mul3A_2 = arith.muli %add3A, %mul3A_1 : i32
    %scan3A = arith.constant 0 : i32
    %scan3A_3 = arith.constant 0 : i32
    %scan3A_4 = arith.constant 8 : i32
    %scan3A_5 = arith.addi %scan3A_3, %scan3A_4 : i32
    %scan3A_6 = arith.constant 1 : i32
    %scan3A_7 = scf.for %scan3A_9 = %scan3A_3 to %scan3A_5 step %scan3A_6 iter_args(%scan3A_10 = %scan3A) -> (i32)  : i32 {
      %mul3A_11 = arith.constant 128 : i32
      %mul3A_12 = arith.muli %scan3A_9, %mul3A_11 : i32
      %add3A_13 = arith.addi %mul3A_2, %mul3A_12 : i32
      "tpu.region"() ({
        %run_scoped3A = tpu.sem_alloc : memref<!tpu.dma_semaphore, #tpu.memory_space<semaphore_mem>>
        %dma_start3A_19 = tpu.memref_slice %arg3[%add3A_13] : memref<32768xi32, #tpu.memory_space<hbm>> -> memref<128xi32, #tpu.memory_space<hbm>>
        %dma_start3A_20 = tpu.memref_slice %arg3[%add3A_13] : memref<32768xi32, #tpu.memory_space<hbm>> -> memref<128xi32, #tpu.memory_space<hbm>>
        tpu.enqueue_dma source(%dma_start3A_20 : memref<128xi32, #tpu.memory_space<hbm>>) target(%arg5 : memref<128xi32, #tpu.memory_space<vmem>>) target_semaphore(%run_scoped3A : memref<!tpu.dma_semaphore, #tpu.memory_space<semaphore_mem>>)
        %dma_wait3A_21 = tpu.memref_slice %arg3[%add3A_13] : memref<32768xi32, #tpu.memory_space<hbm>> -> memref<128xi32, #tpu.memory_space<hbm>>
        %dma_wait3A_22 = tpu.memref_slice %arg3[%add3A_13] : memref<32768xi32, #tpu.memory_space<hbm>> -> memref<128xi32, #tpu.memory_space<hbm>>
        tpu.wait_dma2 semaphore(%run_scoped3A : memref<!tpu.dma_semaphore, #tpu.memory_space<semaphore_mem>>) src(%dma_wait3A_22 : memref<128xi32, #tpu.memory_space<hbm>>) dst(%arg5 : memref<128xi32, #tpu.memory_space<vmem>>)
        tpu.yield
      }) : () -> ()
      %dma_start3A = arith.constant 0 : i32
      %dma_start3A_14 = arith.constant 0 : i32
      %dma_start3A_15 = tpu.memref_slice %arg2[%dma_start3A, %dma_start3A_14] : memref<2048x256xf32, #tpu.memory_space<hbm>> -> memref<2048x256xf32, #tpu.memory_space<hbm>>
      tpu.enqueue_indirect_dma source(%dma_start3A_15 : memref<2048x256xf32, #tpu.memory_space<hbm>>) target(%arg6 : memref<128x256xf32, #tpu.memory_space<vmem>>) offsets(%arg5 : memref<128xi32, #tpu.memory_space<vmem>>) semaphore(%arg7 : memref<!tpu.dma_semaphore, #tpu.memory_space<semaphore_mem>>)
      %dma_wait3A = arith.constant 0 : i32
      %dma_wait3A_16 = arith.constant 0 : i32
      %dma_wait3A_17 = tpu.memref_slice %arg2[%dma_wait3A, %dma_wait3A_16] : memref<2048x256xf32, #tpu.memory_space<hbm>> -> memref<2048x256xf32, #tpu.memory_space<hbm>>
      tpu.wait_indirect_dma semaphore(%arg7 : memref<!tpu.dma_semaphore, #tpu.memory_space<semaphore_mem>>) src(%dma_wait3A_17 : memref<2048x256xf32, #tpu.memory_space<hbm>>) dst(%arg6 : memref<128x256xf32, #tpu.memory_space<vmem>>)
      "tpu.region"() ({
        %run_scoped3A = tpu.sem_alloc : memref<!tpu.dma_semaphore, #tpu.memory_space<semaphore_mem>>
        %dma_start3A_19 = arith.constant 0 : i32
        %dma_start3A_20 = tpu.memref_slice %arg4[%add3A_13, %dma_start3A_19] : memref<32768x256xf32, #tpu.memory_space<hbm>> -> memref<128x256xf32, #tpu.memory_space<hbm>>
        %dma_start3A_21 = arith.constant 0 : i32
        %dma_start3A_22 = tpu.memref_slice %arg4[%add3A_13, %dma_start3A_21] : memref<32768x256xf32, #tpu.memory_space<hbm>> -> memref<128x256xf32, #tpu.memory_space<hbm>>
        tpu.enqueue_dma source(%arg6 : memref<128x256xf32, #tpu.memory_space<vmem>>) target(%dma_start3A_22 : memref<128x256xf32, #tpu.memory_space<hbm>>) target_semaphore(%run_scoped3A : memref<!tpu.dma_semaphore, #tpu.memory_space<semaphore_mem>>)
        %dma_wait3A_23 = arith.constant 0 : i32
        %dma_wait3A_24 = tpu.memref_slice %arg4[%add3A_13, %dma_wait3A_23] : memref<32768x256xf32, #tpu.memory_space<hbm>> -> memref<128x256xf32, #tpu.memory_space<hbm>>
        %dma_wait3A_25 = arith.constant 0 : i32
        %dma_wait3A_26 = tpu.memref_slice %arg4[%add3A_13, %dma_wait3A_25] : memref<32768x256xf32, #tpu.memory_space<hbm>> -> memref<128x256xf32, #tpu.memory_space<hbm>>
        tpu.wait_dma2 semaphore(%run_scoped3A : memref<!tpu.dma_semaphore, #tpu.memory_space<semaphore_mem>>) src(%arg6 : memref<128x256xf32, #tpu.memory_space<vmem>>) dst(%dma_wait3A_26 : memref<128x256xf32, #tpu.memory_space<hbm>>)
        tpu.yield
      }) : () -> ()
      %scan3A_18 = arith.constant 0 : i32
      scf.yield %scan3A_18 : i32
    }
    %scan3A_8 = arith.constant 8 : i32
    return
  }
}

module attributes {stable_mosaic.version = 14 : i64} {
  func.func @_knn_kernel(%arg0: i32, %arg1: i32, %arg2: memref<1x256x256xf32, #tpu.memory_space<vmem>>, %arg3: memref<1x2048x256xf32, #tpu.memory_space<vmem>>, %arg4: memref<1x256x16xi32, #tpu.memory_space<vmem>>) attributes {dimension_semantics = [#tpu.dimension_semantics<arbitrary>, #tpu.dimension_semantics<arbitrary>], iteration_bounds = array<i64: 1, 8>, scalar_prefetch = 0 : i64, scratch_operands = 0 : i64, tpu.core_type = #tpu.core_type<tc>, window_params = [{transform_indices = @transform_0, window_bounds = array<i64: 1, 256, 256>}, {transform_indices = @transform_1, window_bounds = array<i64: 1, 2048, 256>}, {transform_indices = @transform_2, window_bounds = array<i64: 1, 256, 16>}]} {
    %get3A = arith.constant 0 : index
    %get3A_0 = arith.constant 0 : index
    %get3A_1 = arith.constant 0 : index
    %get3A_2 = vector.load %arg3[%get3A, %get3A_0, %get3A_1] : memref<1x2048x256xf32, #tpu.memory_space<vmem>>, vector<1x2048x256xf32>
    %get3A_3 = vector.shape_cast %get3A_2 : vector<1x2048x256xf32> to vector<2048x256xf32>
    %get3A_4 = arith.constant 0 : index
    %get3A_5 = arith.constant 0 : index
    %get3A_6 = arith.constant 0 : index
    %get3A_7 = vector.load %arg2[%get3A_4, %get3A_5, %get3A_6] : memref<1x256x256xf32, #tpu.memory_space<vmem>>, vector<1x256x256xf32>
    %get3A_8 = vector.shape_cast %get3A_7 : vector<1x256x256xf32> to vector<256x256xf32>
    %mul3A = arith.mulf %get3A_3, %get3A_3 : vector<2048x256xf32>
    %broadcast_in_dim3A = arith.constant 1.000000e+00 : f32
    %broadcast_in_dim3A_9 = vector.broadcast %broadcast_in_dim3A : f32 to vector<1x256xf32>
    %dot_general3A = arith.constant dense<0.000000e+00> : vector<1x2048xf32>
    %dot_general3A_10 = tpu.matmul %broadcast_in_dim3A_9, %mul3A, %dot_general3A {dimension_numbers = #tpu.dot_dimension_numbers<[1], [1], [0], [0], [0, 0, 1, 0], [], []>, precision = #tpu.contract_precision<fp32>, transpose_lhs_hint = false} : vector<1x256xf32>, vector<2048x256xf32>, vector<1x2048xf32> -> vector<1x2048xf32>
    %convert_element_type3A = arith.truncf %get3A_8 : vector<256x256xf32> to vector<256x256xbf16>
    %convert_element_type3A_11 = arith.truncf %get3A_3 : vector<2048x256xf32> to vector<2048x256xbf16>
    %dot_general3A_12 = arith.constant dense<0.000000e+00> : vector<256x2048xf32>
    %dot_general3A_13 = tpu.matmul %convert_element_type3A, %convert_element_type3A_11, %dot_general3A_12 {dimension_numbers = #tpu.dot_dimension_numbers<[1], [1], [0], [0], [0, 0, 1, 0], [], []>, transpose_lhs_hint = false} : vector<256x256xbf16>, vector<2048x256xbf16>, vector<256x2048xf32> -> vector<256x2048xf32>
    %mul3A_14 = arith.constant 2.000000e+00 : f32
    %mul3A_15 = vector.broadcast %mul3A_14 : f32 to vector<256x2048xf32>
    %mul3A_16 = arith.mulf %mul3A_15, %dot_general3A_13 : vector<256x2048xf32>
    %sub3A = vector.broadcast %dot_general3A_10 : vector<1x2048xf32> to vector<256x2048xf32>
    %sub3A_17 = arith.subf %sub3A, %mul3A_16 : vector<256x2048xf32>
    %iota3A = tpu.iota {dimensions = array<i32: 1>} : vector<256x2048xi32>
    %reduce_min3A = arith.constant dense<0x7F800000> : vector<256xf32>
    %reduce_min3A_18 = vector.multi_reduction <minimumf>, %sub3A_17, %reduce_min3A [1] : vector<256x2048xf32> to vector<256xf32>
    %broadcast_in_dim3A_19 = vector.shape_cast %reduce_min3A_18 : vector<256xf32> to vector<256x1xf32>
    %le3A = vector.broadcast %broadcast_in_dim3A_19 : vector<256x1xf32> to vector<256x2048xf32>
    %le3A_20 = arith.cmpf ole, %sub3A_17, %le3A : vector<256x2048xf32>
    %jit3A = arith.constant 2048 : i32
    %broadcast_in_dim3A_21 = vector.broadcast %jit3A : i32 to vector<256x2048xi32>
    %select_n3A = arith.select %le3A_20, %iota3A, %broadcast_in_dim3A_21 : vector<256x2048xi1>, vector<256x2048xi32>
    %reduce_min3A_22 = arith.constant dense<2147483647> : vector<256xi32>
    %reduce_min3A_23 = vector.multi_reduction <minsi>, %select_n3A, %reduce_min3A_22 [1] : vector<256x2048xi32> to vector<256xi32>
    %broadcast_in_dim3A_24 = vector.shape_cast %reduce_min3A_23 : vector<256xi32> to vector<256x1xi32>
    %eq3A = vector.broadcast %broadcast_in_dim3A_24 : vector<256x1xi32> to vector<256x2048xi32>
    %eq3A_25 = arith.cmpi eq, %iota3A, %eq3A : vector<256x2048xi32>
    %jit3A_26 = arith.constant 0x7F800000 : f32
    %broadcast_in_dim3A_27 = vector.broadcast %jit3A_26 : f32 to vector<256x2048xf32>
    %select_n3A_28 = arith.select %eq3A_25, %broadcast_in_dim3A_27, %sub3A_17 : vector<256x2048xi1>, vector<256x2048xf32>
    %reduce_min3A_29 = arith.constant dense<0x7F800000> : vector<256xf32>
    %reduce_min3A_30 = vector.multi_reduction <minimumf>, %select_n3A_28, %reduce_min3A_29 [1] : vector<256x2048xf32> to vector<256xf32>
    %broadcast_in_dim3A_31 = vector.shape_cast %reduce_min3A_30 : vector<256xf32> to vector<256x1xf32>
    %le3A_32 = vector.broadcast %broadcast_in_dim3A_31 : vector<256x1xf32> to vector<256x2048xf32>
    %le3A_33 = arith.cmpf ole, %select_n3A_28, %le3A_32 : vector<256x2048xf32>
    %jit3A_34 = arith.constant 2048 : i32
    %broadcast_in_dim3A_35 = vector.broadcast %jit3A_34 : i32 to vector<256x2048xi32>
    %select_n3A_36 = arith.select %le3A_33, %iota3A, %broadcast_in_dim3A_35 : vector<256x2048xi1>, vector<256x2048xi32>
    %reduce_min3A_37 = arith.constant dense<2147483647> : vector<256xi32>
    %reduce_min3A_38 = vector.multi_reduction <minsi>, %select_n3A_36, %reduce_min3A_37 [1] : vector<256x2048xi32> to vector<256xi32>
    %broadcast_in_dim3A_39 = vector.shape_cast %reduce_min3A_38 : vector<256xi32> to vector<256x1xi32>
    %eq3A_40 = vector.broadcast %broadcast_in_dim3A_39 : vector<256x1xi32> to vector<256x2048xi32>
    %eq3A_41 = arith.cmpi eq, %iota3A, %eq3A_40 : vector<256x2048xi32>
    %jit3A_42 = arith.constant 0x7F800000 : f32
    %broadcast_in_dim3A_43 = vector.broadcast %jit3A_42 : f32 to vector<256x2048xf32>
    %select_n3A_44 = arith.select %eq3A_41, %broadcast_in_dim3A_43, %select_n3A_28 : vector<256x2048xi1>, vector<256x2048xf32>
    %reduce_min3A_45 = arith.constant dense<0x7F800000> : vector<256xf32>
    %reduce_min3A_46 = vector.multi_reduction <minimumf>, %select_n3A_44, %reduce_min3A_45 [1] : vector<256x2048xf32> to vector<256xf32>
    %broadcast_in_dim3A_47 = vector.shape_cast %reduce_min3A_46 : vector<256xf32> to vector<256x1xf32>
    %le3A_48 = vector.broadcast %broadcast_in_dim3A_47 : vector<256x1xf32> to vector<256x2048xf32>
    %le3A_49 = arith.cmpf ole, %select_n3A_44, %le3A_48 : vector<256x2048xf32>
    %jit3A_50 = arith.constant 2048 : i32
    %broadcast_in_dim3A_51 = vector.broadcast %jit3A_50 : i32 to vector<256x2048xi32>
    %select_n3A_52 = arith.select %le3A_49, %iota3A, %broadcast_in_dim3A_51 : vector<256x2048xi1>, vector<256x2048xi32>
    %reduce_min3A_53 = arith.constant dense<2147483647> : vector<256xi32>
    %reduce_min3A_54 = vector.multi_reduction <minsi>, %select_n3A_52, %reduce_min3A_53 [1] : vector<256x2048xi32> to vector<256xi32>
    %broadcast_in_dim3A_55 = vector.shape_cast %reduce_min3A_54 : vector<256xi32> to vector<256x1xi32>
    %eq3A_56 = vector.broadcast %broadcast_in_dim3A_55 : vector<256x1xi32> to vector<256x2048xi32>
    %eq3A_57 = arith.cmpi eq, %iota3A, %eq3A_56 : vector<256x2048xi32>
    %jit3A_58 = arith.constant 0x7F800000 : f32
    %broadcast_in_dim3A_59 = vector.broadcast %jit3A_58 : f32 to vector<256x2048xf32>
    %select_n3A_60 = arith.select %eq3A_57, %broadcast_in_dim3A_59, %select_n3A_44 : vector<256x2048xi1>, vector<256x2048xf32>
    %reduce_min3A_61 = arith.constant dense<0x7F800000> : vector<256xf32>
    %reduce_min3A_62 = vector.multi_reduction <minimumf>, %select_n3A_60, %reduce_min3A_61 [1] : vector<256x2048xf32> to vector<256xf32>
    %broadcast_in_dim3A_63 = vector.shape_cast %reduce_min3A_62 : vector<256xf32> to vector<256x1xf32>
    %le3A_64 = vector.broadcast %broadcast_in_dim3A_63 : vector<256x1xf32> to vector<256x2048xf32>
    %le3A_65 = arith.cmpf ole, %select_n3A_60, %le3A_64 : vector<256x2048xf32>
    %jit3A_66 = arith.constant 2048 : i32
    %broadcast_in_dim3A_67 = vector.broadcast %jit3A_66 : i32 to vector<256x2048xi32>
    %select_n3A_68 = arith.select %le3A_65, %iota3A, %broadcast_in_dim3A_67 : vector<256x2048xi1>, vector<256x2048xi32>
    %reduce_min3A_69 = arith.constant dense<2147483647> : vector<256xi32>
    %reduce_min3A_70 = vector.multi_reduction <minsi>, %select_n3A_68, %reduce_min3A_69 [1] : vector<256x2048xi32> to vector<256xi32>
    %broadcast_in_dim3A_71 = vector.shape_cast %reduce_min3A_70 : vector<256xi32> to vector<256x1xi32>
    %eq3A_72 = vector.broadcast %broadcast_in_dim3A_71 : vector<256x1xi32> to vector<256x2048xi32>
    %eq3A_73 = arith.cmpi eq, %iota3A, %eq3A_72 : vector<256x2048xi32>
    %jit3A_74 = arith.constant 0x7F800000 : f32
    %broadcast_in_dim3A_75 = vector.broadcast %jit3A_74 : f32 to vector<256x2048xf32>
    %select_n3A_76 = arith.select %eq3A_73, %broadcast_in_dim3A_75, %select_n3A_60 : vector<256x2048xi1>, vector<256x2048xf32>
    %reduce_min3A_77 = arith.constant dense<0x7F800000> : vector<256xf32>
    %reduce_min3A_78 = vector.multi_reduction <minimumf>, %select_n3A_76, %reduce_min3A_77 [1] : vector<256x2048xf32> to vector<256xf32>
    %broadcast_in_dim3A_79 = vector.shape_cast %reduce_min3A_78 : vector<256xf32> to vector<256x1xf32>
    %le3A_80 = vector.broadcast %broadcast_in_dim3A_79 : vector<256x1xf32> to vector<256x2048xf32>
    %le3A_81 = arith.cmpf ole, %select_n3A_76, %le3A_80 : vector<256x2048xf32>
    %jit3A_82 = arith.constant 2048 : i32
    %broadcast_in_dim3A_83 = vector.broadcast %jit3A_82 : i32 to vector<256x2048xi32>
    %select_n3A_84 = arith.select %le3A_81, %iota3A, %broadcast_in_dim3A_83 : vector<256x2048xi1>, vector<256x2048xi32>
    %reduce_min3A_85 = arith.constant dense<2147483647> : vector<256xi32>
    %reduce_min3A_86 = vector.multi_reduction <minsi>, %select_n3A_84, %reduce_min3A_85 [1] : vector<256x2048xi32> to vector<256xi32>
    %broadcast_in_dim3A_87 = vector.shape_cast %reduce_min3A_86 : vector<256xi32> to vector<256x1xi32>
    %eq3A_88 = vector.broadcast %broadcast_in_dim3A_87 : vector<256x1xi32> to vector<256x2048xi32>
    %eq3A_89 = arith.cmpi eq, %iota3A, %eq3A_88 : vector<256x2048xi32>
    %jit3A_90 = arith.constant 0x7F800000 : f32
    %broadcast_in_dim3A_91 = vector.broadcast %jit3A_90 : f32 to vector<256x2048xf32>
    %select_n3A_92 = arith.select %eq3A_89, %broadcast_in_dim3A_91, %select_n3A_76 : vector<256x2048xi1>, vector<256x2048xf32>
    %reduce_min3A_93 = arith.constant dense<0x7F800000> : vector<256xf32>
    %reduce_min3A_94 = vector.multi_reduction <minimumf>, %select_n3A_92, %reduce_min3A_93 [1] : vector<256x2048xf32> to vector<256xf32>
    %broadcast_in_dim3A_95 = vector.shape_cast %reduce_min3A_94 : vector<256xf32> to vector<256x1xf32>
    %le3A_96 = vector.broadcast %broadcast_in_dim3A_95 : vector<256x1xf32> to vector<256x2048xf32>
    %le3A_97 = arith.cmpf ole, %select_n3A_92, %le3A_96 : vector<256x2048xf32>
    %jit3A_98 = arith.constant 2048 : i32
    %broadcast_in_dim3A_99 = vector.broadcast %jit3A_98 : i32 to vector<256x2048xi32>
    %select_n3A_100 = arith.select %le3A_97, %iota3A, %broadcast_in_dim3A_99 : vector<256x2048xi1>, vector<256x2048xi32>
    %reduce_min3A_101 = arith.constant dense<2147483647> : vector<256xi32>
    %reduce_min3A_102 = vector.multi_reduction <minsi>, %select_n3A_100, %reduce_min3A_101 [1] : vector<256x2048xi32> to vector<256xi32>
    %broadcast_in_dim3A_103 = vector.shape_cast %reduce_min3A_102 : vector<256xi32> to vector<256x1xi32>
    %eq3A_104 = vector.broadcast %broadcast_in_dim3A_103 : vector<256x1xi32> to vector<256x2048xi32>
    %eq3A_105 = arith.cmpi eq, %iota3A, %eq3A_104 : vector<256x2048xi32>
    %jit3A_106 = arith.constant 0x7F800000 : f32
    %broadcast_in_dim3A_107 = vector.broadcast %jit3A_106 : f32 to vector<256x2048xf32>
    %select_n3A_108 = arith.select %eq3A_105, %broadcast_in_dim3A_107, %select_n3A_92 : vector<256x2048xi1>, vector<256x2048xf32>
    %reduce_min3A_109 = arith.constant dense<0x7F800000> : vector<256xf32>
    %reduce_min3A_110 = vector.multi_reduction <minimumf>, %select_n3A_108, %reduce_min3A_109 [1] : vector<256x2048xf32> to vector<256xf32>
    %broadcast_in_dim3A_111 = vector.shape_cast %reduce_min3A_110 : vector<256xf32> to vector<256x1xf32>
    %le3A_112 = vector.broadcast %broadcast_in_dim3A_111 : vector<256x1xf32> to vector<256x2048xf32>
    %le3A_113 = arith.cmpf ole, %select_n3A_108, %le3A_112 : vector<256x2048xf32>
    %jit3A_114 = arith.constant 2048 : i32
    %broadcast_in_dim3A_115 = vector.broadcast %jit3A_114 : i32 to vector<256x2048xi32>
    %select_n3A_116 = arith.select %le3A_113, %iota3A, %broadcast_in_dim3A_115 : vector<256x2048xi1>, vector<256x2048xi32>
    %reduce_min3A_117 = arith.constant dense<2147483647> : vector<256xi32>
    %reduce_min3A_118 = vector.multi_reduction <minsi>, %select_n3A_116, %reduce_min3A_117 [1] : vector<256x2048xi32> to vector<256xi32>
    %broadcast_in_dim3A_119 = vector.shape_cast %reduce_min3A_118 : vector<256xi32> to vector<256x1xi32>
    %eq3A_120 = vector.broadcast %broadcast_in_dim3A_119 : vector<256x1xi32> to vector<256x2048xi32>
    %eq3A_121 = arith.cmpi eq, %iota3A, %eq3A_120 : vector<256x2048xi32>
    %jit3A_122 = arith.constant 0x7F800000 : f32
    %broadcast_in_dim3A_123 = vector.broadcast %jit3A_122 : f32 to vector<256x2048xf32>
    %select_n3A_124 = arith.select %eq3A_121, %broadcast_in_dim3A_123, %select_n3A_108 : vector<256x2048xi1>, vector<256x2048xf32>
    %reduce_min3A_125 = arith.constant dense<0x7F800000> : vector<256xf32>
    %reduce_min3A_126 = vector.multi_reduction <minimumf>, %select_n3A_124, %reduce_min3A_125 [1] : vector<256x2048xf32> to vector<256xf32>
    %broadcast_in_dim3A_127 = vector.shape_cast %reduce_min3A_126 : vector<256xf32> to vector<256x1xf32>
    %le3A_128 = vector.broadcast %broadcast_in_dim3A_127 : vector<256x1xf32> to vector<256x2048xf32>
    %le3A_129 = arith.cmpf ole, %select_n3A_124, %le3A_128 : vector<256x2048xf32>
    %jit3A_130 = arith.constant 2048 : i32
    %broadcast_in_dim3A_131 = vector.broadcast %jit3A_130 : i32 to vector<256x2048xi32>
    %select_n3A_132 = arith.select %le3A_129, %iota3A, %broadcast_in_dim3A_131 : vector<256x2048xi1>, vector<256x2048xi32>
    %reduce_min3A_133 = arith.constant dense<2147483647> : vector<256xi32>
    %reduce_min3A_134 = vector.multi_reduction <minsi>, %select_n3A_132, %reduce_min3A_133 [1] : vector<256x2048xi32> to vector<256xi32>
    %broadcast_in_dim3A_135 = vector.shape_cast %reduce_min3A_134 : vector<256xi32> to vector<256x1xi32>
    %eq3A_136 = vector.broadcast %broadcast_in_dim3A_135 : vector<256x1xi32> to vector<256x2048xi32>
    %eq3A_137 = arith.cmpi eq, %iota3A, %eq3A_136 : vector<256x2048xi32>
    %jit3A_138 = arith.constant 0x7F800000 : f32
    %broadcast_in_dim3A_139 = vector.broadcast %jit3A_138 : f32 to vector<256x2048xf32>
    %select_n3A_140 = arith.select %eq3A_137, %broadcast_in_dim3A_139, %select_n3A_124 : vector<256x2048xi1>, vector<256x2048xf32>
    %reduce_min3A_141 = arith.constant dense<0x7F800000> : vector<256xf32>
    %reduce_min3A_142 = vector.multi_reduction <minimumf>, %select_n3A_140, %reduce_min3A_141 [1] : vector<256x2048xf32> to vector<256xf32>
    %broadcast_in_dim3A_143 = vector.shape_cast %reduce_min3A_142 : vector<256xf32> to vector<256x1xf32>
    %le3A_144 = vector.broadcast %broadcast_in_dim3A_143 : vector<256x1xf32> to vector<256x2048xf32>
    %le3A_145 = arith.cmpf ole, %select_n3A_140, %le3A_144 : vector<256x2048xf32>
    %jit3A_146 = arith.constant 2048 : i32
    %broadcast_in_dim3A_147 = vector.broadcast %jit3A_146 : i32 to vector<256x2048xi32>
    %select_n3A_148 = arith.select %le3A_145, %iota3A, %broadcast_in_dim3A_147 : vector<256x2048xi1>, vector<256x2048xi32>
    %reduce_min3A_149 = arith.constant dense<2147483647> : vector<256xi32>
    %reduce_min3A_150 = vector.multi_reduction <minsi>, %select_n3A_148, %reduce_min3A_149 [1] : vector<256x2048xi32> to vector<256xi32>
    %broadcast_in_dim3A_151 = vector.shape_cast %reduce_min3A_150 : vector<256xi32> to vector<256x1xi32>
    %eq3A_152 = vector.broadcast %broadcast_in_dim3A_151 : vector<256x1xi32> to vector<256x2048xi32>
    %eq3A_153 = arith.cmpi eq, %iota3A, %eq3A_152 : vector<256x2048xi32>
    %jit3A_154 = arith.constant 0x7F800000 : f32
    %broadcast_in_dim3A_155 = vector.broadcast %jit3A_154 : f32 to vector<256x2048xf32>
    %select_n3A_156 = arith.select %eq3A_153, %broadcast_in_dim3A_155, %select_n3A_140 : vector<256x2048xi1>, vector<256x2048xf32>
    %reduce_min3A_157 = arith.constant dense<0x7F800000> : vector<256xf32>
    %reduce_min3A_158 = vector.multi_reduction <minimumf>, %select_n3A_156, %reduce_min3A_157 [1] : vector<256x2048xf32> to vector<256xf32>
    %broadcast_in_dim3A_159 = vector.shape_cast %reduce_min3A_158 : vector<256xf32> to vector<256x1xf32>
    %le3A_160 = vector.broadcast %broadcast_in_dim3A_159 : vector<256x1xf32> to vector<256x2048xf32>
    %le3A_161 = arith.cmpf ole, %select_n3A_156, %le3A_160 : vector<256x2048xf32>
    %jit3A_162 = arith.constant 2048 : i32
    %broadcast_in_dim3A_163 = vector.broadcast %jit3A_162 : i32 to vector<256x2048xi32>
    %select_n3A_164 = arith.select %le3A_161, %iota3A, %broadcast_in_dim3A_163 : vector<256x2048xi1>, vector<256x2048xi32>
    %reduce_min3A_165 = arith.constant dense<2147483647> : vector<256xi32>
    %reduce_min3A_166 = vector.multi_reduction <minsi>, %select_n3A_164, %reduce_min3A_165 [1] : vector<256x2048xi32> to vector<256xi32>
    %broadcast_in_dim3A_167 = vector.shape_cast %reduce_min3A_166 : vector<256xi32> to vector<256x1xi32>
    %eq3A_168 = vector.broadcast %broadcast_in_dim3A_167 : vector<256x1xi32> to vector<256x2048xi32>
    %eq3A_169 = arith.cmpi eq, %iota3A, %eq3A_168 : vector<256x2048xi32>
    %jit3A_170 = arith.constant 0x7F800000 : f32
    %broadcast_in_dim3A_171 = vector.broadcast %jit3A_170 : f32 to vector<256x2048xf32>
    %select_n3A_172 = arith.select %eq3A_169, %broadcast_in_dim3A_171, %select_n3A_156 : vector<256x2048xi1>, vector<256x2048xf32>
    %reduce_min3A_173 = arith.constant dense<0x7F800000> : vector<256xf32>
    %reduce_min3A_174 = vector.multi_reduction <minimumf>, %select_n3A_172, %reduce_min3A_173 [1] : vector<256x2048xf32> to vector<256xf32>
    %broadcast_in_dim3A_175 = vector.shape_cast %reduce_min3A_174 : vector<256xf32> to vector<256x1xf32>
    %le3A_176 = vector.broadcast %broadcast_in_dim3A_175 : vector<256x1xf32> to vector<256x2048xf32>
    %le3A_177 = arith.cmpf ole, %select_n3A_172, %le3A_176 : vector<256x2048xf32>
    %jit3A_178 = arith.constant 2048 : i32
    %broadcast_in_dim3A_179 = vector.broadcast %jit3A_178 : i32 to vector<256x2048xi32>
    %select_n3A_180 = arith.select %le3A_177, %iota3A, %broadcast_in_dim3A_179 : vector<256x2048xi1>, vector<256x2048xi32>
    %reduce_min3A_181 = arith.constant dense<2147483647> : vector<256xi32>
    %reduce_min3A_182 = vector.multi_reduction <minsi>, %select_n3A_180, %reduce_min3A_181 [1] : vector<256x2048xi32> to vector<256xi32>
    %broadcast_in_dim3A_183 = vector.shape_cast %reduce_min3A_182 : vector<256xi32> to vector<256x1xi32>
    %eq3A_184 = vector.broadcast %broadcast_in_dim3A_183 : vector<256x1xi32> to vector<256x2048xi32>
    %eq3A_185 = arith.cmpi eq, %iota3A, %eq3A_184 : vector<256x2048xi32>
    %jit3A_186 = arith.constant 0x7F800000 : f32
    %broadcast_in_dim3A_187 = vector.broadcast %jit3A_186 : f32 to vector<256x2048xf32>
    %select_n3A_188 = arith.select %eq3A_185, %broadcast_in_dim3A_187, %select_n3A_172 : vector<256x2048xi1>, vector<256x2048xf32>
    %reduce_min3A_189 = arith.constant dense<0x7F800000> : vector<256xf32>
    %reduce_min3A_190 = vector.multi_reduction <minimumf>, %select_n3A_188, %reduce_min3A_189 [1] : vector<256x2048xf32> to vector<256xf32>
    %broadcast_in_dim3A_191 = vector.shape_cast %reduce_min3A_190 : vector<256xf32> to vector<256x1xf32>
    %le3A_192 = vector.broadcast %broadcast_in_dim3A_191 : vector<256x1xf32> to vector<256x2048xf32>
    %le3A_193 = arith.cmpf ole, %select_n3A_188, %le3A_192 : vector<256x2048xf32>
    %jit3A_194 = arith.constant 2048 : i32
    %broadcast_in_dim3A_195 = vector.broadcast %jit3A_194 : i32 to vector<256x2048xi32>
    %select_n3A_196 = arith.select %le3A_193, %iota3A, %broadcast_in_dim3A_195 : vector<256x2048xi1>, vector<256x2048xi32>
    %reduce_min3A_197 = arith.constant dense<2147483647> : vector<256xi32>
    %reduce_min3A_198 = vector.multi_reduction <minsi>, %select_n3A_196, %reduce_min3A_197 [1] : vector<256x2048xi32> to vector<256xi32>
    %broadcast_in_dim3A_199 = vector.shape_cast %reduce_min3A_198 : vector<256xi32> to vector<256x1xi32>
    %eq3A_200 = vector.broadcast %broadcast_in_dim3A_199 : vector<256x1xi32> to vector<256x2048xi32>
    %eq3A_201 = arith.cmpi eq, %iota3A, %eq3A_200 : vector<256x2048xi32>
    %jit3A_202 = arith.constant 0x7F800000 : f32
    %broadcast_in_dim3A_203 = vector.broadcast %jit3A_202 : f32 to vector<256x2048xf32>
    %select_n3A_204 = arith.select %eq3A_201, %broadcast_in_dim3A_203, %select_n3A_188 : vector<256x2048xi1>, vector<256x2048xf32>
    %reduce_min3A_205 = arith.constant dense<0x7F800000> : vector<256xf32>
    %reduce_min3A_206 = vector.multi_reduction <minimumf>, %select_n3A_204, %reduce_min3A_205 [1] : vector<256x2048xf32> to vector<256xf32>
    %broadcast_in_dim3A_207 = vector.shape_cast %reduce_min3A_206 : vector<256xf32> to vector<256x1xf32>
    %le3A_208 = vector.broadcast %broadcast_in_dim3A_207 : vector<256x1xf32> to vector<256x2048xf32>
    %le3A_209 = arith.cmpf ole, %select_n3A_204, %le3A_208 : vector<256x2048xf32>
    %jit3A_210 = arith.constant 2048 : i32
    %broadcast_in_dim3A_211 = vector.broadcast %jit3A_210 : i32 to vector<256x2048xi32>
    %select_n3A_212 = arith.select %le3A_209, %iota3A, %broadcast_in_dim3A_211 : vector<256x2048xi1>, vector<256x2048xi32>
    %reduce_min3A_213 = arith.constant dense<2147483647> : vector<256xi32>
    %reduce_min3A_214 = vector.multi_reduction <minsi>, %select_n3A_212, %reduce_min3A_213 [1] : vector<256x2048xi32> to vector<256xi32>
    %broadcast_in_dim3A_215 = vector.shape_cast %reduce_min3A_214 : vector<256xi32> to vector<256x1xi32>
    %eq3A_216 = vector.broadcast %broadcast_in_dim3A_215 : vector<256x1xi32> to vector<256x2048xi32>
    %eq3A_217 = arith.cmpi eq, %iota3A, %eq3A_216 : vector<256x2048xi32>
    %jit3A_218 = arith.constant 0x7F800000 : f32
    %broadcast_in_dim3A_219 = vector.broadcast %jit3A_218 : f32 to vector<256x2048xf32>
    %select_n3A_220 = arith.select %eq3A_217, %broadcast_in_dim3A_219, %select_n3A_204 : vector<256x2048xi1>, vector<256x2048xf32>
    %reduce_min3A_221 = arith.constant dense<0x7F800000> : vector<256xf32>
    %reduce_min3A_222 = vector.multi_reduction <minimumf>, %select_n3A_220, %reduce_min3A_221 [1] : vector<256x2048xf32> to vector<256xf32>
    %broadcast_in_dim3A_223 = vector.shape_cast %reduce_min3A_222 : vector<256xf32> to vector<256x1xf32>
    %le3A_224 = vector.broadcast %broadcast_in_dim3A_223 : vector<256x1xf32> to vector<256x2048xf32>
    %le3A_225 = arith.cmpf ole, %select_n3A_220, %le3A_224 : vector<256x2048xf32>
    %jit3A_226 = arith.constant 2048 : i32
    %broadcast_in_dim3A_227 = vector.broadcast %jit3A_226 : i32 to vector<256x2048xi32>
    %select_n3A_228 = arith.select %le3A_225, %iota3A, %broadcast_in_dim3A_227 : vector<256x2048xi1>, vector<256x2048xi32>
    %reduce_min3A_229 = arith.constant dense<2147483647> : vector<256xi32>
    %reduce_min3A_230 = vector.multi_reduction <minsi>, %select_n3A_228, %reduce_min3A_229 [1] : vector<256x2048xi32> to vector<256xi32>
    %broadcast_in_dim3A_231 = vector.shape_cast %reduce_min3A_230 : vector<256xi32> to vector<256x1xi32>
    %eq3A_232 = vector.broadcast %broadcast_in_dim3A_231 : vector<256x1xi32> to vector<256x2048xi32>
    %eq3A_233 = arith.cmpi eq, %iota3A, %eq3A_232 : vector<256x2048xi32>
    %jit3A_234 = arith.constant 0x7F800000 : f32
    %broadcast_in_dim3A_235 = vector.broadcast %jit3A_234 : f32 to vector<256x2048xf32>
    %select_n3A_236 = arith.select %eq3A_233, %broadcast_in_dim3A_235, %select_n3A_220 : vector<256x2048xi1>, vector<256x2048xf32>
    %reduce_min3A_237 = arith.constant dense<0x7F800000> : vector<256xf32>
    %reduce_min3A_238 = vector.multi_reduction <minimumf>, %select_n3A_236, %reduce_min3A_237 [1] : vector<256x2048xf32> to vector<256xf32>
    %broadcast_in_dim3A_239 = vector.shape_cast %reduce_min3A_238 : vector<256xf32> to vector<256x1xf32>
    %le3A_240 = vector.broadcast %broadcast_in_dim3A_239 : vector<256x1xf32> to vector<256x2048xf32>
    %le3A_241 = arith.cmpf ole, %select_n3A_236, %le3A_240 : vector<256x2048xf32>
    %jit3A_242 = arith.constant 2048 : i32
    %broadcast_in_dim3A_243 = vector.broadcast %jit3A_242 : i32 to vector<256x2048xi32>
    %select_n3A_244 = arith.select %le3A_241, %iota3A, %broadcast_in_dim3A_243 : vector<256x2048xi1>, vector<256x2048xi32>
    %reduce_min3A_245 = arith.constant dense<2147483647> : vector<256xi32>
    %reduce_min3A_246 = vector.multi_reduction <minsi>, %select_n3A_244, %reduce_min3A_245 [1] : vector<256x2048xi32> to vector<256xi32>
    %broadcast_in_dim3A_247 = vector.shape_cast %reduce_min3A_246 : vector<256xi32> to vector<256x1xi32>
    %eq3A_248 = vector.broadcast %broadcast_in_dim3A_247 : vector<256x1xi32> to vector<256x2048xi32>
    %eq3A_249 = arith.cmpi eq, %iota3A, %eq3A_248 : vector<256x2048xi32>
    %jit3A_250 = arith.constant 0x7F800000 : f32
    %broadcast_in_dim3A_251 = vector.broadcast %jit3A_250 : f32 to vector<256x2048xf32>
    %select_n3A_252 = arith.select %eq3A_249, %broadcast_in_dim3A_251, %select_n3A_236 : vector<256x2048xi1>, vector<256x2048xf32>
    %reduce_min3A_253 = arith.constant dense<0x7F800000> : vector<256xf32>
    %reduce_min3A_254 = vector.multi_reduction <minimumf>, %select_n3A_252, %reduce_min3A_253 [1] : vector<256x2048xf32> to vector<256xf32>
    %broadcast_in_dim3A_255 = vector.shape_cast %reduce_min3A_254 : vector<256xf32> to vector<256x1xf32>
    %le3A_256 = vector.broadcast %broadcast_in_dim3A_255 : vector<256x1xf32> to vector<256x2048xf32>
    %le3A_257 = arith.cmpf ole, %select_n3A_252, %le3A_256 : vector<256x2048xf32>
    %jit3A_258 = arith.constant 2048 : i32
    %broadcast_in_dim3A_259 = vector.broadcast %jit3A_258 : i32 to vector<256x2048xi32>
    %select_n3A_260 = arith.select %le3A_257, %iota3A, %broadcast_in_dim3A_259 : vector<256x2048xi1>, vector<256x2048xi32>
    %reduce_min3A_261 = arith.constant dense<2147483647> : vector<256xi32>
    %reduce_min3A_262 = vector.multi_reduction <minsi>, %select_n3A_260, %reduce_min3A_261 [1] : vector<256x2048xi32> to vector<256xi32>
    %broadcast_in_dim3A_263 = vector.shape_cast %reduce_min3A_262 : vector<256xi32> to vector<256x1xi32>
    %mul3A_264 = arith.constant 2048 : i32
    %mul3A_265 = arith.muli %arg0, %mul3A_264 : i32
    %concatenate3A = tpu.concatenate %broadcast_in_dim3A_24, %broadcast_in_dim3A_39, %broadcast_in_dim3A_55, %broadcast_in_dim3A_71, %broadcast_in_dim3A_87, %broadcast_in_dim3A_103, %broadcast_in_dim3A_119, %broadcast_in_dim3A_135, %broadcast_in_dim3A_151, %broadcast_in_dim3A_167, %broadcast_in_dim3A_183, %broadcast_in_dim3A_199, %broadcast_in_dim3A_215, %broadcast_in_dim3A_231, %broadcast_in_dim3A_247, %broadcast_in_dim3A_263 in 1 : vector<256x1xi32>, vector<256x1xi32>, vector<256x1xi32>, vector<256x1xi32>, vector<256x1xi32>, vector<256x1xi32>, vector<256x1xi32>, vector<256x1xi32>, vector<256x1xi32>, vector<256x1xi32>, vector<256x1xi32>, vector<256x1xi32>, vector<256x1xi32>, vector<256x1xi32>, vector<256x1xi32>, vector<256x1xi32> -> vector<256x16xi32>
    %add3A = vector.broadcast %mul3A_265 : i32 to vector<256x16xi32>
    %add3A_266 = arith.addi %concatenate3A, %add3A : vector<256x16xi32>
    %swap3A = arith.constant 0 : index
    %swap3A_267 = arith.constant 0 : index
    %swap3A_268 = arith.constant 0 : index
    %swap3A_269 = vector.load %arg4[%swap3A, %swap3A_267, %swap3A_268] : memref<1x256x16xi32, #tpu.memory_space<vmem>>, vector<1x256x16xi32>
    %swap3A_270 = vector.shape_cast %swap3A_269 : vector<1x256x16xi32> to vector<256x16xi32>
    %swap3A_271 = vector.shape_cast %add3A_266 : vector<256x16xi32> to vector<1x256x16xi32>
    tpu.vector_store %arg4[%swap3A, %swap3A_267, %swap3A_268], %swap3A_271 {strides = array<i32>} : memref<1x256x16xi32, #tpu.memory_space<vmem>>, vector<1x256x16xi32>,
    return
  }
  func.func @transform_0(%arg0: i32, %arg1: i32) -> (i32, i32, i32) {
    %c0_i32 = arith.constant 0 : i32
    %c0_i32_0 = arith.constant 0 : i32
    return %arg0, %arg1, %c0_i32 : i32, i32, i32
  }
  func.func @transform_1(%arg0: i32, %arg1: i32) -> (i32, i32, i32) {
    %c0_i32 = arith.constant 0 : i32
    %c0_i32_0 = arith.constant 0 : i32
    %c0_i32_1 = arith.constant 0 : i32
    return %arg0, %c0_i32, %c0_i32_0 : i32, i32, i32
  }
  func.func @transform_2(%arg0: i32, %arg1: i32) -> (i32, i32, i32) {
    %c0_i32 = arith.constant 0 : i32
    %c0_i32_0 = arith.constant 0 : i32
    return %arg0, %arg1, %c0_i32 : i32, i32, i32
  }
}

module attributes {stable_mosaic.version = 14 : i64} {
  func.func @_attn_kernel(%arg0: i32, %arg1: memref<2048x256xf32, #tpu.memory_space<vmem>>, %arg2: memref<256x768xf32, #tpu.memory_space<vmem>>, %arg3: memref<256x256xf32, #tpu.memory_space<vmem>>, %arg4: memref<2048x1xf32, #tpu.memory_space<vmem>>, %arg5: memref<1x1xf32, #tpu.memory_space<vmem>>, %arg6: memref<128x256xf32, #tpu.memory_space<vmem>>) attributes {dimension_semantics = [#tpu.dimension_semantics<arbitrary>], iteration_bounds = array<i64: 16>, scalar_prefetch = 0 : i64, scratch_operands = 0 : i64, tpu.core_type = #tpu.core_type<tc>, window_params = [{transform_indices = @transform_0, window_bounds = array<i64: 2048, 256>}, {pipeline_mode = #tpu.pipeline_mode<synchronous>, transform_indices = @transform_1, window_bounds = array<i64: 256, 768>}, {pipeline_mode = #tpu.pipeline_mode<synchronous>, transform_indices = @transform_2, window_bounds = array<i64: 256, 256>}, {pipeline_mode = #tpu.pipeline_mode<synchronous>, transform_indices = @transform_3, window_bounds = array<i64: 2048, 1>}, {pipeline_mode = #tpu.pipeline_mode<synchronous>, transform_indices = @transform_4, window_bounds = array<i64: 1, 1>}, {transform_indices = @transform_5, window_bounds = array<i64: 128, 256>}]} {
    %get3A = arith.constant 0 : index
    %get3A_0 = arith.constant 0 : index
    %get3A_1 = vector.load %arg2[%get3A, %get3A_0] : memref<256x768xf32, #tpu.memory_space<vmem>>, vector<256x768xf32>
    %convert_element_type3A = arith.truncf %get3A_1 : vector<256x768xf32> to vector<256x768xbf16>
    %get3A_2 = arith.constant 0 : index
    %get3A_3 = arith.constant 0 : index
    %get3A_4 = vector.load %arg1[%get3A_2, %get3A_3] : memref<2048x256xf32, #tpu.memory_space<vmem>>, vector<2048x256xf32>
    %convert_element_type3A_5 = arith.truncf %get3A_4 : vector<2048x256xf32> to vector<2048x256xbf16>
    %dot_general3A = arith.constant dense<0.000000e+00> : vector<2048x768xf32>
    %dot_general3A_6 = tpu.matmul %convert_element_type3A_5, %convert_element_type3A, %dot_general3A {dimension_numbers = #tpu.dot_dimension_numbers<[1], [0], [0], [1], [0, 0, 1, 1], [], []>, transpose_lhs_hint = false} : vector<2048x256xbf16>, vector<256x768xbf16>, vector<2048x768xf32> -> vector<2048x768xf32>
    %reshape3A = vector.shape_cast %dot_general3A_6 : vector<2048x768xf32> to vector<128x16x768xf32>
    %slice3A = vector.extract_strided_slice %dot_general3A_6 {offsets = [0, 256], sizes = [2048, 256], strides = [1, 1]} : vector<2048x768xf32> to vector<2048x256xf32>
    %slice3A_7 = vector.extract_strided_slice %dot_general3A_6 {offsets = [0, 512], sizes = [2048, 256], strides = [1, 1]} : vector<2048x768xf32> to vector<2048x256xf32>
    %iota3A = tpu.iota {dimensions = array<i32: 0>} : vector<256x8xi32>
    %iota3A_8 = tpu.iota {dimensions = array<i32: 1>} : vector<256x8xi32>
    %jit3A = arith.constant 32 : i32
    %div3A = vector.broadcast %jit3A : i32 to vector<256x8xi32>
    %div3A_9 = arith.divsi %iota3A, %div3A : vector<256x8xi32>
    %sign3A = arith.constant 0 : i32
    %sign3A_10 = vector.broadcast %sign3A : i32 to vector<256x8xi32>
    %sign3A_11 = arith.cmpi sgt, %iota3A, %sign3A_10 : vector<256x8xi32>
    %sign3A_12 = arith.extui %sign3A_11 : vector<256x8xi1> to vector<256x8xi32>
    %sign3A_13 = arith.constant 0 : i32
    %sign3A_14 = vector.broadcast %sign3A_13 : i32 to vector<256x8xi32>
    %sign3A_15 = arith.cmpi slt, %iota3A, %sign3A_14 : vector<256x8xi32>
    %sign3A_16 = arith.extui %sign3A_15 : vector<256x8xi1> to vector<256x8xi32>
    %sign3A_17 = arith.subi %sign3A_12, %sign3A_16 : vector<256x8xi32>
    %sign3A_18 = arith.constant 0 : i32
    %sign3A_19 = arith.cmpi sgt, %jit3A, %sign3A_18 : i32
    %sign3A_20 = arith.extui %sign3A_19 : i1 to i32
    %sign3A_21 = arith.constant 0 : i32
    %sign3A_22 = arith.cmpi slt, %jit3A, %sign3A_21 : i32
    %sign3A_23 = arith.extui %sign3A_22 : i1 to i32
    %sign3A_24 = arith.subi %sign3A_20, %sign3A_23 : i32
    %ne3A = vector.broadcast %sign3A_24 : i32 to vector<256x8xi32>
    %ne3A_25 = arith.cmpi ne, %sign3A_17, %ne3A : vector<256x8xi32>
    %rem3A = vector.broadcast %jit3A : i32 to vector<256x8xi32>
    %rem3A_26 = arith.remsi %iota3A, %rem3A : vector<256x8xi32>
    %ne3A_27 = arith.constant 0 : i32
    %ne3A_28 = vector.broadcast %ne3A_27 : i32 to vector<256x8xi32>
    %ne3A_29 = arith.cmpi ne, %rem3A_26, %ne3A_28 : vector<256x8xi32>
    %and3A = arith.andi %ne3A_25, %ne3A_29 : vector<256x8xi1>
    %sub3A = arith.constant 1 : i32
    %sub3A_30 = vector.broadcast %sub3A : i32 to vector<256x8xi32>
    %sub3A_31 = arith.subi %div3A_9, %sub3A_30 : vector<256x8xi32>
    %select_n3A = arith.select %and3A, %sub3A_31, %div3A_9 : vector<256x8xi1>, vector<256x8xi32>
    %eq3A = arith.cmpi eq, %select_n3A, %iota3A_8 : vector<256x8xi32>
    %jit3A_32 = arith.constant 1.000000e+00 : f32
    %jit3A_33 = arith.constant 0.000000e+00 : f32
    %broadcast_in_dim3A = vector.broadcast %jit3A_32 : f32 to vector<256x8xf32>
    %broadcast_in_dim3A_34 = vector.broadcast %jit3A_33 : f32 to vector<256x8xf32>
    %select_n3A_35 = arith.select %eq3A, %broadcast_in_dim3A, %broadcast_in_dim3A_34 : vector<256x8xi1>, vector<256x8xf32>
    %convert_element_type3A_36 = arith.truncf %select_n3A_35 : vector<256x8xf32> to vector<256x8xbf16>
    %iota3A_37 = tpu.iota {dimensions = array<i32: 0>} : vector<8x256xi32>
    %iota3A_38 = tpu.iota {dimensions = array<i32: 1>} : vector<8x256xi32>
    %jit3A_39 = arith.constant 32 : i32
    %div3A_40 = vector.broadcast %jit3A_39 : i32 to vector<8x256xi32>
    %div3A_41 = arith.divsi %iota3A_38, %div3A_40 : vector<8x256xi32>
    %sign3A_42 = arith.constant 0 : i32
    %sign3A_43 = vector.broadcast %sign3A_42 : i32 to vector<8x256xi32>
    %sign3A_44 = arith.cmpi sgt, %iota3A_38, %sign3A_43 : vector<8x256xi32>
    %sign3A_45 = arith.extui %sign3A_44 : vector<8x256xi1> to vector<8x256xi32>
    %sign3A_46 = arith.constant 0 : i32
    %sign3A_47 = vector.broadcast %sign3A_46 : i32 to vector<8x256xi32>
    %sign3A_48 = arith.cmpi slt, %iota3A_38, %sign3A_47 : vector<8x256xi32>
    %sign3A_49 = arith.extui %sign3A_48 : vector<8x256xi1> to vector<8x256xi32>
    %sign3A_50 = arith.subi %sign3A_45, %sign3A_49 : vector<8x256xi32>
    %sign3A_51 = arith.constant 0 : i32
    %sign3A_52 = arith.cmpi sgt, %jit3A_39, %sign3A_51 : i32
    %sign3A_53 = arith.extui %sign3A_52 : i1 to i32
    %sign3A_54 = arith.constant 0 : i32
    %sign3A_55 = arith.cmpi slt, %jit3A_39, %sign3A_54 : i32
    %sign3A_56 = arith.extui %sign3A_55 : i1 to i32
    %sign3A_57 = arith.subi %sign3A_53, %sign3A_56 : i32
    %ne3A_58 = vector.broadcast %sign3A_57 : i32 to vector<8x256xi32>
    %ne3A_59 = arith.cmpi ne, %sign3A_50, %ne3A_58 : vector<8x256xi32>
    %rem3A_60 = vector.broadcast %jit3A_39 : i32 to vector<8x256xi32>
    %rem3A_61 = arith.remsi %iota3A_38, %rem3A_60 : vector<8x256xi32>
    %ne3A_62 = arith.constant 0 : i32
    %ne3A_63 = vector.broadcast %ne3A_62 : i32 to vector<8x256xi32>
    %ne3A_64 = arith.cmpi ne, %rem3A_61, %ne3A_63 : vector<8x256xi32>
    %and3A_65 = arith.andi %ne3A_59, %ne3A_64 : vector<8x256xi1>
    %sub3A_66 = arith.constant 1 : i32
    %sub3A_67 = vector.broadcast %sub3A_66 : i32 to vector<8x256xi32>
    %sub3A_68 = arith.subi %div3A_41, %sub3A_67 : vector<8x256xi32>
    %select_n3A_69 = arith.select %and3A_65, %sub3A_68, %div3A_41 : vector<8x256xi1>, vector<8x256xi32>
    %eq3A_70 = arith.cmpi eq, %select_n3A_69, %iota3A_37 : vector<8x256xi32>
    %jit3A_71 = arith.constant 1.000000e+00 : f32
    %jit3A_72 = arith.constant 0.000000e+00 : f32
    %broadcast_in_dim3A_73 = vector.broadcast %jit3A_71 : f32 to vector<8x256xf32>
    %broadcast_in_dim3A_74 = vector.broadcast %jit3A_72 : f32 to vector<8x256xf32>
    %select_n3A_75 = arith.select %eq3A_70, %broadcast_in_dim3A_73, %broadcast_in_dim3A_74 : vector<8x256xi1>, vector<8x256xf32>
    %convert_element_type3A_76 = arith.truncf %select_n3A_75 : vector<8x256xf32> to vector<8x256xbf16>
    %slice3A_77 = vector.extract_strided_slice %reshape3A {offsets = [0, 0, 0], sizes = [128, 1, 256], strides = [1, 1, 1]} : vector<128x16x768xf32> to vector<128x1x256xf32>
    %squeeze3A = vector.shape_cast %slice3A_77 : vector<128x1x256xf32> to vector<128x256xf32>
    %reshape3A_78 = vector.shape_cast %squeeze3A : vector<128x256xf32> to vector<128x1x256xf32>
    %broadcast_in_dim3A_79 = vector.shape_cast %reshape3A_78 : vector<128x1x256xf32> to vector<128x1x256xf32>
    %broadcast_in_dim3A_80 = vector.broadcast %broadcast_in_dim3A_79 : vector<128x1x256xf32> to vector<128x16x256xf32>
    %reshape3A_81 = vector.shape_cast %broadcast_in_dim3A_80 : vector<128x16x256xf32> to vector<2048x256xf32>
    %mul3A = arith.mulf %reshape3A_81, %slice3A : vector<2048x256xf32>
    %convert_element_type3A_82 = arith.truncf %mul3A : vector<2048x256xf32> to vector<2048x256xbf16>
    %dot_general3A_83 = arith.constant dense<0.000000e+00> : vector<2048x8xf32>
    %dot_general3A_84 = tpu.matmul %convert_element_type3A_82, %convert_element_type3A_36, %dot_general3A_83 {dimension_numbers = #tpu.dot_dimension_numbers<[1], [0], [0], [1], [0, 0, 1, 1], [], []>, transpose_lhs_hint = false} : vector<2048x256xbf16>, vector<256x8xbf16>, vector<2048x8xf32> -> vector<2048x8xf32>
    %mul3A_85 = arith.constant 0.176776692 : f32
    %mul3A_86 = vector.broadcast %mul3A_85 : f32 to vector<2048x8xf32>
    %mul3A_87 = arith.mulf %dot_general3A_84, %mul3A_86 : vector<2048x8xf32>
    %slice3A_88 = vector.extract_strided_slice %reshape3A {offsets = [0, 1, 0], sizes = [128, 1, 256], strides = [1, 1, 1]} : vector<128x16x768xf32> to vector<128x1x256xf32>
    %squeeze3A_89 = vector.shape_cast %slice3A_88 : vector<128x1x256xf32> to vector<128x256xf32>
    %reshape3A_90 = vector.shape_cast %squeeze3A_89 : vector<128x256xf32> to vector<128x1x256xf32>
    %broadcast_in_dim3A_91 = vector.shape_cast %reshape3A_90 : vector<128x1x256xf32> to vector<128x1x256xf32>
    %broadcast_in_dim3A_92 = vector.broadcast %broadcast_in_dim3A_91 : vector<128x1x256xf32> to vector<128x16x256xf32>
    %reshape3A_93 = vector.shape_cast %broadcast_in_dim3A_92 : vector<128x16x256xf32> to vector<2048x256xf32>
    %mul3A_94 = arith.mulf %reshape3A_93, %slice3A : vector<2048x256xf32>
    %convert_element_type3A_95 = arith.truncf %mul3A_94 : vector<2048x256xf32> to vector<2048x256xbf16>
    %dot_general3A_96 = arith.constant dense<0.000000e+00> : vector<2048x8xf32>
    %dot_general3A_97 = tpu.matmul %convert_element_type3A_95, %convert_element_type3A_36, %dot_general3A_96 {dimension_numbers = #tpu.dot_dimension_numbers<[1], [0], [0], [1], [0, 0, 1, 1], [], []>, transpose_lhs_hint = false} : vector<2048x256xbf16>, vector<256x8xbf16>, vector<2048x8xf32> -> vector<2048x8xf32>
    %mul3A_98 = arith.constant 0.176776692 : f32
    %mul3A_99 = vector.broadcast %mul3A_98 : f32 to vector<2048x8xf32>
    %mul3A_100 = arith.mulf %dot_general3A_97, %mul3A_99 : vector<2048x8xf32>
    %slice3A_101 = vector.extract_strided_slice %reshape3A {offsets = [0, 2, 0], sizes = [128, 1, 256], strides = [1, 1, 1]} : vector<128x16x768xf32> to vector<128x1x256xf32>
    %squeeze3A_102 = vector.shape_cast %slice3A_101 : vector<128x1x256xf32> to vector<128x256xf32>
    %reshape3A_103 = vector.shape_cast %squeeze3A_102 : vector<128x256xf32> to vector<128x1x256xf32>
    %broadcast_in_dim3A_104 = vector.shape_cast %reshape3A_103 : vector<128x1x256xf32> to vector<128x1x256xf32>
    %broadcast_in_dim3A_105 = vector.broadcast %broadcast_in_dim3A_104 : vector<128x1x256xf32> to vector<128x16x256xf32>
    %reshape3A_106 = vector.shape_cast %broadcast_in_dim3A_105 : vector<128x16x256xf32> to vector<2048x256xf32>
    %mul3A_107 = arith.mulf %reshape3A_106, %slice3A : vector<2048x256xf32>
    %convert_element_type3A_108 = arith.truncf %mul3A_107 : vector<2048x256xf32> to vector<2048x256xbf16>
    %dot_general3A_109 = arith.constant dense<0.000000e+00> : vector<2048x8xf32>
    %dot_general3A_110 = tpu.matmul %convert_element_type3A_108, %convert_element_type3A_36, %dot_general3A_109 {dimension_numbers = #tpu.dot_dimension_numbers<[1], [0], [0], [1], [0, 0, 1, 1], [], []>, transpose_lhs_hint = false} : vector<2048x256xbf16>, vector<256x8xbf16>, vector<2048x8xf32> -> vector<2048x8xf32>
    %mul3A_111 = arith.constant 0.176776692 : f32
    %mul3A_112 = vector.broadcast %mul3A_111 : f32 to vector<2048x8xf32>
    %mul3A_113 = arith.mulf %dot_general3A_110, %mul3A_112 : vector<2048x8xf32>
    %slice3A_114 = vector.extract_strided_slice %reshape3A {offsets = [0, 3, 0], sizes = [128, 1, 256], strides = [1, 1, 1]} : vector<128x16x768xf32> to vector<128x1x256xf32>
    %squeeze3A_115 = vector.shape_cast %slice3A_114 : vector<128x1x256xf32> to vector<128x256xf32>
    %reshape3A_116 = vector.shape_cast %squeeze3A_115 : vector<128x256xf32> to vector<128x1x256xf32>
    %broadcast_in_dim3A_117 = vector.shape_cast %reshape3A_116 : vector<128x1x256xf32> to vector<128x1x256xf32>
    %broadcast_in_dim3A_118 = vector.broadcast %broadcast_in_dim3A_117 : vector<128x1x256xf32> to vector<128x16x256xf32>
    %reshape3A_119 = vector.shape_cast %broadcast_in_dim3A_118 : vector<128x16x256xf32> to vector<2048x256xf32>
    %mul3A_120 = arith.mulf %reshape3A_119, %slice3A : vector<2048x256xf32>
    %convert_element_type3A_121 = arith.truncf %mul3A_120 : vector<2048x256xf32> to vector<2048x256xbf16>
    %dot_general3A_122 = arith.constant dense<0.000000e+00> : vector<2048x8xf32>
    %dot_general3A_123 = tpu.matmul %convert_element_type3A_121, %convert_element_type3A_36, %dot_general3A_122 {dimension_numbers = #tpu.dot_dimension_numbers<[1], [0], [0], [1], [0, 0, 1, 1], [], []>, transpose_lhs_hint = false} : vector<2048x256xbf16>, vector<256x8xbf16>, vector<2048x8xf32> -> vector<2048x8xf32>
    %mul3A_124 = arith.constant 0.176776692 : f32
    %mul3A_125 = vector.broadcast %mul3A_124 : f32 to vector<2048x8xf32>
    %mul3A_126 = arith.mulf %dot_general3A_123, %mul3A_125 : vector<2048x8xf32>
    %slice3A_127 = vector.extract_strided_slice %reshape3A {offsets = [0, 4, 0], sizes = [128, 1, 256], strides = [1, 1, 1]} : vector<128x16x768xf32> to vector<128x1x256xf32>
    %squeeze3A_128 = vector.shape_cast %slice3A_127 : vector<128x1x256xf32> to vector<128x256xf32>
    %reshape3A_129 = vector.shape_cast %squeeze3A_128 : vector<128x256xf32> to vector<128x1x256xf32>
    %broadcast_in_dim3A_130 = vector.shape_cast %reshape3A_129 : vector<128x1x256xf32> to vector<128x1x256xf32>
    %broadcast_in_dim3A_131 = vector.broadcast %broadcast_in_dim3A_130 : vector<128x1x256xf32> to vector<128x16x256xf32>
    %reshape3A_132 = vector.shape_cast %broadcast_in_dim3A_131 : vector<128x16x256xf32> to vector<2048x256xf32>
    %mul3A_133 = arith.mulf %reshape3A_132, %slice3A : vector<2048x256xf32>
    %convert_element_type3A_134 = arith.truncf %mul3A_133 : vector<2048x256xf32> to vector<2048x256xbf16>
    %dot_general3A_135 = arith.constant dense<0.000000e+00> : vector<2048x8xf32>
    %dot_general3A_136 = tpu.matmul %convert_element_type3A_134, %convert_element_type3A_36, %dot_general3A_135 {dimension_numbers = #tpu.dot_dimension_numbers<[1], [0], [0], [1], [0, 0, 1, 1], [], []>, transpose_lhs_hint = false} : vector<2048x256xbf16>, vector<256x8xbf16>, vector<2048x8xf32> -> vector<2048x8xf32>
    %mul3A_137 = arith.constant 0.176776692 : f32
    %mul3A_138 = vector.broadcast %mul3A_137 : f32 to vector<2048x8xf32>
    %mul3A_139 = arith.mulf %dot_general3A_136, %mul3A_138 : vector<2048x8xf32>
    %slice3A_140 = vector.extract_strided_slice %reshape3A {offsets = [0, 5, 0], sizes = [128, 1, 256], strides = [1, 1, 1]} : vector<128x16x768xf32> to vector<128x1x256xf32>
    %squeeze3A_141 = vector.shape_cast %slice3A_140 : vector<128x1x256xf32> to vector<128x256xf32>
    %reshape3A_142 = vector.shape_cast %squeeze3A_141 : vector<128x256xf32> to vector<128x1x256xf32>
    %broadcast_in_dim3A_143 = vector.shape_cast %reshape3A_142 : vector<128x1x256xf32> to vector<128x1x256xf32>
    %broadcast_in_dim3A_144 = vector.broadcast %broadcast_in_dim3A_143 : vector<128x1x256xf32> to vector<128x16x256xf32>
    %reshape3A_145 = vector.shape_cast %broadcast_in_dim3A_144 : vector<128x16x256xf32> to vector<2048x256xf32>
    %mul3A_146 = arith.mulf %reshape3A_145, %slice3A : vector<2048x256xf32>
    %convert_element_type3A_147 = arith.truncf %mul3A_146 : vector<2048x256xf32> to vector<2048x256xbf16>
    %dot_general3A_148 = arith.constant dense<0.000000e+00> : vector<2048x8xf32>
    %dot_general3A_149 = tpu.matmul %convert_element_type3A_147, %convert_element_type3A_36, %dot_general3A_148 {dimension_numbers = #tpu.dot_dimension_numbers<[1], [0], [0], [1], [0, 0, 1, 1], [], []>, transpose_lhs_hint = false} : vector<2048x256xbf16>, vector<256x8xbf16>, vector<2048x8xf32> -> vector<2048x8xf32>
    %mul3A_150 = arith.constant 0.176776692 : f32
    %mul3A_151 = vector.broadcast %mul3A_150 : f32 to vector<2048x8xf32>
    %mul3A_152 = arith.mulf %dot_general3A_149, %mul3A_151 : vector<2048x8xf32>
    %slice3A_153 = vector.extract_strided_slice %reshape3A {offsets = [0, 6, 0], sizes = [128, 1, 256], strides = [1, 1, 1]} : vector<128x16x768xf32> to vector<128x1x256xf32>
    %squeeze3A_154 = vector.shape_cast %slice3A_153 : vector<128x1x256xf32> to vector<128x256xf32>
    %reshape3A_155 = vector.shape_cast %squeeze3A_154 : vector<128x256xf32> to vector<128x1x256xf32>
    %broadcast_in_dim3A_156 = vector.shape_cast %reshape3A_155 : vector<128x1x256xf32> to vector<128x1x256xf32>
    %broadcast_in_dim3A_157 = vector.broadcast %broadcast_in_dim3A_156 : vector<128x1x256xf32> to vector<128x16x256xf32>
    %reshape3A_158 = vector.shape_cast %broadcast_in_dim3A_157 : vector<128x16x256xf32> to vector<2048x256xf32>
    %mul3A_159 = arith.mulf %reshape3A_158, %slice3A : vector<2048x256xf32>
    %convert_element_type3A_160 = arith.truncf %mul3A_159 : vector<2048x256xf32> to vector<2048x256xbf16>
    %dot_general3A_161 = arith.constant dense<0.000000e+00> : vector<2048x8xf32>
    %dot_general3A_162 = tpu.matmul %convert_element_type3A_160, %convert_element_type3A_36, %dot_general3A_161 {dimension_numbers = #tpu.dot_dimension_numbers<[1], [0], [0], [1], [0, 0, 1, 1], [], []>, transpose_lhs_hint = false} : vector<2048x256xbf16>, vector<256x8xbf16>, vector<2048x8xf32> -> vector<2048x8xf32>
    %mul3A_163 = arith.constant 0.176776692 : f32
    %mul3A_164 = vector.broadcast %mul3A_163 : f32 to vector<2048x8xf32>
    %mul3A_165 = arith.mulf %dot_general3A_162, %mul3A_164 : vector<2048x8xf32>
    %slice3A_166 = vector.extract_strided_slice %reshape3A {offsets = [0, 7, 0], sizes = [128, 1, 256], strides = [1, 1, 1]} : vector<128x16x768xf32> to vector<128x1x256xf32>
    %squeeze3A_167 = vector.shape_cast %slice3A_166 : vector<128x1x256xf32> to vector<128x256xf32>
    %reshape3A_168 = vector.shape_cast %squeeze3A_167 : vector<128x256xf32> to vector<128x1x256xf32>
    %broadcast_in_dim3A_169 = vector.shape_cast %reshape3A_168 : vector<128x1x256xf32> to vector<128x1x256xf32>
    %broadcast_in_dim3A_170 = vector.broadcast %broadcast_in_dim3A_169 : vector<128x1x256xf32> to vector<128x16x256xf32>
    %reshape3A_171 = vector.shape_cast %broadcast_in_dim3A_170 : vector<128x16x256xf32> to vector<2048x256xf32>
    %mul3A_172 = arith.mulf %reshape3A_171, %slice3A : vector<2048x256xf32>
    %convert_element_type3A_173 = arith.truncf %mul3A_172 : vector<2048x256xf32> to vector<2048x256xbf16>
    %dot_general3A_174 = arith.constant dense<0.000000e+00> : vector<2048x8xf32>
    %dot_general3A_175 = tpu.matmul %convert_element_type3A_173, %convert_element_type3A_36, %dot_general3A_174 {dimension_numbers = #tpu.dot_dimension_numbers<[1], [0], [0], [1], [0, 0, 1, 1], [], []>, transpose_lhs_hint = false} : vector<2048x256xbf16>, vector<256x8xbf16>, vector<2048x8xf32> -> vector<2048x8xf32>
    %mul3A_176 = arith.constant 0.176776692 : f32
    %mul3A_177 = vector.broadcast %mul3A_176 : f32 to vector<2048x8xf32>
    %mul3A_178 = arith.mulf %dot_general3A_175, %mul3A_177 : vector<2048x8xf32>
    %slice3A_179 = vector.extract_strided_slice %reshape3A {offsets = [0, 8, 0], sizes = [128, 1, 256], strides = [1, 1, 1]} : vector<128x16x768xf32> to vector<128x1x256xf32>
    %squeeze3A_180 = vector.shape_cast %slice3A_179 : vector<128x1x256xf32> to vector<128x256xf32>
    %reshape3A_181 = vector.shape_cast %squeeze3A_180 : vector<128x256xf32> to vector<128x1x256xf32>
    %broadcast_in_dim3A_182 = vector.shape_cast %reshape3A_181 : vector<128x1x256xf32> to vector<128x1x256xf32>
    %broadcast_in_dim3A_183 = vector.broadcast %broadcast_in_dim3A_182 : vector<128x1x256xf32> to vector<128x16x256xf32>
    %reshape3A_184 = vector.shape_cast %broadcast_in_dim3A_183 : vector<128x16x256xf32> to vector<2048x256xf32>
    %mul3A_185 = arith.mulf %reshape3A_184, %slice3A : vector<2048x256xf32>
    %convert_element_type3A_186 = arith.truncf %mul3A_185 : vector<2048x256xf32> to vector<2048x256xbf16>
    %dot_general3A_187 = arith.constant dense<0.000000e+00> : vector<2048x8xf32>
    %dot_general3A_188 = tpu.matmul %convert_element_type3A_186, %convert_element_type3A_36, %dot_general3A_187 {dimension_numbers = #tpu.dot_dimension_numbers<[1], [0], [0], [1], [0, 0, 1, 1], [], []>, transpose_lhs_hint = false} : vector<2048x256xbf16>, vector<256x8xbf16>, vector<2048x8xf32> -> vector<2048x8xf32>
    %mul3A_189 = arith.constant 0.176776692 : f32
    %mul3A_190 = vector.broadcast %mul3A_189 : f32 to vector<2048x8xf32>
    %mul3A_191 = arith.mulf %dot_general3A_188, %mul3A_190 : vector<2048x8xf32>
    %slice3A_192 = vector.extract_strided_slice %reshape3A {offsets = [0, 9, 0], sizes = [128, 1, 256], strides = [1, 1, 1]} : vector<128x16x768xf32> to vector<128x1x256xf32>
    %squeeze3A_193 = vector.shape_cast %slice3A_192 : vector<128x1x256xf32> to vector<128x256xf32>
    %reshape3A_194 = vector.shape_cast %squeeze3A_193 : vector<128x256xf32> to vector<128x1x256xf32>
    %broadcast_in_dim3A_195 = vector.shape_cast %reshape3A_194 : vector<128x1x256xf32> to vector<128x1x256xf32>
    %broadcast_in_dim3A_196 = vector.broadcast %broadcast_in_dim3A_195 : vector<128x1x256xf32> to vector<128x16x256xf32>
    %reshape3A_197 = vector.shape_cast %broadcast_in_dim3A_196 : vector<128x16x256xf32> to vector<2048x256xf32>
    %mul3A_198 = arith.mulf %reshape3A_197, %slice3A : vector<2048x256xf32>
    %convert_element_type3A_199 = arith.truncf %mul3A_198 : vector<2048x256xf32> to vector<2048x256xbf16>
    %dot_general3A_200 = arith.constant dense<0.000000e+00> : vector<2048x8xf32>
    %dot_general3A_201 = tpu.matmul %convert_element_type3A_199, %convert_element_type3A_36, %dot_general3A_200 {dimension_numbers = #tpu.dot_dimension_numbers<[1], [0], [0], [1], [0, 0, 1, 1], [], []>, transpose_lhs_hint = false} : vector<2048x256xbf16>, vector<256x8xbf16>, vector<2048x8xf32> -> vector<2048x8xf32>
    %mul3A_202 = arith.constant 0.176776692 : f32
    %mul3A_203 = vector.broadcast %mul3A_202 : f32 to vector<2048x8xf32>
    %mul3A_204 = arith.mulf %dot_general3A_201, %mul3A_203 : vector<2048x8xf32>
    %slice3A_205 = vector.extract_strided_slice %reshape3A {offsets = [0, 10, 0], sizes = [128, 1, 256], strides = [1, 1, 1]} : vector<128x16x768xf32> to vector<128x1x256xf32>
    %squeeze3A_206 = vector.shape_cast %slice3A_205 : vector<128x1x256xf32> to vector<128x256xf32>
    %reshape3A_207 = vector.shape_cast %squeeze3A_206 : vector<128x256xf32> to vector<128x1x256xf32>
    %broadcast_in_dim3A_208 = vector.shape_cast %reshape3A_207 : vector<128x1x256xf32> to vector<128x1x256xf32>
    %broadcast_in_dim3A_209 = vector.broadcast %broadcast_in_dim3A_208 : vector<128x1x256xf32> to vector<128x16x256xf32>
    %reshape3A_210 = vector.shape_cast %broadcast_in_dim3A_209 : vector<128x16x256xf32> to vector<2048x256xf32>
    %mul3A_211 = arith.mulf %reshape3A_210, %slice3A : vector<2048x256xf32>
    %convert_element_type3A_212 = arith.truncf %mul3A_211 : vector<2048x256xf32> to vector<2048x256xbf16>
    %dot_general3A_213 = arith.constant dense<0.000000e+00> : vector<2048x8xf32>
    %dot_general3A_214 = tpu.matmul %convert_element_type3A_212, %convert_element_type3A_36, %dot_general3A_213 {dimension_numbers = #tpu.dot_dimension_numbers<[1], [0], [0], [1], [0, 0, 1, 1], [], []>, transpose_lhs_hint = false} : vector<2048x256xbf16>, vector<256x8xbf16>, vector<2048x8xf32> -> vector<2048x8xf32>
    %mul3A_215 = arith.constant 0.176776692 : f32
    %mul3A_216 = vector.broadcast %mul3A_215 : f32 to vector<2048x8xf32>
    %mul3A_217 = arith.mulf %dot_general3A_214, %mul3A_216 : vector<2048x8xf32>
    %slice3A_218 = vector.extract_strided_slice %reshape3A {offsets = [0, 11, 0], sizes = [128, 1, 256], strides = [1, 1, 1]} : vector<128x16x768xf32> to vector<128x1x256xf32>
    %squeeze3A_219 = vector.shape_cast %slice3A_218 : vector<128x1x256xf32> to vector<128x256xf32>
    %reshape3A_220 = vector.shape_cast %squeeze3A_219 : vector<128x256xf32> to vector<128x1x256xf32>
    %broadcast_in_dim3A_221 = vector.shape_cast %reshape3A_220 : vector<128x1x256xf32> to vector<128x1x256xf32>
    %broadcast_in_dim3A_222 = vector.broadcast %broadcast_in_dim3A_221 : vector<128x1x256xf32> to vector<128x16x256xf32>
    %reshape3A_223 = vector.shape_cast %broadcast_in_dim3A_222 : vector<128x16x256xf32> to vector<2048x256xf32>
    %mul3A_224 = arith.mulf %reshape3A_223, %slice3A : vector<2048x256xf32>
    %convert_element_type3A_225 = arith.truncf %mul3A_224 : vector<2048x256xf32> to vector<2048x256xbf16>
    %dot_general3A_226 = arith.constant dense<0.000000e+00> : vector<2048x8xf32>
    %dot_general3A_227 = tpu.matmul %convert_element_type3A_225, %convert_element_type3A_36, %dot_general3A_226 {dimension_numbers = #tpu.dot_dimension_numbers<[1], [0], [0], [1], [0, 0, 1, 1], [], []>, transpose_lhs_hint = false} : vector<2048x256xbf16>, vector<256x8xbf16>, vector<2048x8xf32> -> vector<2048x8xf32>
    %mul3A_228 = arith.constant 0.176776692 : f32
    %mul3A_229 = vector.broadcast %mul3A_228 : f32 to vector<2048x8xf32>
    %mul3A_230 = arith.mulf %dot_general3A_227, %mul3A_229 : vector<2048x8xf32>
    %slice3A_231 = vector.extract_strided_slice %reshape3A {offsets = [0, 12, 0], sizes = [128, 1, 256], strides = [1, 1, 1]} : vector<128x16x768xf32> to vector<128x1x256xf32>
    %squeeze3A_232 = vector.shape_cast %slice3A_231 : vector<128x1x256xf32> to vector<128x256xf32>
    %reshape3A_233 = vector.shape_cast %squeeze3A_232 : vector<128x256xf32> to vector<128x1x256xf32>
    %broadcast_in_dim3A_234 = vector.shape_cast %reshape3A_233 : vector<128x1x256xf32> to vector<128x1x256xf32>
    %broadcast_in_dim3A_235 = vector.broadcast %broadcast_in_dim3A_234 : vector<128x1x256xf32> to vector<128x16x256xf32>
    %reshape3A_236 = vector.shape_cast %broadcast_in_dim3A_235 : vector<128x16x256xf32> to vector<2048x256xf32>
    %mul3A_237 = arith.mulf %reshape3A_236, %slice3A : vector<2048x256xf32>
    %convert_element_type3A_238 = arith.truncf %mul3A_237 : vector<2048x256xf32> to vector<2048x256xbf16>
    %dot_general3A_239 = arith.constant dense<0.000000e+00> : vector<2048x8xf32>
    %dot_general3A_240 = tpu.matmul %convert_element_type3A_238, %convert_element_type3A_36, %dot_general3A_239 {dimension_numbers = #tpu.dot_dimension_numbers<[1], [0], [0], [1], [0, 0, 1, 1], [], []>, transpose_lhs_hint = false} : vector<2048x256xbf16>, vector<256x8xbf16>, vector<2048x8xf32> -> vector<2048x8xf32>
    %mul3A_241 = arith.constant 0.176776692 : f32
    %mul3A_242 = vector.broadcast %mul3A_241 : f32 to vector<2048x8xf32>
    %mul3A_243 = arith.mulf %dot_general3A_240, %mul3A_242 : vector<2048x8xf32>
    %slice3A_244 = vector.extract_strided_slice %reshape3A {offsets = [0, 13, 0], sizes = [128, 1, 256], strides = [1, 1, 1]} : vector<128x16x768xf32> to vector<128x1x256xf32>
    %squeeze3A_245 = vector.shape_cast %slice3A_244 : vector<128x1x256xf32> to vector<128x256xf32>
    %reshape3A_246 = vector.shape_cast %squeeze3A_245 : vector<128x256xf32> to vector<128x1x256xf32>
    %broadcast_in_dim3A_247 = vector.shape_cast %reshape3A_246 : vector<128x1x256xf32> to vector<128x1x256xf32>
    %broadcast_in_dim3A_248 = vector.broadcast %broadcast_in_dim3A_247 : vector<128x1x256xf32> to vector<128x16x256xf32>
    %reshape3A_249 = vector.shape_cast %broadcast_in_dim3A_248 : vector<128x16x256xf32> to vector<2048x256xf32>
    %mul3A_250 = arith.mulf %reshape3A_249, %slice3A : vector<2048x256xf32>
    %convert_element_type3A_251 = arith.truncf %mul3A_250 : vector<2048x256xf32> to vector<2048x256xbf16>
    %dot_general3A_252 = arith.constant dense<0.000000e+00> : vector<2048x8xf32>
    %dot_general3A_253 = tpu.matmul %convert_element_type3A_251, %convert_element_type3A_36, %dot_general3A_252 {dimension_numbers = #tpu.dot_dimension_numbers<[1], [0], [0], [1], [0, 0, 1, 1], [], []>, transpose_lhs_hint = false} : vector<2048x256xbf16>, vector<256x8xbf16>, vector<2048x8xf32> -> vector<2048x8xf32>
    %mul3A_254 = arith.constant 0.176776692 : f32
    %mul3A_255 = vector.broadcast %mul3A_254 : f32 to vector<2048x8xf32>
    %mul3A_256 = arith.mulf %dot_general3A_253, %mul3A_255 : vector<2048x8xf32>
    %slice3A_257 = vector.extract_strided_slice %reshape3A {offsets = [0, 14, 0], sizes = [128, 1, 256], strides = [1, 1, 1]} : vector<128x16x768xf32> to vector<128x1x256xf32>
    %squeeze3A_258 = vector.shape_cast %slice3A_257 : vector<128x1x256xf32> to vector<128x256xf32>
    %reshape3A_259 = vector.shape_cast %squeeze3A_258 : vector<128x256xf32> to vector<128x1x256xf32>
    %broadcast_in_dim3A_260 = vector.shape_cast %reshape3A_259 : vector<128x1x256xf32> to vector<128x1x256xf32>
    %broadcast_in_dim3A_261 = vector.broadcast %broadcast_in_dim3A_260 : vector<128x1x256xf32> to vector<128x16x256xf32>
    %reshape3A_262 = vector.shape_cast %broadcast_in_dim3A_261 : vector<128x16x256xf32> to vector<2048x256xf32>
    %mul3A_263 = arith.mulf %reshape3A_262, %slice3A : vector<2048x256xf32>
    %convert_element_type3A_264 = arith.truncf %mul3A_263 : vector<2048x256xf32> to vector<2048x256xbf16>
    %dot_general3A_265 = arith.constant dense<0.000000e+00> : vector<2048x8xf32>
    %dot_general3A_266 = tpu.matmul %convert_element_type3A_264, %convert_element_type3A_36, %dot_general3A_265 {dimension_numbers = #tpu.dot_dimension_numbers<[1], [0], [0], [1], [0, 0, 1, 1], [], []>, transpose_lhs_hint = false} : vector<2048x256xbf16>, vector<256x8xbf16>, vector<2048x8xf32> -> vector<2048x8xf32>
    %mul3A_267 = arith.constant 0.176776692 : f32
    %mul3A_268 = vector.broadcast %mul3A_267 : f32 to vector<2048x8xf32>
    %mul3A_269 = arith.mulf %dot_general3A_266, %mul3A_268 : vector<2048x8xf32>
    %slice3A_270 = vector.extract_strided_slice %reshape3A {offsets = [0, 15, 0], sizes = [128, 1, 256], strides = [1, 1, 1]} : vector<128x16x768xf32> to vector<128x1x256xf32>
    %squeeze3A_271 = vector.shape_cast %slice3A_270 : vector<128x1x256xf32> to vector<128x256xf32>
    %reshape3A_272 = vector.shape_cast %squeeze3A_271 : vector<128x256xf32> to vector<128x1x256xf32>
    %broadcast_in_dim3A_273 = vector.shape_cast %reshape3A_272 : vector<128x1x256xf32> to vector<128x1x256xf32>
    %broadcast_in_dim3A_274 = vector.broadcast %broadcast_in_dim3A_273 : vector<128x1x256xf32> to vector<128x16x256xf32>
    %reshape3A_275 = vector.shape_cast %broadcast_in_dim3A_274 : vector<128x16x256xf32> to vector<2048x256xf32>
    %mul3A_276 = arith.mulf %reshape3A_275, %slice3A : vector<2048x256xf32>
    %convert_element_type3A_277 = arith.truncf %mul3A_276 : vector<2048x256xf32> to vector<2048x256xbf16>
    %dot_general3A_278 = arith.constant dense<0.000000e+00> : vector<2048x8xf32>
    %dot_general3A_279 = tpu.matmul %convert_element_type3A_277, %convert_element_type3A_36, %dot_general3A_278 {dimension_numbers = #tpu.dot_dimension_numbers<[1], [0], [0], [1], [0, 0, 1, 1], [], []>, transpose_lhs_hint = false} : vector<2048x256xbf16>, vector<256x8xbf16>, vector<2048x8xf32> -> vector<2048x8xf32>
    %mul3A_280 = arith.constant 0.176776692 : f32
    %mul3A_281 = vector.broadcast %mul3A_280 : f32 to vector<2048x8xf32>
    %mul3A_282 = arith.mulf %dot_general3A_279, %mul3A_281 : vector<2048x8xf32>
    %concatenate3A = tpu.concatenate %mul3A_87, %mul3A_100, %mul3A_113, %mul3A_126, %mul3A_139, %mul3A_152, %mul3A_165, %mul3A_178, %mul3A_191, %mul3A_204, %mul3A_217, %mul3A_230, %mul3A_243, %mul3A_256, %mul3A_269, %mul3A_282 in 1 : vector<2048x8xf32>, vector<2048x8xf32>, vector<2048x8xf32>, vector<2048x8xf32>, vector<2048x8xf32>, vector<2048x8xf32>, vector<2048x8xf32>, vector<2048x8xf32>, vector<2048x8xf32>, vector<2048x8xf32>, vector<2048x8xf32>, vector<2048x8xf32>, vector<2048x8xf32>, vector<2048x8xf32>, vector<2048x8xf32>, vector<2048x8xf32> -> vector<2048x128xf32>
    %reshape3A_283 = vector.shape_cast %concatenate3A : vector<2048x128xf32> to vector<128x16x128xf32>
    %reduce_max3A = arith.constant dense<0xFF800000> : vector<128x128xf32>
    %reduce_max3A_284 = vector.multi_reduction <maximumf>, %reshape3A_283, %reduce_max3A [1] : vector<128x16x128xf32> to vector<128x128xf32>
    %broadcast_in_dim3A_285 = vector.shape_cast %reduce_max3A_284 : vector<128x128xf32> to vector<128x1x128xf32>
    %sub3A_286 = vector.broadcast %broadcast_in_dim3A_285 : vector<128x1x128xf32> to vector<128x16x128xf32>
    %sub3A_287 = arith.subf %reshape3A_283, %sub3A_286 : vector<128x16x128xf32>
    %exp3A = math.exp %sub3A_287 : vector<128x16x128xf32>
    %reduce_sum3A = arith.constant dense<0.000000e+00> : vector<128x128xf32>
    %reduce_sum3A_288 = vector.multi_reduction <add>, %exp3A, %reduce_sum3A [1] : vector<128x16x128xf32> to vector<128x128xf32>
    %broadcast_in_dim3A_289 = vector.shape_cast %reduce_sum3A_288 : vector<128x128xf32> to vector<128x1x128xf32>
    %div3A_290 = vector.broadcast %broadcast_in_dim3A_289 : vector<128x1x128xf32> to vector<128x16x128xf32>
    %div3A_291 = arith.divf %exp3A, %div3A_290 : vector<128x16x128xf32>
    %reshape3A_292 = vector.shape_cast %div3A_291 : vector<128x16x128xf32> to vector<2048x128xf32>
    %iota3A_293 = tpu.iota {dimensions = array<i32: 0>} : vector<128x16xi32>
    %iota3A_294 = tpu.iota {dimensions = array<i32: 1>} : vector<128x16xi32>
    %jit3A_295 = arith.constant 8 : i32
    %div3A_296 = vector.broadcast %jit3A_295 : i32 to vector<128x16xi32>
    %div3A_297 = arith.divsi %iota3A_293, %div3A_296 : vector<128x16xi32>
    %sign3A_298 = arith.constant 0 : i32
    %sign3A_299 = vector.broadcast %sign3A_298 : i32 to vector<128x16xi32>
    %sign3A_300 = arith.cmpi sgt, %iota3A_293, %sign3A_299 : vector<128x16xi32>
    %sign3A_301 = arith.extui %sign3A_300 : vector<128x16xi1> to vector<128x16xi32>
    %sign3A_302 = arith.constant 0 : i32
    %sign3A_303 = vector.broadcast %sign3A_302 : i32 to vector<128x16xi32>
    %sign3A_304 = arith.cmpi slt, %iota3A_293, %sign3A_303 : vector<128x16xi32>
    %sign3A_305 = arith.extui %sign3A_304 : vector<128x16xi1> to vector<128x16xi32>
    %sign3A_306 = arith.subi %sign3A_301, %sign3A_305 : vector<128x16xi32>
    %sign3A_307 = arith.constant 0 : i32
    %sign3A_308 = arith.cmpi sgt, %jit3A_295, %sign3A_307 : i32
    %sign3A_309 = arith.extui %sign3A_308 : i1 to i32
    %sign3A_310 = arith.constant 0 : i32
    %sign3A_311 = arith.cmpi slt, %jit3A_295, %sign3A_310 : i32
    %sign3A_312 = arith.extui %sign3A_311 : i1 to i32
    %sign3A_313 = arith.subi %sign3A_309, %sign3A_312 : i32
    %ne3A_314 = vector.broadcast %sign3A_313 : i32 to vector<128x16xi32>
    %ne3A_315 = arith.cmpi ne, %sign3A_306, %ne3A_314 : vector<128x16xi32>
    %rem3A_316 = vector.broadcast %jit3A_295 : i32 to vector<128x16xi32>
    %rem3A_317 = arith.remsi %iota3A_293, %rem3A_316 : vector<128x16xi32>
    %ne3A_318 = arith.constant 0 : i32
    %ne3A_319 = vector.broadcast %ne3A_318 : i32 to vector<128x16xi32>
    %ne3A_320 = arith.cmpi ne, %rem3A_317, %ne3A_319 : vector<128x16xi32>
    %and3A_321 = arith.andi %ne3A_315, %ne3A_320 : vector<128x16xi1>
    %sub3A_322 = arith.constant 1 : i32
    %sub3A_323 = vector.broadcast %sub3A_322 : i32 to vector<128x16xi32>
    %sub3A_324 = arith.subi %div3A_297, %sub3A_323 : vector<128x16xi32>
    %select_n3A_325 = arith.select %and3A_321, %sub3A_324, %div3A_297 : vector<128x16xi1>, vector<128x16xi32>
    %eq3A_326 = arith.cmpi eq, %select_n3A_325, %iota3A_294 : vector<128x16xi32>
    %jit3A_327 = arith.constant 1.250000e-01 : f32
    %jit3A_328 = arith.constant 0.000000e+00 : f32
    %broadcast_in_dim3A_329 = vector.broadcast %jit3A_327 : f32 to vector<128x16xf32>
    %broadcast_in_dim3A_330 = vector.broadcast %jit3A_328 : f32 to vector<128x16xf32>
    %select_n3A_331 = arith.select %eq3A_326, %broadcast_in_dim3A_329, %broadcast_in_dim3A_330 : vector<128x16xi1>, vector<128x16xf32>
    %convert_element_type3A_332 = arith.truncf %select_n3A_331 : vector<128x16xf32> to vector<128x16xbf16>
    %convert_element_type3A_333 = arith.truncf %reshape3A_292 : vector<2048x128xf32> to vector<2048x128xbf16>
    %dot_general3A_334 = arith.constant dense<0.000000e+00> : vector<2048x16xf32>
    %dot_general3A_335 = tpu.matmul %convert_element_type3A_333, %convert_element_type3A_332, %dot_general3A_334 {dimension_numbers = #tpu.dot_dimension_numbers<[1], [0], [0], [1], [0, 0, 1, 1], [], []>, transpose_lhs_hint = false} : vector<2048x128xbf16>, vector<128x16xbf16>, vector<2048x16xf32> -> vector<2048x16xf32>
    %get3A_336 = arith.constant 0 : index
    %get3A_337 = arith.constant 0 : index
    %get3A_338 = vector.load %arg4[%get3A_336, %get3A_337] : memref<2048x1xf32, #tpu.memory_space<vmem>>, vector<2048x1xf32>
    %mul3A_339 = vector.broadcast %get3A_338 : vector<2048x1xf32> to vector<2048x16xf32>
    %mul3A_340 = arith.mulf %dot_general3A_335, %mul3A_339 : vector<2048x16xf32>
    %reshape3A_341 = vector.shape_cast %mul3A_340 : vector<2048x16xf32> to vector<128x16x16xf32>
    %reduce_sum3A_342 = arith.constant dense<0.000000e+00> : vector<128x16xf32>
    %reduce_sum3A_343 = vector.multi_reduction <add>, %reshape3A_341, %reduce_sum3A_342 [1] : vector<128x16x16xf32> to vector<128x16xf32>
    %get3A_344 = arith.constant 0 : index
    %get3A_345 = arith.constant 0 : index
    %get3A_346 = vector.load %arg5[%get3A_344, %get3A_345] : memref<1x1xf32, #tpu.memory_space<vmem>>, vector<1x1xf32>
    %get3A_347 = vector.extract %get3A_346[0, 0] : f32 from vector<1x1xf32>
    %add3A = vector.broadcast %get3A_347 : f32 to vector<128x16xf32>
    %add3A_348 = arith.addf %reduce_sum3A_343, %add3A : vector<128x16xf32>
    %neg3A = arith.constant 0.000000e+00 : f32
    %neg3A_349 = vector.broadcast %neg3A : f32 to vector<128x16xf32>
    %neg3A_350 = arith.subf %neg3A_349, %add3A_348 : vector<128x16xf32>
    %exp3A_351 = math.exp %neg3A_350 : vector<128x16xf32>
    %add3A_352 = arith.constant 1.000000e+00 : f32
    %add3A_353 = vector.broadcast %add3A_352 : f32 to vector<128x16xf32>
    %add3A_354 = arith.addf %add3A_353, %exp3A_351 : vector<128x16xf32>
    %div3A_355 = arith.constant 1.000000e+00 : f32
    %div3A_356 = vector.broadcast %div3A_355 : f32 to vector<128x16xf32>
    %div3A_357 = arith.divf %div3A_356, %add3A_354 : vector<128x16xf32>
    %reduce_sum3A_358 = arith.constant dense<0.000000e+00> : vector<128xf32>
    %reduce_sum3A_359 = vector.multi_reduction <add>, %div3A_357, %reduce_sum3A_358 [1] : vector<128x16xf32> to vector<128xf32>
    %broadcast_in_dim3A_360 = vector.shape_cast %reduce_sum3A_359 : vector<128xf32> to vector<128x1xf32>
    %div3A_361 = vector.broadcast %broadcast_in_dim3A_360 : vector<128x1xf32> to vector<128x16xf32>
    %div3A_362 = arith.divf %div3A_357, %div3A_361 : vector<128x16xf32>
    %broadcast_in_dim3A_363 = arith.constant 0.000000e+00 : f32
    %broadcast_in_dim3A_364 = vector.broadcast %broadcast_in_dim3A_363 : f32 to vector<128x256xf32>
    %slice3A_365 = vector.extract_strided_slice %reshape3A_292 {offsets = [0, 0], sizes = [2048, 8], strides = [1, 1]} : vector<2048x128xf32> to vector<2048x8xf32>
    %convert_element_type3A_366 = arith.truncf %slice3A_365 : vector<2048x8xf32> to vector<2048x8xbf16>
    %dot_general3A_367 = arith.constant dense<0.000000e+00> : vector<2048x256xf32>
    %dot_general3A_368 = tpu.matmul %convert_element_type3A_366, %convert_element_type3A_76, %dot_general3A_367 {dimension_numbers = #tpu.dot_dimension_numbers<[1], [0], [0], [1], [0, 0, 1, 1], [], []>, transpose_lhs_hint = false} : vector<2048x8xbf16>, vector<8x256xbf16>, vector<2048x256xf32> -> vector<2048x256xf32>
    %mul3A_369 = arith.mulf %dot_general3A_368, %slice3A_7 : vector<2048x256xf32>
    %reshape3A_370 = vector.shape_cast %mul3A_369 : vector<2048x256xf32> to vector<128x16x256xf32>
    %reduce_sum3A_371 = arith.constant dense<0.000000e+00> : vector<128x256xf32>
    %reduce_sum3A_372 = vector.multi_reduction <add>, %reshape3A_370, %reduce_sum3A_371 [1] : vector<128x16x256xf32> to vector<128x256xf32>
    %slice3A_373 = vector.extract_strided_slice %div3A_362 {offsets = [0, 0], sizes = [128, 1], strides = [1, 1]} : vector<128x16xf32> to vector<128x1xf32>
    %mul3A_374 = vector.broadcast %slice3A_373 : vector<128x1xf32> to vector<128x256xf32>
    %mul3A_375 = arith.mulf %reduce_sum3A_372, %mul3A_374 : vector<128x256xf32>
    %add3A_376 = arith.addf %broadcast_in_dim3A_364, %mul3A_375 : vector<128x256xf32>
    %slice3A_377 = vector.extract_strided_slice %reshape3A_292 {offsets = [0, 8], sizes = [2048, 8], strides = [1, 1]} : vector<2048x128xf32> to vector<2048x8xf32>
    %convert_element_type3A_378 = arith.truncf %slice3A_377 : vector<2048x8xf32> to vector<2048x8xbf16>
    %dot_general3A_379 = arith.constant dense<0.000000e+00> : vector<2048x256xf32>
    %dot_general3A_380 = tpu.matmul %convert_element_type3A_378, %convert_element_type3A_76, %dot_general3A_379 {dimension_numbers = #tpu.dot_dimension_numbers<[1], [0], [0], [1], [0, 0, 1, 1], [], []>, transpose_lhs_hint = false} : vector<2048x8xbf16>, vector<8x256xbf16>, vector<2048x256xf32> -> vector<2048x256xf32>
    %mul3A_381 = arith.mulf %dot_general3A_380, %slice3A_7 : vector<2048x256xf32>
    %reshape3A_382 = vector.shape_cast %mul3A_381 : vector<2048x256xf32> to vector<128x16x256xf32>
    %reduce_sum3A_383 = arith.constant dense<0.000000e+00> : vector<128x256xf32>
    %reduce_sum3A_384 = vector.multi_reduction <add>, %reshape3A_382, %reduce_sum3A_383 [1] : vector<128x16x256xf32> to vector<128x256xf32>
    %slice3A_385 = vector.extract_strided_slice %div3A_362 {offsets = [0, 1], sizes = [128, 1], strides = [1, 1]} : vector<128x16xf32> to vector<128x1xf32>
    %mul3A_386 = vector.broadcast %slice3A_385 : vector<128x1xf32> to vector<128x256xf32>
    %mul3A_387 = arith.mulf %reduce_sum3A_384, %mul3A_386 : vector<128x256xf32>
    %add3A_388 = arith.addf %add3A_376, %mul3A_387 : vector<128x256xf32>
    %slice3A_389 = vector.extract_strided_slice %reshape3A_292 {offsets = [0, 16], sizes = [2048, 8], strides = [1, 1]} : vector<2048x128xf32> to vector<2048x8xf32>
    %convert_element_type3A_390 = arith.truncf %slice3A_389 : vector<2048x8xf32> to vector<2048x8xbf16>
    %dot_general3A_391 = arith.constant dense<0.000000e+00> : vector<2048x256xf32>
    %dot_general3A_392 = tpu.matmul %convert_element_type3A_390, %convert_element_type3A_76, %dot_general3A_391 {dimension_numbers = #tpu.dot_dimension_numbers<[1], [0], [0], [1], [0, 0, 1, 1], [], []>, transpose_lhs_hint = false} : vector<2048x8xbf16>, vector<8x256xbf16>, vector<2048x256xf32> -> vector<2048x256xf32>
    %mul3A_393 = arith.mulf %dot_general3A_392, %slice3A_7 : vector<2048x256xf32>
    %reshape3A_394 = vector.shape_cast %mul3A_393 : vector<2048x256xf32> to vector<128x16x256xf32>
    %reduce_sum3A_395 = arith.constant dense<0.000000e+00> : vector<128x256xf32>
    %reduce_sum3A_396 = vector.multi_reduction <add>, %reshape3A_394, %reduce_sum3A_395 [1] : vector<128x16x256xf32> to vector<128x256xf32>
    %slice3A_397 = vector.extract_strided_slice %div3A_362 {offsets = [0, 2], sizes = [128, 1], strides = [1, 1]} : vector<128x16xf32> to vector<128x1xf32>
    %mul3A_398 = vector.broadcast %slice3A_397 : vector<128x1xf32> to vector<128x256xf32>
    %mul3A_399 = arith.mulf %reduce_sum3A_396, %mul3A_398 : vector<128x256xf32>
    %add3A_400 = arith.addf %add3A_388, %mul3A_399 : vector<128x256xf32>
    %slice3A_401 = vector.extract_strided_slice %reshape3A_292 {offsets = [0, 24], sizes = [2048, 8], strides = [1, 1]} : vector<2048x128xf32> to vector<2048x8xf32>
    %convert_element_type3A_402 = arith.truncf %slice3A_401 : vector<2048x8xf32> to vector<2048x8xbf16>
    %dot_general3A_403 = arith.constant dense<0.000000e+00> : vector<2048x256xf32>
    %dot_general3A_404 = tpu.matmul %convert_element_type3A_402, %convert_element_type3A_76, %dot_general3A_403 {dimension_numbers = #tpu.dot_dimension_numbers<[1], [0], [0], [1], [0, 0, 1, 1], [], []>, transpose_lhs_hint = false} : vector<2048x8xbf16>, vector<8x256xbf16>, vector<2048x256xf32> -> vector<2048x256xf32>
    %mul3A_405 = arith.mulf %dot_general3A_404, %slice3A_7 : vector<2048x256xf32>
    %reshape3A_406 = vector.shape_cast %mul3A_405 : vector<2048x256xf32> to vector<128x16x256xf32>
    %reduce_sum3A_407 = arith.constant dense<0.000000e+00> : vector<128x256xf32>
    %reduce_sum3A_408 = vector.multi_reduction <add>, %reshape3A_406, %reduce_sum3A_407 [1] : vector<128x16x256xf32> to vector<128x256xf32>
    %slice3A_409 = vector.extract_strided_slice %div3A_362 {offsets = [0, 3], sizes = [128, 1], strides = [1, 1]} : vector<128x16xf32> to vector<128x1xf32>
    %mul3A_410 = vector.broadcast %slice3A_409 : vector<128x1xf32> to vector<128x256xf32>
    %mul3A_411 = arith.mulf %reduce_sum3A_408, %mul3A_410 : vector<128x256xf32>
    %add3A_412 = arith.addf %add3A_400, %mul3A_411 : vector<128x256xf32>
    %slice3A_413 = vector.extract_strided_slice %reshape3A_292 {offsets = [0, 32], sizes = [2048, 8], strides = [1, 1]} : vector<2048x128xf32> to vector<2048x8xf32>
    %convert_element_type3A_414 = arith.truncf %slice3A_413 : vector<2048x8xf32> to vector<2048x8xbf16>
    %dot_general3A_415 = arith.constant dense<0.000000e+00> : vector<2048x256xf32>
    %dot_general3A_416 = tpu.matmul %convert_element_type3A_414, %convert_element_type3A_76, %dot_general3A_415 {dimension_numbers = #tpu.dot_dimension_numbers<[1], [0], [0], [1], [0, 0, 1, 1], [], []>, transpose_lhs_hint = false} : vector<2048x8xbf16>, vector<8x256xbf16>, vector<2048x256xf32> -> vector<2048x256xf32>
    %mul3A_417 = arith.mulf %dot_general3A_416, %slice3A_7 : vector<2048x256xf32>
    %reshape3A_418 = vector.shape_cast %mul3A_417 : vector<2048x256xf32> to vector<128x16x256xf32>
    %reduce_sum3A_419 = arith.constant dense<0.000000e+00> : vector<128x256xf32>
    %reduce_sum3A_420 = vector.multi_reduction <add>, %reshape3A_418, %reduce_sum3A_419 [1] : vector<128x16x256xf32> to vector<128x256xf32>
    %slice3A_421 = vector.extract_strided_slice %div3A_362 {offsets = [0, 4], sizes = [128, 1], strides = [1, 1]} : vector<128x16xf32> to vector<128x1xf32>
    %mul3A_422 = vector.broadcast %slice3A_421 : vector<128x1xf32> to vector<128x256xf32>
    %mul3A_423 = arith.mulf %reduce_sum3A_420, %mul3A_422 : vector<128x256xf32>
    %add3A_424 = arith.addf %add3A_412, %mul3A_423 : vector<128x256xf32>
    %slice3A_425 = vector.extract_strided_slice %reshape3A_292 {offsets = [0, 40], sizes = [2048, 8], strides = [1, 1]} : vector<2048x128xf32> to vector<2048x8xf32>
    %convert_element_type3A_426 = arith.truncf %slice3A_425 : vector<2048x8xf32> to vector<2048x8xbf16>
    %dot_general3A_427 = arith.constant dense<0.000000e+00> : vector<2048x256xf32>
    %dot_general3A_428 = tpu.matmul %convert_element_type3A_426, %convert_element_type3A_76, %dot_general3A_427 {dimension_numbers = #tpu.dot_dimension_numbers<[1], [0], [0], [1], [0, 0, 1, 1], [], []>, transpose_lhs_hint = false} : vector<2048x8xbf16>, vector<8x256xbf16>, vector<2048x256xf32> -> vector<2048x256xf32>
    %mul3A_429 = arith.mulf %dot_general3A_428, %slice3A_7 : vector<2048x256xf32>
    %reshape3A_430 = vector.shape_cast %mul3A_429 : vector<2048x256xf32> to vector<128x16x256xf32>
    %reduce_sum3A_431 = arith.constant dense<0.000000e+00> : vector<128x256xf32>
    %reduce_sum3A_432 = vector.multi_reduction <add>, %reshape3A_430, %reduce_sum3A_431 [1] : vector<128x16x256xf32> to vector<128x256xf32>
    %slice3A_433 = vector.extract_strided_slice %div3A_362 {offsets = [0, 5], sizes = [128, 1], strides = [1, 1]} : vector<128x16xf32> to vector<128x1xf32>
    %mul3A_434 = vector.broadcast %slice3A_433 : vector<128x1xf32> to vector<128x256xf32>
    %mul3A_435 = arith.mulf %reduce_sum3A_432, %mul3A_434 : vector<128x256xf32>
    %add3A_436 = arith.addf %add3A_424, %mul3A_435 : vector<128x256xf32>
    %slice3A_437 = vector.extract_strided_slice %reshape3A_292 {offsets = [0, 48], sizes = [2048, 8], strides = [1, 1]} : vector<2048x128xf32> to vector<2048x8xf32>
    %convert_element_type3A_438 = arith.truncf %slice3A_437 : vector<2048x8xf32> to vector<2048x8xbf16>
    %dot_general3A_439 = arith.constant dense<0.000000e+00> : vector<2048x256xf32>
    %dot_general3A_440 = tpu.matmul %convert_element_type3A_438, %convert_element_type3A_76, %dot_general3A_439 {dimension_numbers = #tpu.dot_dimension_numbers<[1], [0], [0], [1], [0, 0, 1, 1], [], []>, transpose_lhs_hint = false} : vector<2048x8xbf16>, vector<8x256xbf16>, vector<2048x256xf32> -> vector<2048x256xf32>
    %mul3A_441 = arith.mulf %dot_general3A_440, %slice3A_7 : vector<2048x256xf32>
    %reshape3A_442 = vector.shape_cast %mul3A_441 : vector<2048x256xf32> to vector<128x16x256xf32>
    %reduce_sum3A_443 = arith.constant dense<0.000000e+00> : vector<128x256xf32>
    %reduce_sum3A_444 = vector.multi_reduction <add>, %reshape3A_442, %reduce_sum3A_443 [1] : vector<128x16x256xf32> to vector<128x256xf32>
    %slice3A_445 = vector.extract_strided_slice %div3A_362 {offsets = [0, 6], sizes = [128, 1], strides = [1, 1]} : vector<128x16xf32> to vector<128x1xf32>
    %mul3A_446 = vector.broadcast %slice3A_445 : vector<128x1xf32> to vector<128x256xf32>
    %mul3A_447 = arith.mulf %reduce_sum3A_444, %mul3A_446 : vector<128x256xf32>
    %add3A_448 = arith.addf %add3A_436, %mul3A_447 : vector<128x256xf32>
    %slice3A_449 = vector.extract_strided_slice %reshape3A_292 {offsets = [0, 56], sizes = [2048, 8], strides = [1, 1]} : vector<2048x128xf32> to vector<2048x8xf32>
    %convert_element_type3A_450 = arith.truncf %slice3A_449 : vector<2048x8xf32> to vector<2048x8xbf16>
    %dot_general3A_451 = arith.constant dense<0.000000e+00> : vector<2048x256xf32>
    %dot_general3A_452 = tpu.matmul %convert_element_type3A_450, %convert_element_type3A_76, %dot_general3A_451 {dimension_numbers = #tpu.dot_dimension_numbers<[1], [0], [0], [1], [0, 0, 1, 1], [], []>, transpose_lhs_hint = false} : vector<2048x8xbf16>, vector<8x256xbf16>, vector<2048x256xf32> -> vector<2048x256xf32>
    %mul3A_453 = arith.mulf %dot_general3A_452, %slice3A_7 : vector<2048x256xf32>
    %reshape3A_454 = vector.shape_cast %mul3A_453 : vector<2048x256xf32> to vector<128x16x256xf32>
    %reduce_sum3A_455 = arith.constant dense<0.000000e+00> : vector<128x256xf32>
    %reduce_sum3A_456 = vector.multi_reduction <add>, %reshape3A_454, %reduce_sum3A_455 [1] : vector<128x16x256xf32> to vector<128x256xf32>
    %slice3A_457 = vector.extract_strided_slice %div3A_362 {offsets = [0, 7], sizes = [128, 1], strides = [1, 1]} : vector<128x16xf32> to vector<128x1xf32>
    %mul3A_458 = vector.broadcast %slice3A_457 : vector<128x1xf32> to vector<128x256xf32>
    %mul3A_459 = arith.mulf %reduce_sum3A_456, %mul3A_458 : vector<128x256xf32>
    %add3A_460 = arith.addf %add3A_448, %mul3A_459 : vector<128x256xf32>
    %slice3A_461 = vector.extract_strided_slice %reshape3A_292 {offsets = [0, 64], sizes = [2048, 8], strides = [1, 1]} : vector<2048x128xf32> to vector<2048x8xf32>
    %convert_element_type3A_462 = arith.truncf %slice3A_461 : vector<2048x8xf32> to vector<2048x8xbf16>
    %dot_general3A_463 = arith.constant dense<0.000000e+00> : vector<2048x256xf32>
    %dot_general3A_464 = tpu.matmul %convert_element_type3A_462, %convert_element_type3A_76, %dot_general3A_463 {dimension_numbers = #tpu.dot_dimension_numbers<[1], [0], [0], [1], [0, 0, 1, 1], [], []>, transpose_lhs_hint = false} : vector<2048x8xbf16>, vector<8x256xbf16>, vector<2048x256xf32> -> vector<2048x256xf32>
    %mul3A_465 = arith.mulf %dot_general3A_464, %slice3A_7 : vector<2048x256xf32>
    %reshape3A_466 = vector.shape_cast %mul3A_465 : vector<2048x256xf32> to vector<128x16x256xf32>
    %reduce_sum3A_467 = arith.constant dense<0.000000e+00> : vector<128x256xf32>
    %reduce_sum3A_468 = vector.multi_reduction <add>, %reshape3A_466, %reduce_sum3A_467 [1] : vector<128x16x256xf32> to vector<128x256xf32>
    %slice3A_469 = vector.extract_strided_slice %div3A_362 {offsets = [0, 8], sizes = [128, 1], strides = [1, 1]} : vector<128x16xf32> to vector<128x1xf32>
    %mul3A_470 = vector.broadcast %slice3A_469 : vector<128x1xf32> to vector<128x256xf32>
    %mul3A_471 = arith.mulf %reduce_sum3A_468, %mul3A_470 : vector<128x256xf32>
    %add3A_472 = arith.addf %add3A_460, %mul3A_471 : vector<128x256xf32>
    %slice3A_473 = vector.extract_strided_slice %reshape3A_292 {offsets = [0, 72], sizes = [2048, 8], strides = [1, 1]} : vector<2048x128xf32> to vector<2048x8xf32>
    %convert_element_type3A_474 = arith.truncf %slice3A_473 : vector<2048x8xf32> to vector<2048x8xbf16>
    %dot_general3A_475 = arith.constant dense<0.000000e+00> : vector<2048x256xf32>
    %dot_general3A_476 = tpu.matmul %convert_element_type3A_474, %convert_element_type3A_76, %dot_general3A_475 {dimension_numbers = #tpu.dot_dimension_numbers<[1], [0], [0], [1], [0, 0, 1, 1], [], []>, transpose_lhs_hint = false} : vector<2048x8xbf16>, vector<8x256xbf16>, vector<2048x256xf32> -> vector<2048x256xf32>
    %mul3A_477 = arith.mulf %dot_general3A_476, %slice3A_7 : vector<2048x256xf32>
    %reshape3A_478 = vector.shape_cast %mul3A_477 : vector<2048x256xf32> to vector<128x16x256xf32>
    %reduce_sum3A_479 = arith.constant dense<0.000000e+00> : vector<128x256xf32>
    %reduce_sum3A_480 = vector.multi_reduction <add>, %reshape3A_478, %reduce_sum3A_479 [1] : vector<128x16x256xf32> to vector<128x256xf32>
    %slice3A_481 = vector.extract_strided_slice %div3A_362 {offsets = [0, 9], sizes = [128, 1], strides = [1, 1]} : vector<128x16xf32> to vector<128x1xf32>
    %mul3A_482 = vector.broadcast %slice3A_481 : vector<128x1xf32> to vector<128x256xf32>
    %mul3A_483 = arith.mulf %reduce_sum3A_480, %mul3A_482 : vector<128x256xf32>
    %add3A_484 = arith.addf %add3A_472, %mul3A_483 : vector<128x256xf32>
    %slice3A_485 = vector.extract_strided_slice %reshape3A_292 {offsets = [0, 80], sizes = [2048, 8], strides = [1, 1]} : vector<2048x128xf32> to vector<2048x8xf32>
    %convert_element_type3A_486 = arith.truncf %slice3A_485 : vector<2048x8xf32> to vector<2048x8xbf16>
    %dot_general3A_487 = arith.constant dense<0.000000e+00> : vector<2048x256xf32>
    %dot_general3A_488 = tpu.matmul %convert_element_type3A_486, %convert_element_type3A_76, %dot_general3A_487 {dimension_numbers = #tpu.dot_dimension_numbers<[1], [0], [0], [1], [0, 0, 1, 1], [], []>, transpose_lhs_hint = false} : vector<2048x8xbf16>, vector<8x256xbf16>, vector<2048x256xf32> -> vector<2048x256xf32>
    %mul3A_489 = arith.mulf %dot_general3A_488, %slice3A_7 : vector<2048x256xf32>
    %reshape3A_490 = vector.shape_cast %mul3A_489 : vector<2048x256xf32> to vector<128x16x256xf32>
    %reduce_sum3A_491 = arith.constant dense<0.000000e+00> : vector<128x256xf32>
    %reduce_sum3A_492 = vector.multi_reduction <add>, %reshape3A_490, %reduce_sum3A_491 [1] : vector<128x16x256xf32> to vector<128x256xf32>
    %slice3A_493 = vector.extract_strided_slice %div3A_362 {offsets = [0, 10], sizes = [128, 1], strides = [1, 1]} : vector<128x16xf32> to vector<128x1xf32>
    %mul3A_494 = vector.broadcast %slice3A_493 : vector<128x1xf32> to vector<128x256xf32>
    %mul3A_495 = arith.mulf %reduce_sum3A_492, %mul3A_494 : vector<128x256xf32>
    %add3A_496 = arith.addf %add3A_484, %mul3A_495 : vector<128x256xf32>
    %slice3A_497 = vector.extract_strided_slice %reshape3A_292 {offsets = [0, 88], sizes = [2048, 8], strides = [1, 1]} : vector<2048x128xf32> to vector<2048x8xf32>
    %convert_element_type3A_498 = arith.truncf %slice3A_497 : vector<2048x8xf32> to vector<2048x8xbf16>
    %dot_general3A_499 = arith.constant dense<0.000000e+00> : vector<2048x256xf32>
    %dot_general3A_500 = tpu.matmul %convert_element_type3A_498, %convert_element_type3A_76, %dot_general3A_499 {dimension_numbers = #tpu.dot_dimension_numbers<[1], [0], [0], [1], [0, 0, 1, 1], [], []>, transpose_lhs_hint = false} : vector<2048x8xbf16>, vector<8x256xbf16>, vector<2048x256xf32> -> vector<2048x256xf32>
    %mul3A_501 = arith.mulf %dot_general3A_500, %slice3A_7 : vector<2048x256xf32>
    %reshape3A_502 = vector.shape_cast %mul3A_501 : vector<2048x256xf32> to vector<128x16x256xf32>
    %reduce_sum3A_503 = arith.constant dense<0.000000e+00> : vector<128x256xf32>
    %reduce_sum3A_504 = vector.multi_reduction <add>, %reshape3A_502, %reduce_sum3A_503 [1] : vector<128x16x256xf32> to vector<128x256xf32>
    %slice3A_505 = vector.extract_strided_slice %div3A_362 {offsets = [0, 11], sizes = [128, 1], strides = [1, 1]} : vector<128x16xf32> to vector<128x1xf32>
    %mul3A_506 = vector.broadcast %slice3A_505 : vector<128x1xf32> to vector<128x256xf32>
    %mul3A_507 = arith.mulf %reduce_sum3A_504, %mul3A_506 : vector<128x256xf32>
    %add3A_508 = arith.addf %add3A_496, %mul3A_507 : vector<128x256xf32>
    %slice3A_509 = vector.extract_strided_slice %reshape3A_292 {offsets = [0, 96], sizes = [2048, 8], strides = [1, 1]} : vector<2048x128xf32> to vector<2048x8xf32>
    %convert_element_type3A_510 = arith.truncf %slice3A_509 : vector<2048x8xf32> to vector<2048x8xbf16>
    %dot_general3A_511 = arith.constant dense<0.000000e+00> : vector<2048x256xf32>
    %dot_general3A_512 = tpu.matmul %convert_element_type3A_510, %convert_element_type3A_76, %dot_general3A_511 {dimension_numbers = #tpu.dot_dimension_numbers<[1], [0], [0], [1], [0, 0, 1, 1], [], []>, transpose_lhs_hint = false} : vector<2048x8xbf16>, vector<8x256xbf16>, vector<2048x256xf32> -> vector<2048x256xf32>
    %mul3A_513 = arith.mulf %dot_general3A_512, %slice3A_7 : vector<2048x256xf32>
    %reshape3A_514 = vector.shape_cast %mul3A_513 : vector<2048x256xf32> to vector<128x16x256xf32>
    %reduce_sum3A_515 = arith.constant dense<0.000000e+00> : vector<128x256xf32>
    %reduce_sum3A_516 = vector.multi_reduction <add>, %reshape3A_514, %reduce_sum3A_515 [1] : vector<128x16x256xf32> to vector<128x256xf32>
    %slice3A_517 = vector.extract_strided_slice %div3A_362 {offsets = [0, 12], sizes = [128, 1], strides = [1, 1]} : vector<128x16xf32> to vector<128x1xf32>
    %mul3A_518 = vector.broadcast %slice3A_517 : vector<128x1xf32> to vector<128x256xf32>
    %mul3A_519 = arith.mulf %reduce_sum3A_516, %mul3A_518 : vector<128x256xf32>
    %add3A_520 = arith.addf %add3A_508, %mul3A_519 : vector<128x256xf32>
    %slice3A_521 = vector.extract_strided_slice %reshape3A_292 {offsets = [0, 104], sizes = [2048, 8], strides = [1, 1]} : vector<2048x128xf32> to vector<2048x8xf32>
    %convert_element_type3A_522 = arith.truncf %slice3A_521 : vector<2048x8xf32> to vector<2048x8xbf16>
    %dot_general3A_523 = arith.constant dense<0.000000e+00> : vector<2048x256xf32>
    %dot_general3A_524 = tpu.matmul %convert_element_type3A_522, %convert_element_type3A_76, %dot_general3A_523 {dimension_numbers = #tpu.dot_dimension_numbers<[1], [0], [0], [1], [0, 0, 1, 1], [], []>, transpose_lhs_hint = false} : vector<2048x8xbf16>, vector<8x256xbf16>, vector<2048x256xf32> -> vector<2048x256xf32>
    %mul3A_525 = arith.mulf %dot_general3A_524, %slice3A_7 : vector<2048x256xf32>
    %reshape3A_526 = vector.shape_cast %mul3A_525 : vector<2048x256xf32> to vector<128x16x256xf32>
    %reduce_sum3A_527 = arith.constant dense<0.000000e+00> : vector<128x256xf32>
    %reduce_sum3A_528 = vector.multi_reduction <add>, %reshape3A_526, %reduce_sum3A_527 [1] : vector<128x16x256xf32> to vector<128x256xf32>
    %slice3A_529 = vector.extract_strided_slice %div3A_362 {offsets = [0, 13], sizes = [128, 1], strides = [1, 1]} : vector<128x16xf32> to vector<128x1xf32>
    %mul3A_530 = vector.broadcast %slice3A_529 : vector<128x1xf32> to vector<128x256xf32>
    %mul3A_531 = arith.mulf %reduce_sum3A_528, %mul3A_530 : vector<128x256xf32>
    %add3A_532 = arith.addf %add3A_520, %mul3A_531 : vector<128x256xf32>
    %slice3A_533 = vector.extract_strided_slice %reshape3A_292 {offsets = [0, 112], sizes = [2048, 8], strides = [1, 1]} : vector<2048x128xf32> to vector<2048x8xf32>
    %convert_element_type3A_534 = arith.truncf %slice3A_533 : vector<2048x8xf32> to vector<2048x8xbf16>
    %dot_general3A_535 = arith.constant dense<0.000000e+00> : vector<2048x256xf32>
    %dot_general3A_536 = tpu.matmul %convert_element_type3A_534, %convert_element_type3A_76, %dot_general3A_535 {dimension_numbers = #tpu.dot_dimension_numbers<[1], [0], [0], [1], [0, 0, 1, 1], [], []>, transpose_lhs_hint = false} : vector<2048x8xbf16>, vector<8x256xbf16>, vector<2048x256xf32> -> vector<2048x256xf32>
    %mul3A_537 = arith.mulf %dot_general3A_536, %slice3A_7 : vector<2048x256xf32>
    %reshape3A_538 = vector.shape_cast %mul3A_537 : vector<2048x256xf32> to vector<128x16x256xf32>
    %reduce_sum3A_539 = arith.constant dense<0.000000e+00> : vector<128x256xf32>
    %reduce_sum3A_540 = vector.multi_reduction <add>, %reshape3A_538, %reduce_sum3A_539 [1] : vector<128x16x256xf32> to vector<128x256xf32>
    %slice3A_541 = vector.extract_strided_slice %div3A_362 {offsets = [0, 14], sizes = [128, 1], strides = [1, 1]} : vector<128x16xf32> to vector<128x1xf32>
    %mul3A_542 = vector.broadcast %slice3A_541 : vector<128x1xf32> to vector<128x256xf32>
    %mul3A_543 = arith.mulf %reduce_sum3A_540, %mul3A_542 : vector<128x256xf32>
    %add3A_544 = arith.addf %add3A_532, %mul3A_543 : vector<128x256xf32>
    %slice3A_545 = vector.extract_strided_slice %reshape3A_292 {offsets = [0, 120], sizes = [2048, 8], strides = [1, 1]} : vector<2048x128xf32> to vector<2048x8xf32>
    %convert_element_type3A_546 = arith.truncf %slice3A_545 : vector<2048x8xf32> to vector<2048x8xbf16>
    %dot_general3A_547 = arith.constant dense<0.000000e+00> : vector<2048x256xf32>
    %dot_general3A_548 = tpu.matmul %convert_element_type3A_546, %convert_element_type3A_76, %dot_general3A_547 {dimension_numbers = #tpu.dot_dimension_numbers<[1], [0], [0], [1], [0, 0, 1, 1], [], []>, transpose_lhs_hint = false} : vector<2048x8xbf16>, vector<8x256xbf16>, vector<2048x256xf32> -> vector<2048x256xf32>
    %mul3A_549 = arith.mulf %dot_general3A_548, %slice3A_7 : vector<2048x256xf32>
    %reshape3A_550 = vector.shape_cast %mul3A_549 : vector<2048x256xf32> to vector<128x16x256xf32>
    %reduce_sum3A_551 = arith.constant dense<0.000000e+00> : vector<128x256xf32>
    %reduce_sum3A_552 = vector.multi_reduction <add>, %reshape3A_550, %reduce_sum3A_551 [1] : vector<128x16x256xf32> to vector<128x256xf32>
    %slice3A_553 = vector.extract_strided_slice %div3A_362 {offsets = [0, 15], sizes = [128, 1], strides = [1, 1]} : vector<128x16xf32> to vector<128x1xf32>
    %mul3A_554 = vector.broadcast %slice3A_553 : vector<128x1xf32> to vector<128x256xf32>
    %mul3A_555 = arith.mulf %reduce_sum3A_552, %mul3A_554 : vector<128x256xf32>
    %add3A_556 = arith.addf %add3A_544, %mul3A_555 : vector<128x256xf32>
    %convert_element_type3A_557 = arith.truncf %add3A_556 : vector<128x256xf32> to vector<128x256xbf16>
    %get3A_558 = arith.constant 0 : index
    %get3A_559 = arith.constant 0 : index
    %get3A_560 = vector.load %arg3[%get3A_558, %get3A_559] : memref<256x256xf32, #tpu.memory_space<vmem>>, vector<256x256xf32>
    %convert_element_type3A_561 = arith.truncf %get3A_560 : vector<256x256xf32> to vector<256x256xbf16>
    %dot_general3A_562 = arith.constant dense<0.000000e+00> : vector<128x256xf32>
    %dot_general3A_563 = tpu.matmul %convert_element_type3A_557, %convert_element_type3A_561, %dot_general3A_562 {dimension_numbers = #tpu.dot_dimension_numbers<[1], [0], [0], [1], [0, 0, 1, 1], [], []>, transpose_lhs_hint = false} : vector<128x256xbf16>, vector<256x256xbf16>, vector<128x256xf32> -> vector<128x256xf32>
    %swap3A = arith.constant 0 : index
    %swap3A_564 = arith.constant 0 : index
    %swap3A_565 = vector.load %arg6[%swap3A, %swap3A_564] : memref<128x256xf32, #tpu.memory_space<vmem>>, vector<128x256xf32>
    tpu.vector_store %arg6[%swap3A, %swap3A_564], %dot_general3A_563 {strides = array<i32>} : memref<128x256xf32, #tpu.memory_space<vmem>>, vector<128x256xf32>,
    return
  }
  func.func @transform_0(%arg0: i32) -> (i32, i32) {
    %c0_i32 = arith.constant 0 : i32
    %c0_i32_0 = arith.constant 0 : i32
    return %arg0, %c0_i32 : i32, i32
  }
  func.func @transform_1(%arg0: i32) -> (i32, i32) {
    %c0_i32 = arith.constant 0 : i32
    %c0_i32_0 = arith.constant 0 : i32
    %c0_i32_1 = arith.constant 0 : i32
    return %c0_i32, %c0_i32_0 : i32, i32
  }
  func.func @transform_2(%arg0: i32) -> (i32, i32) {
    %c0_i32 = arith.constant 0 : i32
    %c0_i32_0 = arith.constant 0 : i32
    %c0_i32_1 = arith.constant 0 : i32
    return %c0_i32, %c0_i32_0 : i32, i32
  }
  func.func @transform_3(%arg0: i32) -> (i32, i32) {
    %c0_i32 = arith.constant 0 : i32
    %c0_i32_0 = arith.constant 0 : i32
    %c0_i32_1 = arith.constant 0 : i32
    return %c0_i32, %c0_i32_0 : i32, i32
  }
  func.func @transform_4(%arg0: i32) -> (i32, i32) {
    %c0_i32 = arith.constant 0 : i32
    %c0_i32_0 = arith.constant 0 : i32
    %c0_i32_1 = arith.constant 0 : i32
    return %c0_i32, %c0_i32_0 : i32, i32
  }
  func.func @transform_5(%arg0: i32) -> (i32, i32) {
    %c0_i32 = arith.constant 0 : i32
    %c0_i32_0 = arith.constant 0 : i32
    return %arg0, %c0_i32 : i32, i32
  }
}

</mosaic_0001>

<sc_bundles>
// kernel: kernel.14.cloned.1.call-start
scs
__scs_entry_jumppad:
0x0: {  	(pc) =	sbr.rel $0x88, $3  }
0x1: {  	(tag) =	ssettag $0x0;
	lr =	simm.s32 $0x1  }
0x2: {  	[smem:$0x3F9C] =	sst lr;
	_ =	strace $0xD0000000  }
0x3: {  	_ = 	snop  }
0x4: {  	_ = 	snop  }
0x5: {  	_ = 	snop  }
0x6: {  	_ = 	snop  }
0x7: {  	_ = 	snop  }
__scs_overlays_trampoline_lowered:
0x8: {  	[smem:$0x3FAB] =	sst s0  }
0x9: {  	[smem:$0x3FAC] =	sst s1  }
0xa: {  	[smem:$0x3FAD] =	sst s2  }
0xb: {  	[smem:$0x3FAE] =	sst s3  }
0xc: {  	[smem:$0x3FAF] =	sst s4  }
0xd: {  	[smem:$0x3FB0] =	sst s5  }
0xe: {  	[smem:$0x3FB1] =	sst s6  }
0xf: {  	[smem:$0x3FB2] =	sst s7  }
0x10: {  	[smem:$0x3FB3] =	sst s8  }
0x11: {  	[smem:$0x3FB4] =	sst s9;
	s0 =	simm.s32 @!p0 $0x0  }
0x12: {  	s1 =	sld [smem:$0x3F9A];
	s0 =	simm.s32 @p0 $0x1  }
0x13: {  	[smem:$0x3FB5] =	sst s0;
	s0 =	simm.s32 @!p1 $0x0  }
0x14: {  	s2 =	sld [smem:$0x3F99];
	s0 =	simm.s32 @p1 $0x1  }
0x15: {  	[smem:$0x3FB6] =	sst s0;
	s0 =	simm.s32 @!p2 $0x0  }
0x16: {  	s3 =	sld [smem:$0x3FDB];
	s0 =	simm.s32 @p2 $0x1  }
0x17: {  	s4 =	simm.s32 $0x1BF5;
	[smem:$0x3FB8] =	sst s0  }
0x18: {  	s0 =	sld [smem:$0x3F9B];
	_ =	swait.ge [sflag:s4], $0x0  }
0x19: {  	s7 =	sld [smem:$0x3F9C]  }
0x1a: {  	s8 =	sadd.s32 $0xFFFFE003, lr  }
0x1b: {  	s9 =	sadd.s32 $0xFFFFFEF7, lr;
	s5 =	simm.s32 $0xFFFFFFFF;
	p2 =	slt.u32 s8, $0xFFFFF086  }
0x1c: {  	p1 =	slt.u32 s9, $0xF7A;
	s5 =	simm.s32 @!p2 $0x0  }
0x1d: {  	s5 =	simm.s32 @p1 $0x1;
	p0 =	seq.s32 s7, s2  }
0x1e: {  	s7 =	smul.u32 @!p0 $0xF7A, s2;
	p2 =	seq.s32 @!p0 s5, $0x0  }
0x1f: {  	s9 =	smul.u32 $0xF7A, s1;
	s8 =	simm.s32 @!p0 $0x1BF5;
	p2 =	por !p2, p0  }
0x20: {  	[sflag:s8] =	ssyncset.s32 @!p0 $0xFFFFF086;
	s6 =	sadd.s32 @!p0 s3, s7;
	s7 =	simm.s32 @!p0 $0x108  }
0x21: {  	s3 =	sadd.s32 s3, s9;
	s6 =	sadd.s32 @!p0 $0x88, s6;
	s7 =	simm.s32 @p2 $0x1082  }
0x22: {  	[simem:s7], [sflag:s8] =	dma.local @!p0 [hbm:s6], $0xF7A  }
0x23: {  	s9 =	sor.u32 $0xD0000000, s2;
	s6 =	simm.s32 $0x108;
	_ =	swait.ge @!p0 [sflag:s8], $0x0  }
0x24: {  	s3 =	sadd.s32 $0x88, s3;
	s6 =	simm.s32 @!p1 $0x1082;
	[sflag:s4] =	ssyncset.s32 $0xFFFFF086  }
0x25: {  	[simem:s6], [sflag:s4] =	dma.local [hbm:s3], $0xF7A  }
0x26: {  	[smem:$0x3F9C] =	sst s1;
	(tag) =	ssettag s2;
	_ =	strace s9  }
0x27: {  	s1 =	sld [smem:$0x3FAC]  }
0x28: {  	s2 =	sld [smem:$0x3FAD]  }
0x29: {  	s4 =	sld [smem:$0x3FAF]  }
0x2a: {  	p0 =	seq.s32 s5, $0x0;
	s5 =	sld [smem:$0x3FB0]  }
0x2b: {  	s6 =	sld [smem:$0x3FB1]  }
0x2c: {  	s7 =	sld [smem:$0x3FB2]  }
0x2d: {  	s3 =	simm.s32 $0x108;
	s8 =	sld [smem:$0x3FB3]  }
0x2e: {  	s3 =	simm.s32 @!p0 $0x1082;
	s9 =	sld [smem:$0x3FB4]  }
0x2f: {  	lr =	sadd.s32 s0, s3;
	s0 =	sld [smem:$0x3FAB]  }
0x30: {  	s3 =	sld [smem:$0x3FAE]  }
0x31: {  	[smem:$0x3FB7] =	sst s10  }
0x32: {  	s10 =	sld [smem:$0x3FB5];
	_ =	sdelay $0x3  }
0x33: {  	p0 =	seq.s32 s10, $0x1;
	s10 =	sld [smem:$0x3FB7];
	_ =	sdelay $0x3  }
0x34: {  	[smem:$0x3FB7] =	sst s10  }
0x35: {  	s10 =	sld [smem:$0x3FB6];
	_ =	sdelay $0x3  }
0x36: {  	p1 =	seq.s32 s10, $0x1;
	s10 =	sld [smem:$0x3FB7];
	_ =	sdelay $0x3  }
0x37: {  	[smem:$0x3FB7] =	sst s10  }
0x38: {  	s10 =	sld [smem:$0x3FB8]  }
0x39: {  	_ = 	snop;
	(pc) =	sbr.ind lr, $3  }
0x3a: {  	_ = 	snop  }
0x3b: {  	_ = 	snop  }
0x3c: {  	p2 =	seq.s32 s10, $0x1;
	s10 =	sld [smem:$0x3FB7]  }
0x3d: {  	_ =	shalt  }
0x3e: {  	_ =	shalt  }
0x3f: {  	_ =	shalt  }
0x40: {  	_ =	shalt  }
0x41: {  	_ =	shalt  }
0x42: {  	_ =	shalt  }
0x43: {  	_ =	shalt  }
0x44: {  	_ =	shalt  }
0x45: {  	_ =	shalt  }
0x46: {  	_ =	shalt  }
0x47: {  	_ =	shalt  }
0x48: {  	_ =	shalt  }
0x49: {  	_ =	shalt  }
0x4a: {  	_ =	shalt  }
0x4b: {  	_ =	shalt  }
0x4c: {  	_ =	shalt  }
0x4d: {  	_ =	shalt  }
0x4e: {  	_ =	shalt  }
0x4f: {  	_ =	shalt  }
0x50: {  	_ =	shalt  }
0x51: {  	_ =	shalt  }
0x52: {  	_ =	shalt  }
0x53: {  	_ =	shalt  }
0x54: {  	_ =	shalt  }
0x55: {  	_ =	shalt  }
0x56: {  	_ =	shalt  }
0x57: {  	_ =	shalt  }
0x58: {  	_ =	shalt  }
0x59: {  	_ =	shalt  }
0x5a: {  	_ =	shalt  }
0x5b: {  	_ =	shalt  }
0x5c: {  	_ =	shalt  }
0x5d: {  	_ =	shalt  }
0x5e: {  	_ =	shalt  }
0x5f: {  	_ =	shalt  }
0x60: {  	_ =	shalt  }
0x61: {  	_ =	shalt  }
0x62: {  	_ =	shalt  }
0x63: {  	_ =	shalt  }
0x64: {  	_ =	shalt  }
0x65: {  	_ =	shalt  }
0x66: {  	_ =	shalt  }
0x67: {  	_ =	shalt  }
0x68: {  	_ =	shalt  }
0x69: {  	_ =	shalt  }
0x6a: {  	_ =	shalt  }
0x6b: {  	_ =	shalt  }
0x6c: {  	_ =	shalt  }
0x6d: {  	_ =	shalt  }
0x6e: {  	_ =	shalt  }
0x6f: {  	_ =	shalt  }
0x70: {  	_ =	shalt  }
0x71: {  	_ =	shalt  }
0x72: {  	_ =	shalt  }
0x73: {  	_ =	shalt  }
0x74: {  	_ =	shalt  }
0x75: {  	_ =	shalt  }
0x76: {  	_ =	shalt  }
0x77: {  	_ =	shalt  }
0x78: {  	_ =	shalt  }
0x79: {  	_ =	shalt  }
0x7a: {  	_ =	shalt  }
0x7b: {  	_ =	shalt  }
0x7c: {  	_ =	shalt  }
0x7d: {  	_ =	shalt  }
0x7e: {  	_ =	shalt  }
0x7f: {  	_ =	shalt  }
0x80: {  	_ =	shalt  }
0x81: {  	_ =	shalt  }
0x82: {  	_ =	shalt  }
0x83: {  	_ =	shalt  }
0x84: {  	_ =	shalt  }
0x85: {  	_ =	shalt  }
0x86: {  	_ =	shalt  }
0x87: {  	_ =	shalt  }
.Lfunc_end0:
.L_simem_size_0:
called_computation_lowered:
.L_overlay_start_0:
0x88: {  	s2 =	sld [smem:$0x3FD9]  }
0x89: {  	s3 =	sld [smem:$0x3FFE];
	_ =	sdelay $0x1  }
0x8a: {  	s1 =	srdreg.scid  }
0x8b: {  	s0 =	sand.u32 $0x1, s1  }
0x8c: {  	s17 =	sshll.u32 s0, $0xA;
	s2 =	sadd.s32 s3, s2  }
0x8d: {  	s2 =	sadd.s32 s2, s17  }
0x8e: {  	[smem:$0x3FC3] =	sst s2  }
0x8f: {  	_ = 	snop  }
0x90: {  	s18 =	sld [smem:$0x3FD0];
	(tm) =	ssettm $0x1  }
0x91: {  	s19 =	sld [smem:$0x3FFB];
	_ =	sdelay $0x3  }
0x92: {  	_ =	strace s19  }
0x93: {  	s2 =	sld [smem:$0x3FFC];
	_ =	sdelay $0x3  }
0x94: {  	_ =	strace s2  }
0x95: {  	s2 =	sld [smem:$0x3FFD];
	_ =	sdelay $0x3  }
0x96: {  	_ =	strace s2  }
0x97: {  	_ =	strace $0x8FFFFFFF  }
0x98: {  	s20 =	sld [smem:$0x3FDB];
	_ =	sdelay $0x1  }
0x99: {  	s4 =	simm.s32 $_scs_section_size  }
0x9a: {  	s5 =	simm.s32 $_size__tile_overlayer_lowered;
	s6 =	simm.s32 $_tile_overlayer_lowered  }
0x9b: {  	s7 =	simm.s32 $0x1BFF;
	s21 =	sshll.u32 s6, $0x1;
	s4 =	sadd.s32 s4, s20  }
0x9c: {  	s22 =	simm.s32 $0x0;
	s5 =	sshll.u32 s5, $0x1;
	s6 =	sadd.s32 s21, s4  }
0x9d: {  	[timem:s22], [sflag:s7] =	dma.local [hbm:s6], s5  }
0x9e: {  	_ =	swait.ge [sflag:s7], s5  }
0x9f: {  	s5 =	ssub.s32 $0x0, s5;
	[sflag:s7] =	ssyncset.done $0x0  }
0xa0: {  	[sflag:s7] =	ssyncadd.s32 s5;
	_ =	sdelay $0x1  }
0xa1: {  	s23 =	simm.s32 $0x1B8B  }
0xa2: {  	_ =	swait.ge [sflag:s23], $0x1  }
0xa3: {  	[sflag:s23] =	ssyncset.done $0x0  }
0xa4: {  	[sflag:s23] =	ssyncadd.s32 $0xFFFFFFFF  }
0xa5: {  	s5 =	sld [smem:$0x0]  }
0xa6: {  	s6 =	sand.u32 $0xFFFFFFFE, s1  }
0xa7: {  	p0 =	sne.s32 s1, s6  }
0xa8: {  	s6 =	sshll.u32 @p0 s6, $0xE  }
0xa9: {  	s6 =	sadd.s32 @p0 $0x11B8D, s6;
	s7 =	sshll.u32 @p0 s5, $0x11  }
0xaa: {  	s6 =	sor.u32 @p0 s7, s6  }
0xab: {  	[sflag:s6] =	ssyncadd.remote.s32 @p0 $0x1;
	_ =	sdelay $0x1  }
0xac: {  	s6 =	simm.s32 @p0 $0x1B8D  }
0xad: {  	_ =	swait.eq @p0 [sflag:s6], $0x1  }
0xae: {  	[sflag:s6] =	ssyncadd.s32 @p0 $0xFFFFFFFF  }
0xaf: {  	s7 =	sshll.u32 @!p0 s1, $0xE  }
0xb0: {  	s7 =	sor.u32 @!p0 $0x4000, s7;
	s6 =	simm.s32 @!p0 $0x1B8D  }
0xb1: {  	s5 =	sshll.u32 @!p0 s5, $0x11;
	s7 =	sadd.s32 @!p0 $0x11B8D, s7;
	_ =	swait.eq @!p0 [sflag:s6], $0x1  }
0xb2: {  	s5 =	sor.u32 @!p0 s5, s7;
	[sflag:s6] =	ssyncadd.s32 @!p0 $0xFFFFFFFF  }
0xb3: {  	s25 =	simm.s32 $0x1B8E;
	s24 =	sld [smem:$0x3FFE];
	[sflag:s5] =	ssyncadd.remote.s32 @!p0 $0x1  }
0xb4: {  	s26 =	simm.s32 $execute0_lowered;
	[smem:$0x3FD2] =	sst s25  }
0xb5: {  	s6 =	sshll.u32 s26, $0x1;
	_ =	strace $0x8000004F;
	[dreg:$0x1] =	wrdreg $0xFFFFFFFF  }
0xb6: {  	s28 =	simm.s32 $_size_execute0_lowered;
	s4 =	sadd.s32 s4, s6;
	[dreg:$0x0] =	wrdreg $0x0  }
0xb7: {  	s6 =	sshll.u32 s28, $0x1;
	[dreg:$0x2] =	wrdreg s4  }
0xb8: {  	[dreg:$0x3] =	wrdreg s6  }
0xb9: {  	[dreg:$0x4] =	wrdreg $0xC0  }
0xba: {  	_ =	task [dreg:s22], $0x5FFFF  }
0xbb: {  	[dreg:$0x1] =	wrdreg $0xFFFFFFFF  }
0xbc: {  	[dreg:$0x0] =	wrdreg $0x60  }
0xbd: {  	[dreg:$0x2] =	wrdreg s18  }
0xbe: {  	[dreg:$0x3] =	wrdreg s24  }
0xbf: {  	[dreg:$0x4] =	wrdreg $0x9  }
0xc0: {  	_ =	task.clear_ibuf [dreg:s22], $0x5FFFF;
	_ =	strace $0x9000004F  }
0xc1: {  	s29 =	simm.s32 $0x9;
	_ =	strace $0x80000051  }
0xc2: {  	_ =	swait.ge [sflag:s29], $0x1  }
0xc3: {  	[sflag:s29] =	ssyncadd.s32 $0xFFFFFFFF  }
0xc4: {  	_ =	strace $0x90000051  }
0xc5: {  	_ =	sfence  }
0xc6: {  	s30 =	sld [smem:$0x0];
	_ =	sdelay $0x2  }
0xc7: {  	s31 =	sshll.u32 s1, $0xD;
	s1 =	sshrl.u32 s1, $0x2  }
0xc8: {  	s4 =	sand.u32 $0x4000, s31;
	s1 =	sadd.s32 s1, s30  }
0xc9: {  	s0 =	sor.u32 s4, s0;
	s1 =	sshll.u32 s1, $0x11  }
0xca: {  	s0 =	sor.u32 s1, s0  }
0xcb: {  	s0 =	sadd.s32 $0x8F2B, s0  }
0xcc: {  	[sflag:s0] =	ssyncadd.remote.s32 $0x1  }
0xcd: {  	_ =	sfence.sel $0xFFFF  }
0xce: {  	[dreg:$0x0] =	wrdreg $0xFFFFFFFF;
	(pc) =	sbr.abs _section_cstart, $3  }
0xcf: {  	[dreg:$0x1] =	wrdreg $0xFFFFFFFF  }
0xd0: {  	_ =	task.clear_ibuf [dreg:s22], $0x2FFFF;
	_ =	strace $0x9FFFFFFF  }
0xd1: {  	(tm) =	ssettm $0x7FFFFFFF  }
tec
execute0_lowered:
.L_overlay_start_1:
0x0: {  	(tag) =	ssettag $0x1  }
0x1: {  	s1 =	rddreg [dreg:$0x0]  }
0x2: {  	s4 =	rddreg [dreg:$0x1]  }
0x3: {  	s0 =	rddreg [dreg:$0x2];
	s5 =	srdreg.scid  }
0x4: {  	s3 =	simm.s32 $0x0;
	s2 =	stileid.u32;
	s10 =	simm.s32 $0x1080  }
0x5: {  	s11 =	simm.s32 $0x1880;
	s12 =	simm.s32 $0x2080;
	s13 =	simm.s32 $0x2880  }
0x6: {  	s14 =	simm.s32 $0x3080;
	s15 =	simm.s32 $0x3880;
	s16 =	simm.s32 $0x4080  }
0x7: {  	s17 =	simm.s32 $0x4880;
	s18 =	simm.s32 $0x5080;
	s19 =	simm.s32 $0x5880  }
0x8: {  	s20 =	simm.s32 $0x6080;
	s21 =	simm.s32 $0x6880;
	s22 =	simm.s32 $0x7080  }
0x9: {  	s23 =	simm.s32 $0x7880;
	s24 =	simm.s32 $0x1;
	s25 =	simm.s32 $0x0  }
0xa: {  	s5 =	sand.u32 $0x1, s5;
	[smem:$0x7FF] =	sst s3;
	s6 =	sshll.u32 s2, $0xB  }
0xb: {  	s8 =	sshll.u32 s2, $0x10;
	s7 =	sshll.u32 s5, $0xA;
	_ =	strace $0x80000050  }
0xc: {  	s31 =	ssub.s32 $0x2, s5;
	s8 =	sadd.s32 s8, s4;
	s5 =	sshll.u32 s5, $0xF  }
0xd: {  	s6 =	sor.u32 s7, s6;
	s9 =	sshrl.u32 s31, $0x1;
	s5 =	sadd.s32 s5, s8  }
0xe: {  	v2 =	vlaneseq.u32;
	s8 =	simm.s32 $0x80;
	s6 =	sshrl.u32 s6, $0x3;
	s7 =	ssub.s32 s31, s9  }
0xf: {  	vm0 =	vmmov $0xffff;
	v1 =	vshrl.u32 v2, $0x3;
	s5 =	sadd.s32 $0x335800, s5;
	s9 =	simm.s32 $0x880;
	s6 =	sadd.s32 s6, s4  }
0x10: {  	v0 =	vand.u32 $0x7, v2;
	v2 =	vor.u32 $0x8, v2;
	v1 =	vmul.u32 $0x8, v1;
	s4 =	smax.u32 s7, $0x1;
	s7 =	simm.s32 $0x2;
	s6 =	sadd.s32 $0x334800, s6  }
.LBB2_1:
0x11: {  	s26 =	smov.u32 s5;
	s28 =	simm.s32 $0x0  }
.LBB2_2:
0x12: {  	s29 =	sadd.s32 s28, s6  }
0x13: {  	[tilespmem:s3], [sflag:$0x2] =	stream.linear.gather [hbm4b:s29+s3], $0x80, $0x38;
	[tilespmem:$0x8080] =	vst v63  }
0x14: {  	_ =	swait.ge [sflag:s7], $0x80  }
0x15: {  	[sflag:s7] =	ssyncset.done $0x0  }
0x16: {  	[sflag:s7] =	ssyncadd.s32 $0xFFFFFF80  }
0x17: {  	v3 =	vld [tilespmem:$0x0];
	_ =	sdelay $0x4  }
0x18: {  	v4 =	vshll.u32 v3, $0x1  }
0x19: {  	v3 =	vand.u32 $0x7, v3;
	v4 =	vand.u32 $0xFFFFFFF0, v4  }
0x1a: {  	v3 =	vor.u32 v3, v4  }
0x1b: {  	v4 =	vperm.xlane v3, v0;
	_ =	sdelay $0x1  }
0x1c: {  	v3 =	vperm.xlane v3, v2;
	v4 =	vadd.s32 v1, v4;
	_ =	sdelay $0x1  }
0x1d: {  	v3 =	vadd.s32 v1, v3;
	_ =	sdelay $0x2  }
0x1e: {  	[tilespmem:s8], [sflag:$0x1] =	stream.indirect_vreg.gather [hbm4b:s1+s3], $0x80, v4, vm0, $0xb8;
	[tilespmem:$0x8080] =	vst v63  }
0x1f: {  	_ = 	snop  }
0x20: {  	[tilespmem:s9], [sflag:$0x1] =	stream.indirect_vreg.gather [hbm4b:s1+s3], $0x80, v3, vm0, $0xb8;
	[tilespmem:$0x8080] =	vst v63  }
0x21: {  	v3 =	vld [tilespmem:$0x10];
	_ =	sdelay $0x4  }
0x22: {  	v57 =	vshll.u32 v3, $0x1  }
0x23: {  	v3 =	vand.u32 $0x7, v3;
	v4 =	vand.u32 $0xFFFFFFF0, v57  }
0x24: {  	v3 =	vor.u32 v3, v4  }
0x25: {  	v4 =	vperm.xlane v3, v0;
	_ =	sdelay $0x1  }
0x26: {  	v3 =	vperm.xlane v3, v2;
	v4 =	vadd.s32 v1, v4;
	_ =	sdelay $0x1  }
0x27: {  	v3 =	vadd.s32 v1, v3;
	_ =	sdelay $0x2  }
0x28: {  	[tilespmem:s10], [sflag:$0x1] =	stream.indirect_vreg.gather [hbm4b:s1+s3], $0x80, v4, vm0, $0xb8;
	[tilespmem:$0x8080] =	vst v63  }
0x29: {  	_ = 	snop  }
0x2a: {  	[tilespmem:s11], [sflag:$0x1] =	stream.indirect_vreg.gather [hbm4b:s1+s3], $0x80, v3, vm0, $0xb8;
	[tilespmem:$0x8080] =	vst v63  }
0x2b: {  	v3 =	vld [tilespmem:$0x20];
	_ =	sdelay $0x4  }
0x2c: {  	v58 =	vshll.u32 v3, $0x1  }
0x2d: {  	v3 =	vand.u32 $0x7, v3;
	v4 =	vand.u32 $0xFFFFFFF0, v58  }
0x2e: {  	v3 =	vor.u32 v3, v4  }
0x2f: {  	v4 =	vperm.xlane v3, v0;
	_ =	sdelay $0x1  }
0x30: {  	v3 =	vperm.xlane v3, v2;
	v4 =	vadd.s32 v1, v4;
	_ =	sdelay $0x1  }
0x31: {  	v3 =	vadd.s32 v1, v3;
	_ =	sdelay $0x2  }
0x32: {  	[tilespmem:s12], [sflag:$0x1] =	stream.indirect_vreg.gather [hbm4b:s1+s3], $0x80, v4, vm0, $0xb8;
	[tilespmem:$0x8080] =	vst v63  }
0x33: {  	_ = 	snop  }
0x34: {  	[tilespmem:s13], [sflag:$0x1] =	stream.indirect_vreg.gather [hbm4b:s1+s3], $0x80, v3, vm0, $0xb8;
	[tilespmem:$0x8080] =	vst v63  }
0x35: {  	v3 =	vld [tilespmem:$0x30];
	_ =	sdelay $0x4  }
0x36: {  	v59 =	vshll.u32 v3, $0x1  }
0x37: {  	v3 =	vand.u32 $0x7, v3;
	v4 =	vand.u32 $0xFFFFFFF0, v59  }
0x38: {  	v3 =	vor.u32 v3, v4  }
0x39: {  	v4 =	vperm.xlane v3, v0;
	_ =	sdelay $0x1  }
0x3a: {  	v3 =	vperm.xlane v3, v2;
	v4 =	vadd.s32 v1, v4;
	_ =	sdelay $0x1  }
0x3b: {  	v3 =	vadd.s32 v1, v3;
	_ =	sdelay $0x2  }
0x3c: {  	[tilespmem:s14], [sflag:$0x1] =	stream.indirect_vreg.gather [hbm4b:s1+s3], $0x80, v4, vm0, $0xb8;
	[tilespmem:$0x8080] =	vst v63  }
0x3d: {  	_ = 	snop  }
0x3e: {  	[tilespmem:s15], [sflag:$0x1] =	stream.indirect_vreg.gather [hbm4b:s1+s3], $0x80, v3, vm0, $0xb8;
	[tilespmem:$0x8080] =	vst v63  }
0x3f: {  	v3 =	vld [tilespmem:$0x40];
	_ =	sdelay $0x4  }
0x40: {  	v60 =	vshll.u32 v3, $0x1  }
0x41: {  	v3 =	vand.u32 $0x7, v3;
	v4 =	vand.u32 $0xFFFFFFF0, v60  }
0x42: {  	v3 =	vor.u32 v3, v4  }
0x43: {  	v4 =	vperm.xlane v3, v0;
	_ =	sdelay $0x1  }
0x44: {  	v3 =	vperm.xlane v3, v2;
	v4 =	vadd.s32 v1, v4;
	_ =	sdelay $0x1  }
0x45: {  	v3 =	vadd.s32 v1, v3;
	_ =	sdelay $0x2  }
0x46: {  	[tilespmem:s16], [sflag:$0x1] =	stream.indirect_vreg.gather [hbm4b:s1+s3], $0x80, v4, vm0, $0xb8;
	[tilespmem:$0x8080] =	vst v63  }
0x47: {  	_ = 	snop  }
0x48: {  	[tilespmem:s17], [sflag:$0x1] =	stream.indirect_vreg.gather [hbm4b:s1+s3], $0x80, v3, vm0, $0xb8;
	[tilespmem:$0x8080] =	vst v63  }
0x49: {  	v3 =	vld [tilespmem:$0x50];
	_ =	sdelay $0x4  }
0x4a: {  	v61 =	vshll.u32 v3, $0x1  }
0x4b: {  	v3 =	vand.u32 $0x7, v3;
	v4 =	vand.u32 $0xFFFFFFF0, v61  }
0x4c: {  	v3 =	vor.u32 v3, v4  }
0x4d: {  	v4 =	vperm.xlane v3, v0;
	_ =	sdelay $0x1  }
0x4e: {  	v3 =	vperm.xlane v3, v2;
	v4 =	vadd.s32 v1, v4;
	_ =	sdelay $0x1  }
0x4f: {  	v3 =	vadd.s32 v1, v3;
	_ =	sdelay $0x2  }
0x50: {  	[tilespmem:s18], [sflag:$0x1] =	stream.indirect_vreg.gather [hbm4b:s1+s3], $0x80, v4, vm0, $0xb8;
	[tilespmem:$0x8080] =	vst v63  }
0x51: {  	_ = 	snop  }
0x52: {  	[tilespmem:s19], [sflag:$0x1] =	stream.indirect_vreg.gather [hbm4b:s1+s3], $0x80, v3, vm0, $0xb8;
	[tilespmem:$0x8080] =	vst v63  }
0x53: {  	v3 =	vld [tilespmem:$0x60];
	_ =	sdelay $0x4  }
0x54: {  	v62 =	vshll.u32 v3, $0x1  }
0x55: {  	v3 =	vand.u32 $0x7, v3;
	v4 =	vand.u32 $0xFFFFFFF0, v62  }
0x56: {  	v3 =	vor.u32 v3, v4  }
0x57: {  	v4 =	vperm.xlane v3, v0;
	_ =	sdelay $0x1  }
0x58: {  	v3 =	vperm.xlane v3, v2;
	v4 =	vadd.s32 v1, v4;
	_ =	sdelay $0x1  }
0x59: {  	v3 =	vadd.s32 v1, v3;
	_ =	sdelay $0x2  }
0x5a: {  	[tilespmem:s20], [sflag:$0x1] =	stream.indirect_vreg.gather [hbm4b:s1+s3], $0x80, v4, vm0, $0xb8;
	[tilespmem:$0x8080] =	vst v63  }
0x5b: {  	_ = 	snop  }
0x5c: {  	[tilespmem:s21], [sflag:$0x1] =	stream.indirect_vreg.gather [hbm4b:s1+s3], $0x80, v3, vm0, $0xb8;
	[tilespmem:$0x8080] =	vst v63  }
0x5d: {  	v3 =	vld [tilespmem:$0x70];
	_ =	sdelay $0x4  }
0x5e: {  	v63 =	vshll.u32 v3, $0x1  }
0x5f: {  	v3 =	vand.u32 $0x7, v3;
	v4 =	vand.u32 $0xFFFFFFF0, v63  }
0x60: {  	v3 =	vor.u32 v3, v4  }
0x61: {  	v4 =	vperm.xlane v3, v0;
	_ =	sdelay $0x1  }
0x62: {  	v3 =	vperm.xlane v3, v2;
	v4 =	vadd.s32 v1, v4;
	_ =	sdelay $0x1  }
0x63: {  	v3 =	vadd.s32 v1, v3;
	_ =	sdelay $0x2  }
0x64: {  	[tilespmem:s22], [sflag:$0x1] =	stream.indirect_vreg.gather [hbm4b:s1+s3], $0x80, v4, vm0, $0xb8;
	[tilespmem:$0x8080] =	vst v63  }
0x65: {  	_ = 	snop  }
0x66: {  	[tilespmem:s23], [sflag:$0x1] =	stream.indirect_vreg.gather [hbm4b:s1+s3], $0x80, v3, vm0, $0xb8;
	[tilespmem:$0x8080] =	vst v63  }
0x67: {  	_ =	swait.ge [sflag:s24], $0x8000  }
0x68: {  	p0 =	sne.s32 s28, $0x70;
	[sflag:s24] =	ssyncset.done $0x0  }
.Ltmp0:
0x69: {  	[sflag:s24] =	ssyncadd.s32 $0xFFFF8000;
	(pc) =	sbr.rel @p0 .LBB2_2-.Ltmp0, $4  }
0x6a: {  	[hbm4b:s26+s3] =	stream.linear.scatter [tilespmem:s8], [sflag:$0x2], $0x8000, $0x38;
	[tilespmem:$0x8080] =	vst v63  }
0x6b: {  	_ =	swait.ge [sflag:s7], $0x8000  }
0x6c: {  	[sflag:s7] =	ssyncset.done $0x0  }
0x6d: {  	s28 =	sadd.s32 $0x10, s28;
	s26 =	sadd.s32 $0x1000, s26;
	[sflag:s7] =	ssyncadd.s32 $0xFFFF8000  }
0x6e: {  	s25 =	sadd.s32 $0x1, s25  }
0x6f: {  	p0 =	sne.s32 s25, s4  }
.Ltmp1:
0x70: {  	_ = 	snop;
	(pc) =	sbr.rel @p0 .LBB2_1-.Ltmp1, $1  }
0x71: {  	_ =	sdelay $0x3  }
0x72: {  	_ =	sfence.sel $0x180000  }
0x73: {  	[bflag:$0x0] =	sbarrier.arrive $0xFFFF  }
0x74: {  	p0 =	sne.s32 s2, $0x0;
	_ =	strace $0x90000050  }
0x75: {  	s0 =	sadd.s32 @!p0 $0x100000, s0;
	[bflag:$0x2] =	sbarrier.arrive $0xFFFF  }
0x76: {  	[sflag:s0] =	ssyncadd.tile.s32 @!p0 $0x1;
	_ =	shalt  }
.Lfunc_end2:
_tile_overlayer_lowered:
.L_overlay_start_2:
0x77: {  	(tag) =	ssettag $0x2  }
0x78: {  	s0 =	rddreg [dreg:$0x0];
	s2 =	stileid.u32  }
0x79: {  	s1 =	rddreg [dreg:$0x1];
	p0 =	sne.s32 s2, $0x0  }
0x7a: {  	s3 =	rddreg [dreg:$0x2];
	[bflag:$0x3] =	sbarrier.arrive $0xFFFF;
	s2 =	simm.s32 @!p0 $0x1C02  }
0x7b: {  	[timem:s3], [sflag:s2] =	dma.local @!p0 [hbm:s0], s1  }
0x7c: {  	s0 =	simm.s32 @!p0 $0x2  }
0x7d: {  	_ =	swait.ge @!p0 [sflag:s0], s1  }
0x7e: {  	s1 =	ssub.s32 @!p0 $0x0, s1;
	[sflag:s0] =	ssyncset.done @!p0 $0x0  }
0x7f: {  	[sflag:s0] =	ssyncadd.s32 @!p0 s1  }
0x80: {  	[bflag:$0x3] =	sbarrier.arrive $0xFFFF  }
0x81: {  	_ =	shalt  }

// kernel: kernel.17.cloned.1.call-start
scs
__scs_entry_jumppad:
0x0: {  	(pc) =	sbr.rel $0x88, $3  }
0x1: {  	(tag) =	ssettag $0x0;
	lr =	simm.s32 $0x1  }
0x2: {  	[smem:$0x3F9C] =	sst lr;
	_ =	strace $0xD0000000  }
0x3: {  	_ = 	snop  }
0x4: {  	_ = 	snop  }
0x5: {  	_ = 	snop  }
0x6: {  	_ = 	snop  }
0x7: {  	_ = 	snop  }
__scs_overlays_trampoline_lowered:
0x8: {  	[smem:$0x3FAB] =	sst s0  }
0x9: {  	[smem:$0x3FAC] =	sst s1  }
0xa: {  	[smem:$0x3FAD] =	sst s2  }
0xb: {  	[smem:$0x3FAE] =	sst s3  }
0xc: {  	[smem:$0x3FAF] =	sst s4  }
0xd: {  	[smem:$0x3FB0] =	sst s5  }
0xe: {  	[smem:$0x3FB1] =	sst s6  }
0xf: {  	[smem:$0x3FB2] =	sst s7  }
0x10: {  	[smem:$0x3FB3] =	sst s8  }
0x11: {  	[smem:$0x3FB4] =	sst s9;
	s0 =	simm.s32 @!p0 $0x0  }
0x12: {  	s1 =	sld [smem:$0x3F9A];
	s0 =	simm.s32 @p0 $0x1  }
0x13: {  	[smem:$0x3FB5] =	sst s0;
	s0 =	simm.s32 @!p1 $0x0  }
0x14: {  	s2 =	sld [smem:$0x3F99];
	s0 =	simm.s32 @p1 $0x1  }
0x15: {  	[smem:$0x3FB6] =	sst s0;
	s0 =	simm.s32 @!p2 $0x0  }
0x16: {  	s3 =	sld [smem:$0x3FDB];
	s0 =	simm.s32 @p2 $0x1  }
0x17: {  	s4 =	simm.s32 $0x1BF5;
	[smem:$0x3FB8] =	sst s0  }
0x18: {  	s0 =	sld [smem:$0x3F9B];
	_ =	swait.ge [sflag:s4], $0x0  }
0x19: {  	s7 =	sld [smem:$0x3F9C]  }
0x1a: {  	s8 =	sadd.s32 $0xFFFFE003, lr  }
0x1b: {  	s9 =	sadd.s32 $0xFFFFFEF7, lr;
	s5 =	simm.s32 $0xFFFFFFFF;
	p2 =	slt.u32 s8, $0xFFFFF086  }
0x1c: {  	p1 =	slt.u32 s9, $0xF7A;
	s5 =	simm.s32 @!p2 $0x0  }
0x1d: {  	s5 =	simm.s32 @p1 $0x1;
	p0 =	seq.s32 s7, s2  }
0x1e: {  	s7 =	smul.u32 @!p0 $0xF7A, s2;
	p2 =	seq.s32 @!p0 s5, $0x0  }
0x1f: {  	s9 =	smul.u32 $0xF7A, s1;
	s8 =	simm.s32 @!p0 $0x1BF5;
	p2 =	por !p2, p0  }
0x20: {  	[sflag:s8] =	ssyncset.s32 @!p0 $0xFFFFF086;
	s6 =	sadd.s32 @!p0 s3, s7;
	s7 =	simm.s32 @!p0 $0x108  }
0x21: {  	s3 =	sadd.s32 s3, s9;
	s6 =	sadd.s32 @!p0 $0x88, s6;
	s7 =	simm.s32 @p2 $0x1082  }
0x22: {  	[simem:s7], [sflag:s8] =	dma.local @!p0 [hbm:s6], $0xF7A  }
0x23: {  	s9 =	sor.u32 $0xD0000000, s2;
	s6 =	simm.s32 $0x108;
	_ =	swait.ge @!p0 [sflag:s8], $0x0  }
0x24: {  	s3 =	sadd.s32 $0x88, s3;
	s6 =	simm.s32 @!p1 $0x1082;
	[sflag:s4] =	ssyncset.s32 $0xFFFFF086  }
0x25: {  	[simem:s6], [sflag:s4] =	dma.local [hbm:s3], $0xF7A  }
0x26: {  	[smem:$0x3F9C] =	sst s1;
	(tag) =	ssettag s2;
	_ =	strace s9  }
0x27: {  	s1 =	sld [smem:$0x3FAC]  }
0x28: {  	s2 =	sld [smem:$0x3FAD]  }
0x29: {  	s4 =	sld [smem:$0x3FAF]  }
0x2a: {  	p0 =	seq.s32 s5, $0x0;
	s5 =	sld [smem:$0x3FB0]  }
0x2b: {  	s6 =	sld [smem:$0x3FB1]  }
0x2c: {  	s7 =	sld [smem:$0x3FB2]  }
0x2d: {  	s3 =	simm.s32 $0x108;
	s8 =	sld [smem:$0x3FB3]  }
0x2e: {  	s3 =	simm.s32 @!p0 $0x1082;
	s9 =	sld [smem:$0x3FB4]  }
0x2f: {  	lr =	sadd.s32 s0, s3;
	s0 =	sld [smem:$0x3FAB]  }
0x30: {  	s3 =	sld [smem:$0x3FAE]  }
0x31: {  	[smem:$0x3FB7] =	sst s10  }
0x32: {  	s10 =	sld [smem:$0x3FB5];
	_ =	sdelay $0x3  }
0x33: {  	p0 =	seq.s32 s10, $0x1;
	s10 =	sld [smem:$0x3FB7];
	_ =	sdelay $0x3  }
0x34: {  	[smem:$0x3FB7] =	sst s10  }
0x35: {  	s10 =	sld [smem:$0x3FB6];
	_ =	sdelay $0x3  }
0x36: {  	p1 =	seq.s32 s10, $0x1;
	s10 =	sld [smem:$0x3FB7];
	_ =	sdelay $0x3  }
0x37: {  	[smem:$0x3FB7] =	sst s10  }
0x38: {  	s10 =	sld [smem:$0x3FB8]  }
0x39: {  	_ = 	snop;
	(pc) =	sbr.ind lr, $3  }
0x3a: {  	_ = 	snop  }
0x3b: {  	_ = 	snop  }
0x3c: {  	p2 =	seq.s32 s10, $0x1;
	s10 =	sld [smem:$0x3FB7]  }
0x3d: {  	_ =	shalt  }
0x3e: {  	_ =	shalt  }
0x3f: {  	_ =	shalt  }
0x40: {  	_ =	shalt  }
0x41: {  	_ =	shalt  }
0x42: {  	_ =	shalt  }
0x43: {  	_ =	shalt  }
0x44: {  	_ =	shalt  }
0x45: {  	_ =	shalt  }
0x46: {  	_ =	shalt  }
0x47: {  	_ =	shalt  }
0x48: {  	_ =	shalt  }
0x49: {  	_ =	shalt  }
0x4a: {  	_ =	shalt  }
0x4b: {  	_ =	shalt  }
0x4c: {  	_ =	shalt  }
0x4d: {  	_ =	shalt  }
0x4e: {  	_ =	shalt  }
0x4f: {  	_ =	shalt  }
0x50: {  	_ =	shalt  }
0x51: {  	_ =	shalt  }
0x52: {  	_ =	shalt  }
0x53: {  	_ =	shalt  }
0x54: {  	_ =	shalt  }
0x55: {  	_ =	shalt  }
0x56: {  	_ =	shalt  }
0x57: {  	_ =	shalt  }
0x58: {  	_ =	shalt  }
0x59: {  	_ =	shalt  }
0x5a: {  	_ =	shalt  }
0x5b: {  	_ =	shalt  }
0x5c: {  	_ =	shalt  }
0x5d: {  	_ =	shalt  }
0x5e: {  	_ =	shalt  }
0x5f: {  	_ =	shalt  }
0x60: {  	_ =	shalt  }
0x61: {  	_ =	shalt  }
0x62: {  	_ =	shalt  }
0x63: {  	_ =	shalt  }
0x64: {  	_ =	shalt  }
0x65: {  	_ =	shalt  }
0x66: {  	_ =	shalt  }
0x67: {  	_ =	shalt  }
0x68: {  	_ =	shalt  }
0x69: {  	_ =	shalt  }
0x6a: {  	_ =	shalt  }
0x6b: {  	_ =	shalt  }
0x6c: {  	_ =	shalt  }
0x6d: {  	_ =	shalt  }
0x6e: {  	_ =	shalt  }
0x6f: {  	_ =	shalt  }
0x70: {  	_ =	shalt  }
0x71: {  	_ =	shalt  }
0x72: {  	_ =	shalt  }
0x73: {  	_ =	shalt  }
0x74: {  	_ =	shalt  }
0x75: {  	_ =	shalt  }
0x76: {  	_ =	shalt  }
0x77: {  	_ =	shalt  }
0x78: {  	_ =	shalt  }
0x79: {  	_ =	shalt  }
0x7a: {  	_ =	shalt  }
0x7b: {  	_ =	shalt  }
0x7c: {  	_ =	shalt  }
0x7d: {  	_ =	shalt  }
0x7e: {  	_ =	shalt  }
0x7f: {  	_ =	shalt  }
0x80: {  	_ =	shalt  }
0x81: {  	_ =	shalt  }
0x82: {  	_ =	shalt  }
0x83: {  	_ =	shalt  }
0x84: {  	_ =	shalt  }
0x85: {  	_ =	shalt  }
0x86: {  	_ =	shalt  }
0x87: {  	_ =	shalt  }
.Lfunc_end0:
.L_simem_size_0:
called_computation.1_lowered:
.L_overlay_start_0:
0x88: {  	s2 =	sld [smem:$0x3FD9]  }
0x89: {  	s3 =	sld [smem:$0x3FFE];
	_ =	sdelay $0x1  }
0x8a: {  	s1 =	srdreg.scid  }
0x8b: {  	s0 =	sand.u32 $0x1, s1  }
0x8c: {  	s16 =	sshll.u32 s0, $0xA;
	s2 =	sadd.s32 s3, s2  }
0x8d: {  	s2 =	sadd.s32 s2, s16  }
0x8e: {  	[smem:$0x3FC3] =	sst s2  }
0x8f: {  	_ = 	snop  }
0x90: {  	(tm) =	ssettm $0x1  }
0x91: {  	s17 =	sld [smem:$0x3FFB];
	_ =	sdelay $0x3  }
0x92: {  	_ =	strace s17  }
0x93: {  	s2 =	sld [smem:$0x3FFC];
	_ =	sdelay $0x3  }
0x94: {  	_ =	strace s2  }
0x95: {  	s2 =	sld [smem:$0x3FFD];
	_ =	sdelay $0x3  }
0x96: {  	_ =	strace s2  }
0x97: {  	_ =	strace $0x8FFFFFFF  }
0x98: {  	s18 =	sld [smem:$0x3FDB];
	_ =	sdelay $0x1  }
0x99: {  	s19 =	simm.s32 $_scs_section_size  }
0x9a: {  	s4 =	simm.s32 $_size__tile_overlayer_lowered;
	s5 =	simm.s32 $_tile_overlayer_lowered  }
0x9b: {  	s22 =	simm.s32 $0x1BFF;
	s21 =	sshll.u32 s5, $0x1;
	s2 =	sadd.s32 s19, s18  }
0x9c: {  	s6 =	simm.s32 $0x0;
	s20 =	sshll.u32 s4, $0x1;
	s4 =	sadd.s32 s21, s2  }
0x9d: {  	[timem:s6], [sflag:s22] =	dma.local [hbm:s4], s20  }
0x9e: {  	_ =	swait.ge [sflag:s22], s20  }
0x9f: {  	s3 =	ssub.s32 $0x0, s20;
	[sflag:s22] =	ssyncset.done $0x0  }
0xa0: {  	[sflag:s22] =	ssyncadd.s32 s3;
	_ =	sdelay $0x1  }
0xa1: {  	s23 =	simm.s32 $0x1B8B  }
0xa2: {  	_ =	swait.ge [sflag:s23], $0x1  }
0xa3: {  	[sflag:s23] =	ssyncset.done $0x0  }
0xa4: {  	s25 =	simm.s32 $0x1B8E;
	s24 =	sld [smem:$0x3FFE];
	[sflag:s23] =	ssyncadd.s32 $0xFFFFFFFF  }
0xa5: {  	s26 =	simm.s32 $execute0_lowered;
	[smem:$0x3FD2] =	sst s25  }
0xa6: {  	s4 =	sshll.u32 s26, $0x1;
	_ =	strace $0x80000046;
	[dreg:$0x1] =	wrdreg $0xFFFFFFFF  }
0xa7: {  	s28 =	simm.s32 $_size_execute0_lowered;
	s2 =	sadd.s32 s2, s4;
	[dreg:$0x0] =	wrdreg $0x0  }
0xa8: {  	s4 =	sshll.u32 s28, $0x1;
	[dreg:$0x2] =	wrdreg s2  }
0xa9: {  	[dreg:$0x3] =	wrdreg s4  }
0xaa: {  	[dreg:$0x4] =	wrdreg $0xC0  }
0xab: {  	_ =	task [dreg:s6], $0x5FFFF  }
0xac: {  	[dreg:$0x1] =	wrdreg $0xFFFFFFFF  }
0xad: {  	[dreg:$0x0] =	wrdreg $0x60  }
0xae: {  	[dreg:$0x2] =	wrdreg s24  }
0xaf: {  	[dreg:$0x3] =	wrdreg $0xA  }
0xb0: {  	_ =	task.clear_ibuf [dreg:s6], $0x4FFFF;
	_ =	strace $0x90000046  }
0xb1: {  	s29 =	simm.s32 $0xA;
	_ =	strace $0x80000048  }
0xb2: {  	_ =	swait.ge [sflag:s29], $0x1  }
0xb3: {  	[sflag:s29] =	ssyncadd.s32 $0xFFFFFFFF  }
0xb4: {  	_ =	strace $0x90000048  }
0xb5: {  	_ =	sfence  }
0xb6: {  	s30 =	sld [smem:$0x0];
	_ =	sdelay $0x2  }
0xb7: {  	s31 =	sshll.u32 s1, $0xD;
	s1 =	sshrl.u32 s1, $0x2  }
0xb8: {  	s3 =	sand.u32 $0x4000, s31;
	s1 =	sadd.s32 s1, s30  }
0xb9: {  	s0 =	sor.u32 s3, s0;
	s1 =	sshll.u32 s1, $0x11  }
0xba: {  	s0 =	sor.u32 s1, s0  }
0xbb: {  	s0 =	sadd.s32 $0x8F2B, s0  }
0xbc: {  	[sflag:s0] =	ssyncadd.remote.s32 $0x1  }
0xbd: {  	_ =	sfence.sel $0xFFFF  }
0xbe: {  	[dreg:$0x0] =	wrdreg $0xFFFFFFFF;
	(pc) =	sbr.abs _section_cstart, $3  }
0xbf: {  	[dreg:$0x1] =	wrdreg $0xFFFFFFFF  }
0xc0: {  	_ =	task.clear_ibuf [dreg:s6], $0x2FFFF;
	_ =	strace $0x9FFFFFFF  }
0xc1: {  	(tm) =	ssettm $0x7FFFFFFF  }
tec
execute0_lowered:
.L_overlay_start_1:
0x0: {  	(tag) =	ssettag $0x1  }
0x1: {  	s4 =	rddreg [dreg:$0x0]  }
0x2: {  	s0 =	rddreg [dreg:$0x1];
	s2 =	simm.s32 $0x0;
	s3 =	srdreg.scid  }
0x3: {  	s1 =	stileid.u32;
	s10 =	simm.s32 $0x1080;
	s11 =	simm.s32 $0x1880  }
0x4: {  	s12 =	simm.s32 $0x2080;
	s13 =	simm.s32 $0x2880;
	s14 =	simm.s32 $0x3080  }
0x5: {  	s15 =	simm.s32 $0x3880;
	s16 =	simm.s32 $0x4080;
	s17 =	simm.s32 $0x4880  }
0x6: {  	s18 =	simm.s32 $0x5080;
	s19 =	simm.s32 $0x5880;
	s20 =	simm.s32 $0x6080  }
0x7: {  	s21 =	simm.s32 $0x6880;
	s22 =	simm.s32 $0x7080;
	s23 =	simm.s32 $0x7880  }
0x8: {  	s24 =	simm.s32 $0x1;
	s25 =	simm.s32 $0x0;
	[smem:$0x7FF] =	sst s2  }
0x9: {  	s5 =	sand.u32 $0x1, s3;
	s6 =	sshll.u32 s1, $0xB;
	s3 =	sadd.s32 $0x1800, s4  }
0xa: {  	s8 =	sshll.u32 s1, $0x10;
	_ =	strace $0x80000047;
	s7 =	sshll.u32 s5, $0xA  }
0xb: {  	s31 =	ssub.s32 $0x2, s5;
	s8 =	sadd.s32 s8, s4;
	s5 =	sshll.u32 s5, $0xF  }
0xc: {  	s6 =	sor.u32 s7, s6;
	s9 =	sshrl.u32 s31, $0x1;
	s5 =	sadd.s32 s5, s8  }
0xd: {  	v2 =	vlaneseq.u32;
	s8 =	simm.s32 $0x80;
	s6 =	sshrl.u32 s6, $0x3;
	s7 =	ssub.s32 s31, s9  }
0xe: {  	vm0 =	vmmov $0xffff;
	v1 =	vshrl.u32 v2, $0x3;
	s5 =	sadd.s32 $0x32800, s5;
	s9 =	simm.s32 $0x880;
	s6 =	sadd.s32 s6, s4  }
0xf: {  	v0 =	vand.u32 $0x7, v2;
	v2 =	vor.u32 $0x8, v2;
	v1 =	vmul.u32 $0x8, v1;
	s4 =	smax.u32 s7, $0x1;
	s7 =	simm.s32 $0x2;
	s6 =	sadd.s32 $0x31800, s6  }
.LBB2_1:
0x10: {  	s26 =	smov.u32 s5;
	s28 =	simm.s32 $0x0  }
.LBB2_2:
0x11: {  	s29 =	sadd.s32 s28, s6  }
0x12: {  	[tilespmem:s2], [sflag:$0x2] =	stream.linear.gather [hbm4b:s29+s2], $0x80, $0x38;
	[tilespmem:$0x8080] =	vst v63  }
0x13: {  	_ =	swait.ge [sflag:s7], $0x80  }
0x14: {  	[sflag:s7] =	ssyncset.done $0x0  }
0x15: {  	[sflag:s7] =	ssyncadd.s32 $0xFFFFFF80  }
0x16: {  	v3 =	vld [tilespmem:$0x0];
	_ =	sdelay $0x4  }
0x17: {  	v4 =	vshll.u32 v3, $0x1  }
0x18: {  	v3 =	vand.u32 $0x7, v3;
	v4 =	vand.u32 $0xFFFFFFF0, v4  }
0x19: {  	v3 =	vor.u32 v3, v4  }
0x1a: {  	v4 =	vperm.xlane v3, v0;
	_ =	sdelay $0x1  }
0x1b: {  	v3 =	vperm.xlane v3, v2;
	v4 =	vadd.s32 v1, v4;
	_ =	sdelay $0x1  }
0x1c: {  	v3 =	vadd.s32 v1, v3;
	_ =	sdelay $0x2  }
0x1d: {  	[tilespmem:s8], [sflag:$0x1] =	stream.indirect_vreg.gather [hbm4b:s3+s2], $0x80, v4, vm0, $0xb8;
	[tilespmem:$0x8080] =	vst v63  }
0x1e: {  	_ = 	snop  }
0x1f: {  	[tilespmem:s9], [sflag:$0x1] =	stream.indirect_vreg.gather [hbm4b:s3+s2], $0x80, v3, vm0, $0xb8;
	[tilespmem:$0x8080] =	vst v63  }
0x20: {  	v3 =	vld [tilespmem:$0x10];
	_ =	sdelay $0x4  }
0x21: {  	v57 =	vshll.u32 v3, $0x1  }
0x22: {  	v3 =	vand.u32 $0x7, v3;
	v4 =	vand.u32 $0xFFFFFFF0, v57  }
0x23: {  	v3 =	vor.u32 v3, v4  }
0x24: {  	v4 =	vperm.xlane v3, v0;
	_ =	sdelay $0x1  }
0x25: {  	v3 =	vperm.xlane v3, v2;
	v4 =	vadd.s32 v1, v4;
	_ =	sdelay $0x1  }
0x26: {  	v3 =	vadd.s32 v1, v3;
	_ =	sdelay $0x2  }
0x27: {  	[tilespmem:s10], [sflag:$0x1] =	stream.indirect_vreg.gather [hbm4b:s3+s2], $0x80, v4, vm0, $0xb8;
	[tilespmem:$0x8080] =	vst v63  }
0x28: {  	_ = 	snop  }
0x29: {  	[tilespmem:s11], [sflag:$0x1] =	stream.indirect_vreg.gather [hbm4b:s3+s2], $0x80, v3, vm0, $0xb8;
	[tilespmem:$0x8080] =	vst v63  }
0x2a: {  	v3 =	vld [tilespmem:$0x20];
	_ =	sdelay $0x4  }
0x2b: {  	v58 =	vshll.u32 v3, $0x1  }
0x2c: {  	v3 =	vand.u32 $0x7, v3;
	v4 =	vand.u32 $0xFFFFFFF0, v58  }
0x2d: {  	v3 =	vor.u32 v3, v4  }
0x2e: {  	v4 =	vperm.xlane v3, v0;
	_ =	sdelay $0x1  }
0x2f: {  	v3 =	vperm.xlane v3, v2;
	v4 =	vadd.s32 v1, v4;
	_ =	sdelay $0x1  }
0x30: {  	v3 =	vadd.s32 v1, v3;
	_ =	sdelay $0x2  }
0x31: {  	[tilespmem:s12], [sflag:$0x1] =	stream.indirect_vreg.gather [hbm4b:s3+s2], $0x80, v4, vm0, $0xb8;
	[tilespmem:$0x8080] =	vst v63  }
0x32: {  	_ = 	snop  }
0x33: {  	[tilespmem:s13], [sflag:$0x1] =	stream.indirect_vreg.gather [hbm4b:s3+s2], $0x80, v3, vm0, $0xb8;
	[tilespmem:$0x8080] =	vst v63  }
0x34: {  	v3 =	vld [tilespmem:$0x30];
	_ =	sdelay $0x4  }
0x35: {  	v59 =	vshll.u32 v3, $0x1  }
0x36: {  	v3 =	vand.u32 $0x7, v3;
	v4 =	vand.u32 $0xFFFFFFF0, v59  }
0x37: {  	v3 =	vor.u32 v3, v4  }
0x38: {  	v4 =	vperm.xlane v3, v0;
	_ =	sdelay $0x1  }
0x39: {  	v3 =	vperm.xlane v3, v2;
	v4 =	vadd.s32 v1, v4;
	_ =	sdelay $0x1  }
0x3a: {  	v3 =	vadd.s32 v1, v3;
	_ =	sdelay $0x2  }
0x3b: {  	[tilespmem:s14], [sflag:$0x1] =	stream.indirect_vreg.gather [hbm4b:s3+s2], $0x80, v4, vm0, $0xb8;
	[tilespmem:$0x8080] =	vst v63  }
0x3c: {  	_ = 	snop  }
0x3d: {  	[tilespmem:s15], [sflag:$0x1] =	stream.indirect_vreg.gather [hbm4b:s3+s2], $0x80, v3, vm0, $0xb8;
	[tilespmem:$0x8080] =	vst v63  }
0x3e: {  	v3 =	vld [tilespmem:$0x40];
	_ =	sdelay $0x4  }
0x3f: {  	v60 =	vshll.u32 v3, $0x1  }
0x40: {  	v3 =	vand.u32 $0x7, v3;
	v4 =	vand.u32 $0xFFFFFFF0, v60  }
0x41: {  	v3 =	vor.u32 v3, v4  }
0x42: {  	v4 =	vperm.xlane v3, v0;
	_ =	sdelay $0x1  }
0x43: {  	v3 =	vperm.xlane v3, v2;
	v4 =	vadd.s32 v1, v4;
	_ =	sdelay $0x1  }
0x44: {  	v3 =	vadd.s32 v1, v3;
	_ =	sdelay $0x2  }
0x45: {  	[tilespmem:s16], [sflag:$0x1] =	stream.indirect_vreg.gather [hbm4b:s3+s2], $0x80, v4, vm0, $0xb8;
	[tilespmem:$0x8080] =	vst v63  }
0x46: {  	_ = 	snop  }
0x47: {  	[tilespmem:s17], [sflag:$0x1] =	stream.indirect_vreg.gather [hbm4b:s3+s2], $0x80, v3, vm0, $0xb8;
	[tilespmem:$0x8080] =	vst v63  }
0x48: {  	v3 =	vld [tilespmem:$0x50];
	_ =	sdelay $0x4  }
0x49: {  	v61 =	vshll.u32 v3, $0x1  }
0x4a: {  	v3 =	vand.u32 $0x7, v3;
	v4 =	vand.u32 $0xFFFFFFF0, v61  }
0x4b: {  	v3 =	vor.u32 v3, v4  }
0x4c: {  	v4 =	vperm.xlane v3, v0;
	_ =	sdelay $0x1  }
0x4d: {  	v3 =	vperm.xlane v3, v2;
	v4 =	vadd.s32 v1, v4;
	_ =	sdelay $0x1  }
0x4e: {  	v3 =	vadd.s32 v1, v3;
	_ =	sdelay $0x2  }
0x4f: {  	[tilespmem:s18], [sflag:$0x1] =	stream.indirect_vreg.gather [hbm4b:s3+s2], $0x80, v4, vm0, $0xb8;
	[tilespmem:$0x8080] =	vst v63  }
0x50: {  	_ = 	snop  }
0x51: {  	[tilespmem:s19], [sflag:$0x1] =	stream.indirect_vreg.gather [hbm4b:s3+s2], $0x80, v3, vm0, $0xb8;
	[tilespmem:$0x8080] =	vst v63  }
0x52: {  	v3 =	vld [tilespmem:$0x60];
	_ =	sdelay $0x4  }
0x53: {  	v62 =	vshll.u32 v3, $0x1  }
0x54: {  	v3 =	vand.u32 $0x7, v3;
	v4 =	vand.u32 $0xFFFFFFF0, v62  }
0x55: {  	v3 =	vor.u32 v3, v4  }
0x56: {  	v4 =	vperm.xlane v3, v0;
	_ =	sdelay $0x1  }
0x57: {  	v3 =	vperm.xlane v3, v2;
	v4 =	vadd.s32 v1, v4;
	_ =	sdelay $0x1  }
0x58: {  	v3 =	vadd.s32 v1, v3;
	_ =	sdelay $0x2  }
0x59: {  	[tilespmem:s20], [sflag:$0x1] =	stream.indirect_vreg.gather [hbm4b:s3+s2], $0x80, v4, vm0, $0xb8;
	[tilespmem:$0x8080] =	vst v63  }
0x5a: {  	_ = 	snop  }
0x5b: {  	[tilespmem:s21], [sflag:$0x1] =	stream.indirect_vreg.gather [hbm4b:s3+s2], $0x80, v3, vm0, $0xb8;
	[tilespmem:$0x8080] =	vst v63  }
0x5c: {  	v3 =	vld [tilespmem:$0x70];
	_ =	sdelay $0x4  }
0x5d: {  	v63 =	vshll.u32 v3, $0x1  }
0x5e: {  	v3 =	vand.u32 $0x7, v3;
	v4 =	vand.u32 $0xFFFFFFF0, v63  }
0x5f: {  	v3 =	vor.u32 v3, v4  }
0x60: {  	v4 =	vperm.xlane v3, v0;
	_ =	sdelay $0x1  }
0x61: {  	v3 =	vperm.xlane v3, v2;
	v4 =	vadd.s32 v1, v4;
	_ =	sdelay $0x1  }
0x62: {  	v3 =	vadd.s32 v1, v3;
	_ =	sdelay $0x2  }
0x63: {  	[tilespmem:s22], [sflag:$0x1] =	stream.indirect_vreg.gather [hbm4b:s3+s2], $0x80, v4, vm0, $0xb8;
	[tilespmem:$0x8080] =	vst v63  }
0x64: {  	_ = 	snop  }
0x65: {  	[tilespmem:s23], [sflag:$0x1] =	stream.indirect_vreg.gather [hbm4b:s3+s2], $0x80, v3, vm0, $0xb8;
	[tilespmem:$0x8080] =	vst v63  }
0x66: {  	_ =	swait.ge [sflag:s24], $0x8000  }
0x67: {  	p0 =	sne.s32 s28, $0x70;
	[sflag:s24] =	ssyncset.done $0x0  }
.Ltmp0:
0x68: {  	[sflag:s24] =	ssyncadd.s32 $0xFFFF8000;
	(pc) =	sbr.rel @p0 .LBB2_2-.Ltmp0, $4  }
0x69: {  	[hbm4b:s26+s2] =	stream.linear.scatter [tilespmem:s8], [sflag:$0x2], $0x8000, $0x38;
	[tilespmem:$0x8080] =	vst v63  }
0x6a: {  	_ =	swait.ge [sflag:s7], $0x8000  }
0x6b: {  	[sflag:s7] =	ssyncset.done $0x0  }
0x6c: {  	s28 =	sadd.s32 $0x10, s28;
	s26 =	sadd.s32 $0x1000, s26;
	[sflag:s7] =	ssyncadd.s32 $0xFFFF8000  }
0x6d: {  	s25 =	sadd.s32 $0x1, s25  }
0x6e: {  	p0 =	sne.s32 s25, s4  }
.Ltmp1:
0x6f: {  	_ = 	snop;
	(pc) =	sbr.rel @p0 .LBB2_1-.Ltmp1, $1  }
0x70: {  	_ =	sdelay $0x3  }
0x71: {  	_ =	sfence.sel $0x180000  }
0x72: {  	[bflag:$0x0] =	sbarrier.arrive $0xFFFF  }
0x73: {  	p0 =	sne.s32 s1, $0x0;
	_ =	strace $0x90000047  }
0x74: {  	s0 =	sadd.s32 @!p0 $0x100000, s0;
	[bflag:$0x2] =	sbarrier.arrive $0xFFFF  }
0x75: {  	[sflag:s0] =	ssyncadd.tile.s32 @!p0 $0x1;
	_ =	shalt  }
.Lfunc_end2:
_tile_overlayer_lowered:
.L_overlay_start_2:
0x76: {  	(tag) =	ssettag $0x2  }
0x77: {  	s0 =	rddreg [dreg:$0x0];
	s2 =	stileid.u32  }
0x78: {  	s1 =	rddreg [dreg:$0x1];
	p0 =	sne.s32 s2, $0x0  }
0x79: {  	s3 =	rddreg [dreg:$0x2];
	[bflag:$0x3] =	sbarrier.arrive $0xFFFF;
	s2 =	simm.s32 @!p0 $0x1C02  }
0x7a: {  	[timem:s3], [sflag:s2] =	dma.local @!p0 [hbm:s0], s1  }
0x7b: {  	s0 =	simm.s32 @!p0 $0x2  }
0x7c: {  	_ =	swait.ge @!p0 [sflag:s0], s1  }
0x7d: {  	s1 =	ssub.s32 @!p0 $0x0, s1;
	[sflag:s0] =	ssyncset.done @!p0 $0x0  }
0x7e: {  	[sflag:s0] =	ssyncadd.s32 @!p0 s1  }
0x7f: {  	[bflag:$0x3] =	sbarrier.arrive $0xFFFF  }
0x80: {  	_ =	shalt  }

// kernel: kernel.20.cloned.1.call-start
scs
__scs_entry_jumppad:
0x0: {  	(pc) =	sbr.rel $0x88, $3  }
0x1: {  	(tag) =	ssettag $0x0;
	lr =	simm.s32 $0x1  }
0x2: {  	[smem:$0x3F9C] =	sst lr;
	_ =	strace $0xD0000000  }
0x3: {  	_ = 	snop  }
0x4: {  	_ = 	snop  }
0x5: {  	_ = 	snop  }
0x6: {  	_ = 	snop  }
0x7: {  	_ = 	snop  }
__scs_overlays_trampoline_lowered:
0x8: {  	[smem:$0x3FAB] =	sst s0  }
0x9: {  	[smem:$0x3FAC] =	sst s1  }
0xa: {  	[smem:$0x3FAD] =	sst s2  }
0xb: {  	[smem:$0x3FAE] =	sst s3  }
0xc: {  	[smem:$0x3FAF] =	sst s4  }
0xd: {  	[smem:$0x3FB0] =	sst s5  }
0xe: {  	[smem:$0x3FB1] =	sst s6  }
0xf: {  	[smem:$0x3FB2] =	sst s7  }
0x10: {  	[smem:$0x3FB3] =	sst s8  }
0x11: {  	[smem:$0x3FB4] =	sst s9;
	s0 =	simm.s32 @!p0 $0x0  }
0x12: {  	s1 =	sld [smem:$0x3F9A];
	s0 =	simm.s32 @p0 $0x1  }
0x13: {  	[smem:$0x3FB5] =	sst s0;
	s0 =	simm.s32 @!p1 $0x0  }
0x14: {  	s2 =	sld [smem:$0x3F99];
	s0 =	simm.s32 @p1 $0x1  }
0x15: {  	[smem:$0x3FB6] =	sst s0;
	s0 =	simm.s32 @!p2 $0x0  }
0x16: {  	s3 =	sld [smem:$0x3FDB];
	s0 =	simm.s32 @p2 $0x1  }
0x17: {  	s4 =	simm.s32 $0x1BF5;
	[smem:$0x3FB8] =	sst s0  }
0x18: {  	s0 =	sld [smem:$0x3F9B];
	_ =	swait.ge [sflag:s4], $0x0  }
0x19: {  	s7 =	sld [smem:$0x3F9C]  }
0x1a: {  	s8 =	sadd.s32 $0xFFFFE003, lr  }
0x1b: {  	s9 =	sadd.s32 $0xFFFFFEF7, lr;
	s5 =	simm.s32 $0xFFFFFFFF;
	p2 =	slt.u32 s8, $0xFFFFF086  }
0x1c: {  	p1 =	slt.u32 s9, $0xF7A;
	s5 =	simm.s32 @!p2 $0x0  }
0x1d: {  	s5 =	simm.s32 @p1 $0x1;
	p0 =	seq.s32 s7, s2  }
0x1e: {  	s7 =	smul.u32 @!p0 $0xF7A, s2;
	p2 =	seq.s32 @!p0 s5, $0x0  }
0x1f: {  	s9 =	smul.u32 $0xF7A, s1;
	s8 =	simm.s32 @!p0 $0x1BF5;
	p2 =	por !p2, p0  }
0x20: {  	[sflag:s8] =	ssyncset.s32 @!p0 $0xFFFFF086;
	s6 =	sadd.s32 @!p0 s3, s7;
	s7 =	simm.s32 @!p0 $0x108  }
0x21: {  	s3 =	sadd.s32 s3, s9;
	s6 =	sadd.s32 @!p0 $0x88, s6;
	s7 =	simm.s32 @p2 $0x1082  }
0x22: {  	[simem:s7], [sflag:s8] =	dma.local @!p0 [hbm:s6], $0xF7A  }
0x23: {  	s9 =	sor.u32 $0xD0000000, s2;
	s6 =	simm.s32 $0x108;
	_ =	swait.ge @!p0 [sflag:s8], $0x0  }
0x24: {  	s3 =	sadd.s32 $0x88, s3;
	s6 =	simm.s32 @!p1 $0x1082;
	[sflag:s4] =	ssyncset.s32 $0xFFFFF086  }
0x25: {  	[simem:s6], [sflag:s4] =	dma.local [hbm:s3], $0xF7A  }
0x26: {  	[smem:$0x3F9C] =	sst s1;
	(tag) =	ssettag s2;
	_ =	strace s9  }
0x27: {  	s1 =	sld [smem:$0x3FAC]  }
0x28: {  	s2 =	sld [smem:$0x3FAD]  }
0x29: {  	s4 =	sld [smem:$0x3FAF]  }
0x2a: {  	p0 =	seq.s32 s5, $0x0;
	s5 =	sld [smem:$0x3FB0]  }
0x2b: {  	s6 =	sld [smem:$0x3FB1]  }
0x2c: {  	s7 =	sld [smem:$0x3FB2]  }
0x2d: {  	s3 =	simm.s32 $0x108;
	s8 =	sld [smem:$0x3FB3]  }
0x2e: {  	s3 =	simm.s32 @!p0 $0x1082;
	s9 =	sld [smem:$0x3FB4]  }
0x2f: {  	lr =	sadd.s32 s0, s3;
	s0 =	sld [smem:$0x3FAB]  }
0x30: {  	s3 =	sld [smem:$0x3FAE]  }
0x31: {  	[smem:$0x3FB7] =	sst s10  }
0x32: {  	s10 =	sld [smem:$0x3FB5];
	_ =	sdelay $0x3  }
0x33: {  	p0 =	seq.s32 s10, $0x1;
	s10 =	sld [smem:$0x3FB7];
	_ =	sdelay $0x3  }
0x34: {  	[smem:$0x3FB7] =	sst s10  }
0x35: {  	s10 =	sld [smem:$0x3FB6];
	_ =	sdelay $0x3  }
0x36: {  	p1 =	seq.s32 s10, $0x1;
	s10 =	sld [smem:$0x3FB7];
	_ =	sdelay $0x3  }
0x37: {  	[smem:$0x3FB7] =	sst s10  }
0x38: {  	s10 =	sld [smem:$0x3FB8]  }
0x39: {  	_ = 	snop;
	(pc) =	sbr.ind lr, $3  }
0x3a: {  	_ = 	snop  }
0x3b: {  	_ = 	snop  }
0x3c: {  	p2 =	seq.s32 s10, $0x1;
	s10 =	sld [smem:$0x3FB7]  }
0x3d: {  	_ =	shalt  }
0x3e: {  	_ =	shalt  }
0x3f: {  	_ =	shalt  }
0x40: {  	_ =	shalt  }
0x41: {  	_ =	shalt  }
0x42: {  	_ =	shalt  }
0x43: {  	_ =	shalt  }
0x44: {  	_ =	shalt  }
0x45: {  	_ =	shalt  }
0x46: {  	_ =	shalt  }
0x47: {  	_ =	shalt  }
0x48: {  	_ =	shalt  }
0x49: {  	_ =	shalt  }
0x4a: {  	_ =	shalt  }
0x4b: {  	_ =	shalt  }
0x4c: {  	_ =	shalt  }
0x4d: {  	_ =	shalt  }
0x4e: {  	_ =	shalt  }
0x4f: {  	_ =	shalt  }
0x50: {  	_ =	shalt  }
0x51: {  	_ =	shalt  }
0x52: {  	_ =	shalt  }
0x53: {  	_ =	shalt  }
0x54: {  	_ =	shalt  }
0x55: {  	_ =	shalt  }
0x56: {  	_ =	shalt  }
0x57: {  	_ =	shalt  }
0x58: {  	_ =	shalt  }
0x59: {  	_ =	shalt  }
0x5a: {  	_ =	shalt  }
0x5b: {  	_ =	shalt  }
0x5c: {  	_ =	shalt  }
0x5d: {  	_ =	shalt  }
0x5e: {  	_ =	shalt  }
0x5f: {  	_ =	shalt  }
0x60: {  	_ =	shalt  }
0x61: {  	_ =	shalt  }
0x62: {  	_ =	shalt  }
0x63: {  	_ =	shalt  }
0x64: {  	_ =	shalt  }
0x65: {  	_ =	shalt  }
0x66: {  	_ =	shalt  }
0x67: {  	_ =	shalt  }
0x68: {  	_ =	shalt  }
0x69: {  	_ =	shalt  }
0x6a: {  	_ =	shalt  }
0x6b: {  	_ =	shalt  }
0x6c: {  	_ =	shalt  }
0x6d: {  	_ =	shalt  }
0x6e: {  	_ =	shalt  }
0x6f: {  	_ =	shalt  }
0x70: {  	_ =	shalt  }
0x71: {  	_ =	shalt  }
0x72: {  	_ =	shalt  }
0x73: {  	_ =	shalt  }
0x74: {  	_ =	shalt  }
0x75: {  	_ =	shalt  }
0x76: {  	_ =	shalt  }
0x77: {  	_ =	shalt  }
0x78: {  	_ =	shalt  }
0x79: {  	_ =	shalt  }
0x7a: {  	_ =	shalt  }
0x7b: {  	_ =	shalt  }
0x7c: {  	_ =	shalt  }
0x7d: {  	_ =	shalt  }
0x7e: {  	_ =	shalt  }
0x7f: {  	_ =	shalt  }
0x80: {  	_ =	shalt  }
0x81: {  	_ =	shalt  }
0x82: {  	_ =	shalt  }
0x83: {  	_ =	shalt  }
0x84: {  	_ =	shalt  }
0x85: {  	_ =	shalt  }
0x86: {  	_ =	shalt  }
0x87: {  	_ =	shalt  }
.Lfunc_end0:
.L_simem_size_0:
called_computation.2_lowered:
.L_overlay_start_0:
0x88: {  	s2 =	sld [smem:$0x3FD9]  }
0x89: {  	s3 =	sld [smem:$0x3FFE];
	_ =	sdelay $0x1  }
0x8a: {  	s1 =	srdreg.scid  }
0x8b: {  	s0 =	sand.u32 $0x1, s1  }
0x8c: {  	s17 =	sshll.u32 s0, $0xA;
	s2 =	sadd.s32 s3, s2  }
0x8d: {  	s2 =	sadd.s32 s2, s17  }
0x8e: {  	[smem:$0x3FC3] =	sst s2  }
0x8f: {  	_ = 	snop  }
0x90: {  	(tm) =	ssettm $0x1  }
0x91: {  	s18 =	sld [smem:$0x3FFB];
	_ =	sdelay $0x3  }
0x92: {  	_ =	strace s18  }
0x93: {  	s2 =	sld [smem:$0x3FFC];
	_ =	sdelay $0x3  }
0x94: {  	_ =	strace s2  }
0x95: {  	s2 =	sld [smem:$0x3FFD];
	_ =	sdelay $0x3  }
0x96: {  	_ =	strace s2  }
0x97: {  	_ =	strace $0x8FFFFFFF  }
0x98: {  	s19 =	sld [smem:$0x3FDB];
	_ =	sdelay $0x1  }
0x99: {  	s20 =	simm.s32 $_scs_section_size  }
0x9a: {  	s4 =	simm.s32 $_size__tile_overlayer_lowered;
	s5 =	simm.s32 $_tile_overlayer_lowered  }
0x9b: {  	s6 =	simm.s32 $0x1BFF;
	s21 =	sshll.u32 s5, $0x1;
	s3 =	sadd.s32 s20, s19  }
0x9c: {  	s22 =	simm.s32 $0x0;
	s4 =	sshll.u32 s4, $0x1;
	s5 =	sadd.s32 s21, s3  }
0x9d: {  	[timem:s22], [sflag:s6] =	dma.local [hbm:s5], s4  }
0x9e: {  	_ =	swait.ge [sflag:s6], s4  }
0x9f: {  	s4 =	ssub.s32 $0x0, s4;
	[sflag:s6] =	ssyncset.done $0x0  }
0xa0: {  	[sflag:s6] =	ssyncadd.s32 s4;
	_ =	sdelay $0x1  }
0xa1: {  	s23 =	simm.s32 $0x1B8B  }
0xa2: {  	_ =	swait.ge [sflag:s23], $0x1  }
0xa3: {  	[sflag:s23] =	ssyncset.done $0x0  }
0xa4: {  	[sflag:s23] =	ssyncadd.s32 $0xFFFFFFFF  }
0xa5: {  	s4 =	sld [smem:$0x0]  }
0xa6: {  	s5 =	sand.u32 $0xFFFFFFFE, s1  }
0xa7: {  	p0 =	sne.s32 s1, s5  }
0xa8: {  	s5 =	sshll.u32 @p0 s5, $0xE  }
0xa9: {  	s5 =	sadd.s32 @p0 $0x11B8D, s5;
	s6 =	sshll.u32 @p0 s4, $0x11  }
0xaa: {  	s5 =	sor.u32 @p0 s6, s5  }
0xab: {  	[sflag:s5] =	ssyncadd.remote.s32 @p0 $0x1;
	_ =	sdelay $0x1  }
0xac: {  	s5 =	simm.s32 @p0 $0x1B8D  }
0xad: {  	_ =	swait.eq @p0 [sflag:s5], $0x1  }
0xae: {  	[sflag:s5] =	ssyncadd.s32 @p0 $0xFFFFFFFF  }
0xaf: {  	s6 =	sshll.u32 @!p0 s1, $0xE  }
0xb0: {  	s6 =	sor.u32 @!p0 $0x4000, s6;
	s5 =	simm.s32 @!p0 $0x1B8D  }
0xb1: {  	s4 =	sshll.u32 @!p0 s4, $0x11;
	s6 =	sadd.s32 @!p0 $0x11B8D, s6;
	_ =	swait.eq @!p0 [sflag:s5], $0x1  }
0xb2: {  	s4 =	sor.u32 @!p0 s4, s6;
	[sflag:s5] =	ssyncadd.s32 @!p0 $0xFFFFFFFF  }
0xb3: {  	s25 =	simm.s32 $0x1B8E;
	s24 =	sld [smem:$0x3FFE];
	[sflag:s4] =	ssyncadd.remote.s32 @!p0 $0x1  }
0xb4: {  	s26 =	simm.s32 $execute0_lowered;
	[smem:$0x3FD2] =	sst s25  }
0xb5: {  	s5 =	sshll.u32 s26, $0x1;
	_ =	strace $0x80000049;
	[dreg:$0x1] =	wrdreg $0xFFFFFFFF  }
0xb6: {  	s28 =	simm.s32 $_size_execute0_lowered;
	s3 =	sadd.s32 s3, s5;
	[dreg:$0x0] =	wrdreg $0x0  }
0xb7: {  	s5 =	sshll.u32 s28, $0x1;
	[dreg:$0x2] =	wrdreg s3  }
0xb8: {  	[dreg:$0x3] =	wrdreg s5  }
0xb9: {  	[dreg:$0x4] =	wrdreg $0xC0  }
0xba: {  	_ =	task [dreg:s22], $0x5FFFF  }
0xbb: {  	[dreg:$0x1] =	wrdreg $0xFFFFFFFF  }
0xbc: {  	[dreg:$0x0] =	wrdreg $0x60  }
0xbd: {  	[dreg:$0x2] =	wrdreg s24  }
0xbe: {  	[dreg:$0x3] =	wrdreg $0xB  }
0xbf: {  	_ =	task.clear_ibuf [dreg:s22], $0x4FFFF;
	_ =	strace $0x90000049  }
0xc0: {  	s29 =	simm.s32 $0xB;
	_ =	strace $0x8000004B  }
0xc1: {  	_ =	swait.ge [sflag:s29], $0x1  }
0xc2: {  	[sflag:s29] =	ssyncadd.s32 $0xFFFFFFFF  }
0xc3: {  	_ =	strace $0x9000004B  }
0xc4: {  	_ =	sfence  }
0xc5: {  	s30 =	sld [smem:$0x0];
	_ =	sdelay $0x2  }
0xc6: {  	s31 =	sshll.u32 s1, $0xD;
	s1 =	sshrl.u32 s1, $0x2  }
0xc7: {  	s4 =	sand.u32 $0x4000, s31;
	s1 =	sadd.s32 s1, s30  }
0xc8: {  	s0 =	sor.u32 s4, s0;
	s1 =	sshll.u32 s1, $0x11  }
0xc9: {  	s0 =	sor.u32 s1, s0  }
0xca: {  	s0 =	sadd.s32 $0x8F2B, s0  }
0xcb: {  	[sflag:s0] =	ssyncadd.remote.s32 $0x1  }
0xcc: {  	_ =	sfence.sel $0xFFFF  }
0xcd: {  	[dreg:$0x0] =	wrdreg $0xFFFFFFFF;
	(pc) =	sbr.abs _section_cstart, $3  }
0xce: {  	[dreg:$0x1] =	wrdreg $0xFFFFFFFF  }
0xcf: {  	_ =	task.clear_ibuf [dreg:s22], $0x2FFFF;
	_ =	strace $0x9FFFFFFF  }
0xd0: {  	(tm) =	ssettm $0x7FFFFFFF  }
0xd1: {  	_ =	shalt  }
tec
execute0_lowered:
.L_overlay_start_1:
0x0: {  	(tag) =	ssettag $0x1  }
0x1: {  	s4 =	rddreg [dreg:$0x0]  }
0x2: {  	s0 =	rddreg [dreg:$0x1];
	s2 =	simm.s32 $0x0;
	s3 =	srdreg.scid  }
0x3: {  	s1 =	stileid.u32;
	s10 =	simm.s32 $0x1080;
	s11 =	simm.s32 $0x1880  }
0x4: {  	s12 =	simm.s32 $0x2080;
	s13 =	simm.s32 $0x2880;
	s14 =	simm.s32 $0x3080  }
0x5: {  	s15 =	simm.s32 $0x3880;
	s16 =	simm.s32 $0x4080;
	s17 =	simm.s32 $0x4880  }
0x6: {  	s18 =	simm.s32 $0x5080;
	s19 =	simm.s32 $0x5880;
	s20 =	simm.s32 $0x6080  }
0x7: {  	s21 =	simm.s32 $0x6880;
	s22 =	simm.s32 $0x7080;
	s23 =	simm.s32 $0x7880  }
0x8: {  	s24 =	simm.s32 $0x1;
	s25 =	simm.s32 $0x0;
	[smem:$0x7FF] =	sst s2  }
0x9: {  	s5 =	sand.u32 $0x1, s3;
	s6 =	sshll.u32 s1, $0xB;
	s3 =	sadd.s32 $0x11800, s4  }
0xa: {  	s8 =	sshll.u32 s1, $0x10;
	_ =	strace $0x8000004A;
	s7 =	sshll.u32 s5, $0xA  }
0xb: {  	s31 =	ssub.s32 $0x2, s5;
	s8 =	sadd.s32 s8, s4;
	s5 =	sshll.u32 s5, $0xF  }
0xc: {  	s6 =	sor.u32 s7, s6;
	s9 =	sshrl.u32 s31, $0x1;
	s5 =	sadd.s32 s5, s8  }
0xd: {  	v2 =	vlaneseq.u32;
	s8 =	simm.s32 $0x80;
	s6 =	sshrl.u32 s6, $0x3;
	s7 =	ssub.s32 s31, s9  }
0xe: {  	vm0 =	vmmov $0xffff;
	v1 =	vshrl.u32 v2, $0x3;
	s5 =	sadd.s32 $0x133800, s5;
	s9 =	simm.s32 $0x880;
	s6 =	sadd.s32 s6, s4  }
0xf: {  	v0 =	vand.u32 $0x7, v2;
	v2 =	vor.u32 $0x8, v2;
	v1 =	vmul.u32 $0x8, v1;
	s4 =	smax.u32 s7, $0x1;
	s7 =	simm.s32 $0x2;
	s6 =	sadd.s32 $0x132800, s6  }
.LBB2_1:
0x10: {  	s26 =	smov.u32 s5;
	s28 =	simm.s32 $0x0  }
.LBB2_2:
0x11: {  	s29 =	sadd.s32 s28, s6  }
0x12: {  	[tilespmem:s2], [sflag:$0x2] =	stream.linear.gather [hbm4b:s29+s2], $0x80, $0x38;
	[tilespmem:$0x8080] =	vst v63  }
0x13: {  	_ =	swait.ge [sflag:s7], $0x80  }
0x14: {  	[sflag:s7] =	ssyncset.done $0x0  }
0x15: {  	[sflag:s7] =	ssyncadd.s32 $0xFFFFFF80  }
0x16: {  	v3 =	vld [tilespmem:$0x0];
	_ =	sdelay $0x4  }
0x17: {  	v4 =	vshll.u32 v3, $0x1  }
0x18: {  	v3 =	vand.u32 $0x7, v3;
	v4 =	vand.u32 $0xFFFFFFF0, v4  }
0x19: {  	v3 =	vor.u32 v3, v4  }
0x1a: {  	v4 =	vperm.xlane v3, v0;
	_ =	sdelay $0x1  }
0x1b: {  	v3 =	vperm.xlane v3, v2;
	v4 =	vadd.s32 v1, v4;
	_ =	sdelay $0x1  }
0x1c: {  	v3 =	vadd.s32 v1, v3;
	_ =	sdelay $0x2  }
0x1d: {  	[tilespmem:s8], [sflag:$0x1] =	stream.indirect_vreg.gather [hbm4b:s3+s2], $0x80, v4, vm0, $0xb8;
	[tilespmem:$0x8080] =	vst v63  }
0x1e: {  	_ = 	snop  }
0x1f: {  	[tilespmem:s9], [sflag:$0x1] =	stream.indirect_vreg.gather [hbm4b:s3+s2], $0x80, v3, vm0, $0xb8;
	[tilespmem:$0x8080] =	vst v63  }
0x20: {  	v3 =	vld [tilespmem:$0x10];
	_ =	sdelay $0x4  }
0x21: {  	v57 =	vshll.u32 v3, $0x1  }
0x22: {  	v3 =	vand.u32 $0x7, v3;
	v4 =	vand.u32 $0xFFFFFFF0, v57  }
0x23: {  	v3 =	vor.u32 v3, v4  }
0x24: {  	v4 =	vperm.xlane v3, v0;
	_ =	sdelay $0x1  }
0x25: {  	v3 =	vperm.xlane v3, v2;
	v4 =	vadd.s32 v1, v4;
	_ =	sdelay $0x1  }
0x26: {  	v3 =	vadd.s32 v1, v3;
	_ =	sdelay $0x2  }
0x27: {  	[tilespmem:s10], [sflag:$0x1] =	stream.indirect_vreg.gather [hbm4b:s3+s2], $0x80, v4, vm0, $0xb8;
	[tilespmem:$0x8080] =	vst v63  }
0x28: {  	_ = 	snop  }
0x29: {  	[tilespmem:s11], [sflag:$0x1] =	stream.indirect_vreg.gather [hbm4b:s3+s2], $0x80, v3, vm0, $0xb8;
	[tilespmem:$0x8080] =	vst v63  }
0x2a: {  	v3 =	vld [tilespmem:$0x20];
	_ =	sdelay $0x4  }
0x2b: {  	v58 =	vshll.u32 v3, $0x1  }
0x2c: {  	v3 =	vand.u32 $0x7, v3;
	v4 =	vand.u32 $0xFFFFFFF0, v58  }
0x2d: {  	v3 =	vor.u32 v3, v4  }
0x2e: {  	v4 =	vperm.xlane v3, v0;
	_ =	sdelay $0x1  }
0x2f: {  	v3 =	vperm.xlane v3, v2;
	v4 =	vadd.s32 v1, v4;
	_ =	sdelay $0x1  }
0x30: {  	v3 =	vadd.s32 v1, v3;
	_ =	sdelay $0x2  }
0x31: {  	[tilespmem:s12], [sflag:$0x1] =	stream.indirect_vreg.gather [hbm4b:s3+s2], $0x80, v4, vm0, $0xb8;
	[tilespmem:$0x8080] =	vst v63  }
0x32: {  	_ = 	snop  }
0x33: {  	[tilespmem:s13], [sflag:$0x1] =	stream.indirect_vreg.gather [hbm4b:s3+s2], $0x80, v3, vm0, $0xb8;
	[tilespmem:$0x8080] =	vst v63  }
0x34: {  	v3 =	vld [tilespmem:$0x30];
	_ =	sdelay $0x4  }
0x35: {  	v59 =	vshll.u32 v3, $0x1  }
0x36: {  	v3 =	vand.u32 $0x7, v3;
	v4 =	vand.u32 $0xFFFFFFF0, v59  }
0x37: {  	v3 =	vor.u32 v3, v4  }
0x38: {  	v4 =	vperm.xlane v3, v0;
	_ =	sdelay $0x1  }
0x39: {  	v3 =	vperm.xlane v3, v2;
	v4 =	vadd.s32 v1, v4;
	_ =	sdelay $0x1  }
0x3a: {  	v3 =	vadd.s32 v1, v3;
	_ =	sdelay $0x2  }
0x3b: {  	[tilespmem:s14], [sflag:$0x1] =	stream.indirect_vreg.gather [hbm4b:s3+s2], $0x80, v4, vm0, $0xb8;
	[tilespmem:$0x8080] =	vst v63  }
0x3c: {  	_ = 	snop  }
0x3d: {  	[tilespmem:s15], [sflag:$0x1] =	stream.indirect_vreg.gather [hbm4b:s3+s2], $0x80, v3, vm0, $0xb8;
	[tilespmem:$0x8080] =	vst v63  }
0x3e: {  	v3 =	vld [tilespmem:$0x40];
	_ =	sdelay $0x4  }
0x3f: {  	v60 =	vshll.u32 v3, $0x1  }
0x40: {  	v3 =	vand.u32 $0x7, v3;
	v4 =	vand.u32 $0xFFFFFFF0, v60  }
0x41: {  	v3 =	vor.u32 v3, v4  }
0x42: {  	v4 =	vperm.xlane v3, v0;
	_ =	sdelay $0x1  }
0x43: {  	v3 =	vperm.xlane v3, v2;
	v4 =	vadd.s32 v1, v4;
	_ =	sdelay $0x1  }
0x44: {  	v3 =	vadd.s32 v1, v3;
	_ =	sdelay $0x2  }
0x45: {  	[tilespmem:s16], [sflag:$0x1] =	stream.indirect_vreg.gather [hbm4b:s3+s2], $0x80, v4, vm0, $0xb8;
	[tilespmem:$0x8080] =	vst v63  }
0x46: {  	_ = 	snop  }
0x47: {  	[tilespmem:s17], [sflag:$0x1] =	stream.indirect_vreg.gather [hbm4b:s3+s2], $0x80, v3, vm0, $0xb8;
	[tilespmem:$0x8080] =	vst v63  }
0x48: {  	v3 =	vld [tilespmem:$0x50];
	_ =	sdelay $0x4  }
0x49: {  	v61 =	vshll.u32 v3, $0x1  }
0x4a: {  	v3 =	vand.u32 $0x7, v3;
	v4 =	vand.u32 $0xFFFFFFF0, v61  }
0x4b: {  	v3 =	vor.u32 v3, v4  }
0x4c: {  	v4 =	vperm.xlane v3, v0;
	_ =	sdelay $0x1  }
0x4d: {  	v3 =	vperm.xlane v3, v2;
	v4 =	vadd.s32 v1, v4;
	_ =	sdelay $0x1  }
0x4e: {  	v3 =	vadd.s32 v1, v3;
	_ =	sdelay $0x2  }
0x4f: {  	[tilespmem:s18], [sflag:$0x1] =	stream.indirect_vreg.gather [hbm4b:s3+s2], $0x80, v4, vm0, $0xb8;
	[tilespmem:$0x8080] =	vst v63  }
0x50: {  	_ = 	snop  }
0x51: {  	[tilespmem:s19], [sflag:$0x1] =	stream.indirect_vreg.gather [hbm4b:s3+s2], $0x80, v3, vm0, $0xb8;
	[tilespmem:$0x8080] =	vst v63  }
0x52: {  	v3 =	vld [tilespmem:$0x60];
	_ =	sdelay $0x4  }
0x53: {  	v62 =	vshll.u32 v3, $0x1  }
0x54: {  	v3 =	vand.u32 $0x7, v3;
	v4 =	vand.u32 $0xFFFFFFF0, v62  }
0x55: {  	v3 =	vor.u32 v3, v4  }
0x56: {  	v4 =	vperm.xlane v3, v0;
	_ =	sdelay $0x1  }
0x57: {  	v3 =	vperm.xlane v3, v2;
	v4 =	vadd.s32 v1, v4;
	_ =	sdelay $0x1  }
0x58: {  	v3 =	vadd.s32 v1, v3;
	_ =	sdelay $0x2  }
0x59: {  	[tilespmem:s20], [sflag:$0x1] =	stream.indirect_vreg.gather [hbm4b:s3+s2], $0x80, v4, vm0, $0xb8;
	[tilespmem:$0x8080] =	vst v63  }
0x5a: {  	_ = 	snop  }
0x5b: {  	[tilespmem:s21], [sflag:$0x1] =	stream.indirect_vreg.gather [hbm4b:s3+s2], $0x80, v3, vm0, $0xb8;
	[tilespmem:$0x8080] =	vst v63  }
0x5c: {  	v3 =	vld [tilespmem:$0x70];
	_ =	sdelay $0x4  }
0x5d: {  	v63 =	vshll.u32 v3, $0x1  }
0x5e: {  	v3 =	vand.u32 $0x7, v3;
	v4 =	vand.u32 $0xFFFFFFF0, v63  }
0x5f: {  	v3 =	vor.u32 v3, v4  }
0x60: {  	v4 =	vperm.xlane v3, v0;
	_ =	sdelay $0x1  }
0x61: {  	v3 =	vperm.xlane v3, v2;
	v4 =	vadd.s32 v1, v4;
	_ =	sdelay $0x1  }
0x62: {  	v3 =	vadd.s32 v1, v3;
	_ =	sdelay $0x2  }
0x63: {  	[tilespmem:s22], [sflag:$0x1] =	stream.indirect_vreg.gather [hbm4b:s3+s2], $0x80, v4, vm0, $0xb8;
	[tilespmem:$0x8080] =	vst v63  }
0x64: {  	_ = 	snop  }
0x65: {  	[tilespmem:s23], [sflag:$0x1] =	stream.indirect_vreg.gather [hbm4b:s3+s2], $0x80, v3, vm0, $0xb8;
	[tilespmem:$0x8080] =	vst v63  }
0x66: {  	_ =	swait.ge [sflag:s24], $0x8000  }
0x67: {  	p0 =	sne.s32 s28, $0x70;
	[sflag:s24] =	ssyncset.done $0x0  }
.Ltmp0:
0x68: {  	[sflag:s24] =	ssyncadd.s32 $0xFFFF8000;
	(pc) =	sbr.rel @p0 .LBB2_2-.Ltmp0, $4  }
0x69: {  	[hbm4b:s26+s2] =	stream.linear.scatter [tilespmem:s8], [sflag:$0x2], $0x8000, $0x38;
	[tilespmem:$0x8080] =	vst v63  }
0x6a: {  	_ =	swait.ge [sflag:s7], $0x8000  }
0x6b: {  	[sflag:s7] =	ssyncset.done $0x0  }
0x6c: {  	s28 =	sadd.s32 $0x10, s28;
	s26 =	sadd.s32 $0x1000, s26;
	[sflag:s7] =	ssyncadd.s32 $0xFFFF8000  }
0x6d: {  	s25 =	sadd.s32 $0x1, s25  }
0x6e: {  	p0 =	sne.s32 s25, s4  }
.Ltmp1:
0x6f: {  	_ = 	snop;
	(pc) =	sbr.rel @p0 .LBB2_1-.Ltmp1, $1  }
0x70: {  	_ =	sdelay $0x3  }
0x71: {  	_ =	sfence.sel $0x180000  }
0x72: {  	[bflag:$0x0] =	sbarrier.arrive $0xFFFF  }
0x73: {  	p0 =	sne.s32 s1, $0x0;
	_ =	strace $0x9000004A  }
0x74: {  	s0 =	sadd.s32 @!p0 $0x100000, s0;
	[bflag:$0x2] =	sbarrier.arrive $0xFFFF  }
0x75: {  	[sflag:s0] =	ssyncadd.tile.s32 @!p0 $0x1;
	_ =	shalt  }
.Lfunc_end2:
_tile_overlayer_lowered:
.L_overlay_start_2:
0x76: {  	(tag) =	ssettag $0x2  }
0x77: {  	s0 =	rddreg [dreg:$0x0];
	s2 =	stileid.u32  }
0x78: {  	s1 =	rddreg [dreg:$0x1];
	p0 =	sne.s32 s2, $0x0  }
0x79: {  	s3 =	rddreg [dreg:$0x2];
	[bflag:$0x3] =	sbarrier.arrive $0xFFFF;
	s2 =	simm.s32 @!p0 $0x1C02  }
0x7a: {  	[timem:s3], [sflag:s2] =	dma.local @!p0 [hbm:s0], s1  }
0x7b: {  	s0 =	simm.s32 @!p0 $0x2  }
0x7c: {  	_ =	swait.ge @!p0 [sflag:s0], s1  }
0x7d: {  	s1 =	ssub.s32 @!p0 $0x0, s1;
	[sflag:s0] =	ssyncset.done @!p0 $0x0  }
0x7e: {  	[sflag:s0] =	ssyncadd.s32 @!p0 s1  }
0x7f: {  	[bflag:$0x3] =	sbarrier.arrive $0xFFFF  }
0x80: {  	_ =	shalt  }

// kernel: kernel.23.cloned.1.call-start
scs
__scs_entry_jumppad:
0x0: {  	(pc) =	sbr.rel $0x88, $3  }
0x1: {  	(tag) =	ssettag $0x0;
	lr =	simm.s32 $0x1  }
0x2: {  	[smem:$0x3F9C] =	sst lr;
	_ =	strace $0xD0000000  }
0x3: {  	_ = 	snop  }
0x4: {  	_ = 	snop  }
0x5: {  	_ = 	snop  }
0x6: {  	_ = 	snop  }
0x7: {  	_ = 	snop  }
__scs_overlays_trampoline_lowered:
0x8: {  	[smem:$0x3FAB] =	sst s0  }
0x9: {  	[smem:$0x3FAC] =	sst s1  }
0xa: {  	[smem:$0x3FAD] =	sst s2  }
0xb: {  	[smem:$0x3FAE] =	sst s3  }
0xc: {  	[smem:$0x3FAF] =	sst s4  }
0xd: {  	[smem:$0x3FB0] =	sst s5  }
0xe: {  	[smem:$0x3FB1] =	sst s6  }
0xf: {  	[smem:$0x3FB2] =	sst s7  }
0x10: {  	[smem:$0x3FB3] =	sst s8  }
0x11: {  	[smem:$0x3FB4] =	sst s9;
	s0 =	simm.s32 @!p0 $0x0  }
0x12: {  	s1 =	sld [smem:$0x3F9A];
	s0 =	simm.s32 @p0 $0x1  }
0x13: {  	[smem:$0x3FB5] =	sst s0;
	s0 =	simm.s32 @!p1 $0x0  }
0x14: {  	s2 =	sld [smem:$0x3F99];
	s0 =	simm.s32 @p1 $0x1  }
0x15: {  	[smem:$0x3FB6] =	sst s0;
	s0 =	simm.s32 @!p2 $0x0  }
0x16: {  	s3 =	sld [smem:$0x3FDB];
	s0 =	simm.s32 @p2 $0x1  }
0x17: {  	s4 =	simm.s32 $0x1BF5;
	[smem:$0x3FB8] =	sst s0  }
0x18: {  	s0 =	sld [smem:$0x3F9B];
	_ =	swait.ge [sflag:s4], $0x0  }
0x19: {  	s7 =	sld [smem:$0x3F9C]  }
0x1a: {  	s8 =	sadd.s32 $0xFFFFE003, lr  }
0x1b: {  	s9 =	sadd.s32 $0xFFFFFEF7, lr;
	s5 =	simm.s32 $0xFFFFFFFF;
	p2 =	slt.u32 s8, $0xFFFFF086  }
0x1c: {  	p1 =	slt.u32 s9, $0xF7A;
	s5 =	simm.s32 @!p2 $0x0  }
0x1d: {  	s5 =	simm.s32 @p1 $0x1;
	p0 =	seq.s32 s7, s2  }
0x1e: {  	s7 =	smul.u32 @!p0 $0xF7A, s2;
	p2 =	seq.s32 @!p0 s5, $0x0  }
0x1f: {  	s9 =	smul.u32 $0xF7A, s1;
	s8 =	simm.s32 @!p0 $0x1BF5;
	p2 =	por !p2, p0  }
0x20: {  	[sflag:s8] =	ssyncset.s32 @!p0 $0xFFFFF086;
	s6 =	sadd.s32 @!p0 s3, s7;
	s7 =	simm.s32 @!p0 $0x108  }
0x21: {  	s3 =	sadd.s32 s3, s9;
	s6 =	sadd.s32 @!p0 $0x88, s6;
	s7 =	simm.s32 @p2 $0x1082  }
0x22: {  	[simem:s7], [sflag:s8] =	dma.local @!p0 [hbm:s6], $0xF7A  }
0x23: {  	s9 =	sor.u32 $0xD0000000, s2;
	s6 =	simm.s32 $0x108;
	_ =	swait.ge @!p0 [sflag:s8], $0x0  }
0x24: {  	s3 =	sadd.s32 $0x88, s3;
	s6 =	simm.s32 @!p1 $0x1082;
	[sflag:s4] =	ssyncset.s32 $0xFFFFF086  }
0x25: {  	[simem:s6], [sflag:s4] =	dma.local [hbm:s3], $0xF7A  }
0x26: {  	[smem:$0x3F9C] =	sst s1;
	(tag) =	ssettag s2;
	_ =	strace s9  }
0x27: {  	s1 =	sld [smem:$0x3FAC]  }
0x28: {  	s2 =	sld [smem:$0x3FAD]  }
0x29: {  	s4 =	sld [smem:$0x3FAF]  }
0x2a: {  	p0 =	seq.s32 s5, $0x0;
	s5 =	sld [smem:$0x3FB0]  }
0x2b: {  	s6 =	sld [smem:$0x3FB1]  }
0x2c: {  	s7 =	sld [smem:$0x3FB2]  }
0x2d: {  	s3 =	simm.s32 $0x108;
	s8 =	sld [smem:$0x3FB3]  }
0x2e: {  	s3 =	simm.s32 @!p0 $0x1082;
	s9 =	sld [smem:$0x3FB4]  }
0x2f: {  	lr =	sadd.s32 s0, s3;
	s0 =	sld [smem:$0x3FAB]  }
0x30: {  	s3 =	sld [smem:$0x3FAE]  }
0x31: {  	[smem:$0x3FB7] =	sst s10  }
0x32: {  	s10 =	sld [smem:$0x3FB5];
	_ =	sdelay $0x3  }
0x33: {  	p0 =	seq.s32 s10, $0x1;
	s10 =	sld [smem:$0x3FB7];
	_ =	sdelay $0x3  }
0x34: {  	[smem:$0x3FB7] =	sst s10  }
0x35: {  	s10 =	sld [smem:$0x3FB6];
	_ =	sdelay $0x3  }
0x36: {  	p1 =	seq.s32 s10, $0x1;
	s10 =	sld [smem:$0x3FB7];
	_ =	sdelay $0x3  }
0x37: {  	[smem:$0x3FB7] =	sst s10  }
0x38: {  	s10 =	sld [smem:$0x3FB8]  }
0x39: {  	_ = 	snop;
	(pc) =	sbr.ind lr, $3  }
0x3a: {  	_ = 	snop  }
0x3b: {  	_ = 	snop  }
0x3c: {  	p2 =	seq.s32 s10, $0x1;
	s10 =	sld [smem:$0x3FB7]  }
0x3d: {  	_ =	shalt  }
0x3e: {  	_ =	shalt  }
0x3f: {  	_ =	shalt  }
0x40: {  	_ =	shalt  }
0x41: {  	_ =	shalt  }
0x42: {  	_ =	shalt  }
0x43: {  	_ =	shalt  }
0x44: {  	_ =	shalt  }
0x45: {  	_ =	shalt  }
0x46: {  	_ =	shalt  }
0x47: {  	_ =	shalt  }
0x48: {  	_ =	shalt  }
0x49: {  	_ =	shalt  }
0x4a: {  	_ =	shalt  }
0x4b: {  	_ =	shalt  }
0x4c: {  	_ =	shalt  }
0x4d: {  	_ =	shalt  }
0x4e: {  	_ =	shalt  }
0x4f: {  	_ =	shalt  }
0x50: {  	_ =	shalt  }
0x51: {  	_ =	shalt  }
0x52: {  	_ =	shalt  }
0x53: {  	_ =	shalt  }
0x54: {  	_ =	shalt  }
0x55: {  	_ =	shalt  }
0x56: {  	_ =	shalt  }
0x57: {  	_ =	shalt  }
0x58: {  	_ =	shalt  }
0x59: {  	_ =	shalt  }
0x5a: {  	_ =	shalt  }
0x5b: {  	_ =	shalt  }
0x5c: {  	_ =	shalt  }
0x5d: {  	_ =	shalt  }
0x5e: {  	_ =	shalt  }
0x5f: {  	_ =	shalt  }
0x60: {  	_ =	shalt  }
0x61: {  	_ =	shalt  }
0x62: {  	_ =	shalt  }
0x63: {  	_ =	shalt  }
0x64: {  	_ =	shalt  }
0x65: {  	_ =	shalt  }
0x66: {  	_ =	shalt  }
0x67: {  	_ =	shalt  }
0x68: {  	_ =	shalt  }
0x69: {  	_ =	shalt  }
0x6a: {  	_ =	shalt  }
0x6b: {  	_ =	shalt  }
0x6c: {  	_ =	shalt  }
0x6d: {  	_ =	shalt  }
0x6e: {  	_ =	shalt  }
0x6f: {  	_ =	shalt  }
0x70: {  	_ =	shalt  }
0x71: {  	_ =	shalt  }
0x72: {  	_ =	shalt  }
0x73: {  	_ =	shalt  }
0x74: {  	_ =	shalt  }
0x75: {  	_ =	shalt  }
0x76: {  	_ =	shalt  }
0x77: {  	_ =	shalt  }
0x78: {  	_ =	shalt  }
0x79: {  	_ =	shalt  }
0x7a: {  	_ =	shalt  }
0x7b: {  	_ =	shalt  }
0x7c: {  	_ =	shalt  }
0x7d: {  	_ =	shalt  }
0x7e: {  	_ =	shalt  }
0x7f: {  	_ =	shalt  }
0x80: {  	_ =	shalt  }
0x81: {  	_ =	shalt  }
0x82: {  	_ =	shalt  }
0x83: {  	_ =	shalt  }
0x84: {  	_ =	shalt  }
0x85: {  	_ =	shalt  }
0x86: {  	_ =	shalt  }
0x87: {  	_ =	shalt  }
.Lfunc_end0:
.L_simem_size_0:
called_computation.3_lowered:
.L_overlay_start_0:
0x88: {  	s2 =	sld [smem:$0x3FD9]  }
0x89: {  	s3 =	sld [smem:$0x3FFE];
	_ =	sdelay $0x1  }
0x8a: {  	s1 =	srdreg.scid  }
0x8b: {  	s0 =	sand.u32 $0x1, s1  }
0x8c: {  	s17 =	sshll.u32 s0, $0xA;
	s2 =	sadd.s32 s3, s2  }
0x8d: {  	s2 =	sadd.s32 s2, s17  }
0x8e: {  	[smem:$0x3FC3] =	sst s2  }
0x8f: {  	_ = 	snop  }
0x90: {  	(tm) =	ssettm $0x1  }
0x91: {  	s18 =	sld [smem:$0x3FFB];
	_ =	sdelay $0x3  }
0x92: {  	_ =	strace s18  }
0x93: {  	s2 =	sld [smem:$0x3FFC];
	_ =	sdelay $0x3  }
0x94: {  	_ =	strace s2  }
0x95: {  	s2 =	sld [smem:$0x3FFD];
	_ =	sdelay $0x3  }
0x96: {  	_ =	strace s2  }
0x97: {  	_ =	strace $0x8FFFFFFF  }
0x98: {  	s19 =	sld [smem:$0x3FDB];
	_ =	sdelay $0x1  }
0x99: {  	s20 =	simm.s32 $_scs_section_size  }
0x9a: {  	s4 =	simm.s32 $_size__tile_overlayer_lowered;
	s5 =	simm.s32 $_tile_overlayer_lowered  }
0x9b: {  	s6 =	simm.s32 $0x1BFF;
	s21 =	sshll.u32 s5, $0x1;
	s3 =	sadd.s32 s20, s19  }
0x9c: {  	s22 =	simm.s32 $0x0;
	s4 =	sshll.u32 s4, $0x1;
	s5 =	sadd.s32 s21, s3  }
0x9d: {  	[timem:s22], [sflag:s6] =	dma.local [hbm:s5], s4  }
0x9e: {  	_ =	swait.ge [sflag:s6], s4  }
0x9f: {  	s4 =	ssub.s32 $0x0, s4;
	[sflag:s6] =	ssyncset.done $0x0  }
0xa0: {  	[sflag:s6] =	ssyncadd.s32 s4;
	_ =	sdelay $0x1  }
0xa1: {  	s23 =	simm.s32 $0x1B8B  }
0xa2: {  	_ =	swait.ge [sflag:s23], $0x1  }
0xa3: {  	[sflag:s23] =	ssyncset.done $0x0  }
0xa4: {  	[sflag:s23] =	ssyncadd.s32 $0xFFFFFFFF  }
0xa5: {  	s4 =	sld [smem:$0x0]  }
0xa6: {  	s5 =	sand.u32 $0xFFFFFFFE, s1  }
0xa7: {  	p0 =	sne.s32 s1, s5  }
0xa8: {  	s5 =	sshll.u32 @p0 s5, $0xE  }
0xa9: {  	s5 =	sadd.s32 @p0 $0x11B8D, s5;
	s6 =	sshll.u32 @p0 s4, $0x11  }
0xaa: {  	s5 =	sor.u32 @p0 s6, s5  }
0xab: {  	[sflag:s5] =	ssyncadd.remote.s32 @p0 $0x1;
	_ =	sdelay $0x1  }
0xac: {  	s5 =	simm.s32 @p0 $0x1B8D  }
0xad: {  	_ =	swait.eq @p0 [sflag:s5], $0x1  }
0xae: {  	[sflag:s5] =	ssyncadd.s32 @p0 $0xFFFFFFFF  }
0xaf: {  	s6 =	sshll.u32 @!p0 s1, $0xE  }
0xb0: {  	s6 =	sor.u32 @!p0 $0x4000, s6;
	s5 =	simm.s32 @!p0 $0x1B8D  }
0xb1: {  	s4 =	sshll.u32 @!p0 s4, $0x11;
	s6 =	sadd.s32 @!p0 $0x11B8D, s6;
	_ =	swait.eq @!p0 [sflag:s5], $0x1  }
0xb2: {  	s4 =	sor.u32 @!p0 s4, s6;
	[sflag:s5] =	ssyncadd.s32 @!p0 $0xFFFFFFFF  }
0xb3: {  	s25 =	simm.s32 $0x1B8E;
	s24 =	sld [smem:$0x3FFE];
	[sflag:s4] =	ssyncadd.remote.s32 @!p0 $0x1  }
0xb4: {  	s26 =	simm.s32 $execute0_lowered;
	[smem:$0x3FD2] =	sst s25  }
0xb5: {  	s5 =	sshll.u32 s26, $0x1;
	_ =	strace $0x8000004C;
	[dreg:$0x1] =	wrdreg $0xFFFFFFFF  }
0xb6: {  	s28 =	simm.s32 $_size_execute0_lowered;
	s3 =	sadd.s32 s3, s5;
	[dreg:$0x0] =	wrdreg $0x0  }
0xb7: {  	s5 =	sshll.u32 s28, $0x1;
	[dreg:$0x2] =	wrdreg s3  }
0xb8: {  	[dreg:$0x3] =	wrdreg s5  }
0xb9: {  	[dreg:$0x4] =	wrdreg $0xC0  }
0xba: {  	_ =	task [dreg:s22], $0x5FFFF  }
0xbb: {  	[dreg:$0x1] =	wrdreg $0xFFFFFFFF  }
0xbc: {  	[dreg:$0x0] =	wrdreg $0x60  }
0xbd: {  	[dreg:$0x2] =	wrdreg s24  }
0xbe: {  	[dreg:$0x3] =	wrdreg $0xC  }
0xbf: {  	_ =	task.clear_ibuf [dreg:s22], $0x4FFFF;
	_ =	strace $0x9000004C  }
0xc0: {  	s29 =	simm.s32 $0xC;
	_ =	strace $0x8000004E  }
0xc1: {  	_ =	swait.ge [sflag:s29], $0x1  }
0xc2: {  	[sflag:s29] =	ssyncadd.s32 $0xFFFFFFFF  }
0xc3: {  	_ =	strace $0x9000004E  }
0xc4: {  	_ =	sfence  }
0xc5: {  	s30 =	sld [smem:$0x0];
	_ =	sdelay $0x2  }
0xc6: {  	s31 =	sshll.u32 s1, $0xD;
	s1 =	sshrl.u32 s1, $0x2  }
0xc7: {  	s4 =	sand.u32 $0x4000, s31;
	s1 =	sadd.s32 s1, s30  }
0xc8: {  	s0 =	sor.u32 s4, s0;
	s1 =	sshll.u32 s1, $0x11  }
0xc9: {  	s0 =	sor.u32 s1, s0  }
0xca: {  	s0 =	sadd.s32 $0x8F2B, s0  }
0xcb: {  	[sflag:s0] =	ssyncadd.remote.s32 $0x1  }
0xcc: {  	_ =	sfence.sel $0xFFFF  }
0xcd: {  	[dreg:$0x0] =	wrdreg $0xFFFFFFFF;
	(pc) =	sbr.abs _section_cstart, $3  }
0xce: {  	[dreg:$0x1] =	wrdreg $0xFFFFFFFF  }
0xcf: {  	_ =	task.clear_ibuf [dreg:s22], $0x2FFFF;
	_ =	strace $0x9FFFFFFF  }
0xd0: {  	(tm) =	ssettm $0x7FFFFFFF  }
0xd1: {  	_ =	shalt  }
tec
execute0_lowered:
.L_overlay_start_1:
0x0: {  	(tag) =	ssettag $0x1  }
0x1: {  	s4 =	rddreg [dreg:$0x0]  }
0x2: {  	s0 =	rddreg [dreg:$0x1];
	s2 =	simm.s32 $0x0;
	s3 =	srdreg.scid  }
0x3: {  	s1 =	stileid.u32;
	s10 =	simm.s32 $0x1080;
	s11 =	simm.s32 $0x1880  }
0x4: {  	s12 =	simm.s32 $0x2080;
	s13 =	simm.s32 $0x2880;
	s14 =	simm.s32 $0x3080  }
0x5: {  	s15 =	simm.s32 $0x3880;
	s16 =	simm.s32 $0x4080;
	s17 =	simm.s32 $0x4880  }
0x6: {  	s18 =	simm.s32 $0x5080;
	s19 =	simm.s32 $0x5880;
	s20 =	simm.s32 $0x6080  }
0x7: {  	s21 =	simm.s32 $0x6880;
	s22 =	simm.s32 $0x7080;
	s23 =	simm.s32 $0x7880  }
0x8: {  	s24 =	simm.s32 $0x1;
	s25 =	simm.s32 $0x0;
	[smem:$0x7FF] =	sst s2  }
0x9: {  	s5 =	sand.u32 $0x1, s3;
	s6 =	sshll.u32 s1, $0xB;
	s3 =	sadd.s32 $0x21800, s4  }
0xa: {  	s8 =	sshll.u32 s1, $0x10;
	_ =	strace $0x8000004D;
	s7 =	sshll.u32 s5, $0xA  }
0xb: {  	s31 =	ssub.s32 $0x2, s5;
	s8 =	sadd.s32 s8, s4;
	s5 =	sshll.u32 s5, $0xF  }
0xc: {  	s6 =	sor.u32 s7, s6;
	s9 =	sshrl.u32 s31, $0x1;
	s5 =	sadd.s32 s5, s8  }
0xd: {  	v2 =	vlaneseq.u32;
	s8 =	simm.s32 $0x80;
	s6 =	sshrl.u32 s6, $0x3;
	s7 =	ssub.s32 s31, s9  }
0xe: {  	vm0 =	vmmov $0xffff;
	v1 =	vshrl.u32 v2, $0x3;
	s5 =	sadd.s32 $0x234800, s5;
	s9 =	simm.s32 $0x880;
	s6 =	sadd.s32 s6, s4  }
0xf: {  	v0 =	vand.u32 $0x7, v2;
	v2 =	vor.u32 $0x8, v2;
	v1 =	vmul.u32 $0x8, v1;
	s4 =	smax.u32 s7, $0x1;
	s7 =	simm.s32 $0x2;
	s6 =	sadd.s32 $0x233800, s6  }
.LBB2_1:
0x10: {  	s26 =	smov.u32 s5;
	s28 =	simm.s32 $0x0  }
.LBB2_2:
0x11: {  	s29 =	sadd.s32 s28, s6  }
0x12: {  	[tilespmem:s2], [sflag:$0x2] =	stream.linear.gather [hbm4b:s29+s2], $0x80, $0x38;
	[tilespmem:$0x8080] =	vst v63  }
0x13: {  	_ =	swait.ge [sflag:s7], $0x80  }
0x14: {  	[sflag:s7] =	ssyncset.done $0x0  }
0x15: {  	[sflag:s7] =	ssyncadd.s32 $0xFFFFFF80  }
0x16: {  	v3 =	vld [tilespmem:$0x0];
	_ =	sdelay $0x4  }
0x17: {  	v4 =	vshll.u32 v3, $0x1  }
0x18: {  	v3 =	vand.u32 $0x7, v3;
	v4 =	vand.u32 $0xFFFFFFF0, v4  }
0x19: {  	v3 =	vor.u32 v3, v4  }
0x1a: {  	v4 =	vperm.xlane v3, v0;
	_ =	sdelay $0x1  }
0x1b: {  	v3 =	vperm.xlane v3, v2;
	v4 =	vadd.s32 v1, v4;
	_ =	sdelay $0x1  }
0x1c: {  	v3 =	vadd.s32 v1, v3;
	_ =	sdelay $0x2  }
0x1d: {  	[tilespmem:s8], [sflag:$0x1] =	stream.indirect_vreg.gather [hbm4b:s3+s2], $0x80, v4, vm0, $0xb8;
	[tilespmem:$0x8080] =	vst v63  }
0x1e: {  	_ = 	snop  }
0x1f: {  	[tilespmem:s9], [sflag:$0x1] =	stream.indirect_vreg.gather [hbm4b:s3+s2], $0x80, v3, vm0, $0xb8;
	[tilespmem:$0x8080] =	vst v63  }
0x20: {  	v3 =	vld [tilespmem:$0x10];
	_ =	sdelay $0x4  }
0x21: {  	v57 =	vshll.u32 v3, $0x1  }
0x22: {  	v3 =	vand.u32 $0x7, v3;
	v4 =	vand.u32 $0xFFFFFFF0, v57  }
0x23: {  	v3 =	vor.u32 v3, v4  }
0x24: {  	v4 =	vperm.xlane v3, v0;
	_ =	sdelay $0x1  }
0x25: {  	v3 =	vperm.xlane v3, v2;
	v4 =	vadd.s32 v1, v4;
	_ =	sdelay $0x1  }
0x26: {  	v3 =	vadd.s32 v1, v3;
	_ =	sdelay $0x2  }
0x27: {  	[tilespmem:s10], [sflag:$0x1] =	stream.indirect_vreg.gather [hbm4b:s3+s2], $0x80, v4, vm0, $0xb8;
	[tilespmem:$0x8080] =	vst v63  }
0x28: {  	_ = 	snop  }
0x29: {  	[tilespmem:s11], [sflag:$0x1] =	stream.indirect_vreg.gather [hbm4b:s3+s2], $0x80, v3, vm0, $0xb8;
	[tilespmem:$0x8080] =	vst v63  }
0x2a: {  	v3 =	vld [tilespmem:$0x20];
	_ =	sdelay $0x4  }
0x2b: {  	v58 =	vshll.u32 v3, $0x1  }
0x2c: {  	v3 =	vand.u32 $0x7, v3;
	v4 =	vand.u32 $0xFFFFFFF0, v58  }
0x2d: {  	v3 =	vor.u32 v3, v4  }
0x2e: {  	v4 =	vperm.xlane v3, v0;
	_ =	sdelay $0x1  }
0x2f: {  	v3 =	vperm.xlane v3, v2;
	v4 =	vadd.s32 v1, v4;
	_ =	sdelay $0x1  }
0x30: {  	v3 =	vadd.s32 v1, v3;
	_ =	sdelay $0x2  }
0x31: {  	[tilespmem:s12], [sflag:$0x1] =	stream.indirect_vreg.gather [hbm4b:s3+s2], $0x80, v4, vm0, $0xb8;
	[tilespmem:$0x8080] =	vst v63  }
0x32: {  	_ = 	snop  }
0x33: {  	[tilespmem:s13], [sflag:$0x1] =	stream.indirect_vreg.gather [hbm4b:s3+s2], $0x80, v3, vm0, $0xb8;
	[tilespmem:$0x8080] =	vst v63  }
0x34: {  	v3 =	vld [tilespmem:$0x30];
	_ =	sdelay $0x4  }
0x35: {  	v59 =	vshll.u32 v3, $0x1  }
0x36: {  	v3 =	vand.u32 $0x7, v3;
	v4 =	vand.u32 $0xFFFFFFF0, v59  }
0x37: {  	v3 =	vor.u32 v3, v4  }
0x38: {  	v4 =	vperm.xlane v3, v0;
	_ =	sdelay $0x1  }
0x39: {  	v3 =	vperm.xlane v3, v2;
	v4 =	vadd.s32 v1, v4;
	_ =	sdelay $0x1  }
0x3a: {  	v3 =	vadd.s32 v1, v3;
	_ =	sdelay $0x2  }
0x3b: {  	[tilespmem:s14], [sflag:$0x1] =	stream.indirect_vreg.gather [hbm4b:s3+s2], $0x80, v4, vm0, $0xb8;
	[tilespmem:$0x8080] =	vst v63  }
0x3c: {  	_ = 	snop  }
0x3d: {  	[tilespmem:s15], [sflag:$0x1] =	stream.indirect_vreg.gather [hbm4b:s3+s2], $0x80, v3, vm0, $0xb8;
	[tilespmem:$0x8080] =	vst v63  }
0x3e: {  	v3 =	vld [tilespmem:$0x40];
	_ =	sdelay $0x4  }
0x3f: {  	v60 =	vshll.u32 v3, $0x1  }
0x40: {  	v3 =	vand.u32 $0x7, v3;
	v4 =	vand.u32 $0xFFFFFFF0, v60  }
0x41: {  	v3 =	vor.u32 v3, v4  }
0x42: {  	v4 =	vperm.xlane v3, v0;
	_ =	sdelay $0x1  }
0x43: {  	v3 =	vperm.xlane v3, v2;
	v4 =	vadd.s32 v1, v4;
	_ =	sdelay $0x1  }
0x44: {  	v3 =	vadd.s32 v1, v3;
	_ =	sdelay $0x2  }
0x45: {  	[tilespmem:s16], [sflag:$0x1] =	stream.indirect_vreg.gather [hbm4b:s3+s2], $0x80, v4, vm0, $0xb8;
	[tilespmem:$0x8080] =	vst v63  }
0x46: {  	_ = 	snop  }
0x47: {  	[tilespmem:s17], [sflag:$0x1] =	stream.indirect_vreg.gather [hbm4b:s3+s2], $0x80, v3, vm0, $0xb8;
	[tilespmem:$0x8080] =	vst v63  }
0x48: {  	v3 =	vld [tilespmem:$0x50];
	_ =	sdelay $0x4  }
0x49: {  	v61 =	vshll.u32 v3, $0x1  }
0x4a: {  	v3 =	vand.u32 $0x7, v3;
	v4 =	vand.u32 $0xFFFFFFF0, v61  }
0x4b: {  	v3 =	vor.u32 v3, v4  }
0x4c: {  	v4 =	vperm.xlane v3, v0;
	_ =	sdelay $0x1  }
0x4d: {  	v3 =	vperm.xlane v3, v2;
	v4 =	vadd.s32 v1, v4;
	_ =	sdelay $0x1  }
0x4e: {  	v3 =	vadd.s32 v1, v3;
	_ =	sdelay $0x2  }
0x4f: {  	[tilespmem:s18], [sflag:$0x1] =	stream.indirect_vreg.gather [hbm4b:s3+s2], $0x80, v4, vm0, $0xb8;
	[tilespmem:$0x8080] =	vst v63  }
0x50: {  	_ = 	snop  }
0x51: {  	[tilespmem:s19], [sflag:$0x1] =	stream.indirect_vreg.gather [hbm4b:s3+s2], $0x80, v3, vm0, $0xb8;
	[tilespmem:$0x8080] =	vst v63  }
0x52: {  	v3 =	vld [tilespmem:$0x60];
	_ =	sdelay $0x4  }
0x53: {  	v62 =	vshll.u32 v3, $0x1  }
0x54: {  	v3 =	vand.u32 $0x7, v3;
	v4 =	vand.u32 $0xFFFFFFF0, v62  }
0x55: {  	v3 =	vor.u32 v3, v4  }
0x56: {  	v4 =	vperm.xlane v3, v0;
	_ =	sdelay $0x1  }
0x57: {  	v3 =	vperm.xlane v3, v2;
	v4 =	vadd.s32 v1, v4;
	_ =	sdelay $0x1  }
0x58: {  	v3 =	vadd.s32 v1, v3;
	_ =	sdelay $0x2  }
0x59: {  	[tilespmem:s20], [sflag:$0x1] =	stream.indirect_vreg.gather [hbm4b:s3+s2], $0x80, v4, vm0, $0xb8;
	[tilespmem:$0x8080] =	vst v63  }
0x5a: {  	_ = 	snop  }
0x5b: {  	[tilespmem:s21], [sflag:$0x1] =	stream.indirect_vreg.gather [hbm4b:s3+s2], $0x80, v3, vm0, $0xb8;
	[tilespmem:$0x8080] =	vst v63  }
0x5c: {  	v3 =	vld [tilespmem:$0x70];
	_ =	sdelay $0x4  }
0x5d: {  	v63 =	vshll.u32 v3, $0x1  }
0x5e: {  	v3 =	vand.u32 $0x7, v3;
	v4 =	vand.u32 $0xFFFFFFF0, v63  }
0x5f: {  	v3 =	vor.u32 v3, v4  }
0x60: {  	v4 =	vperm.xlane v3, v0;
	_ =	sdelay $0x1  }
0x61: {  	v3 =	vperm.xlane v3, v2;
	v4 =	vadd.s32 v1, v4;
	_ =	sdelay $0x1  }
0x62: {  	v3 =	vadd.s32 v1, v3;
	_ =	sdelay $0x2  }
0x63: {  	[tilespmem:s22], [sflag:$0x1] =	stream.indirect_vreg.gather [hbm4b:s3+s2], $0x80, v4, vm0, $0xb8;
	[tilespmem:$0x8080] =	vst v63  }
0x64: {  	_ = 	snop  }
0x65: {  	[tilespmem:s23], [sflag:$0x1] =	stream.indirect_vreg.gather [hbm4b:s3+s2], $0x80, v3, vm0, $0xb8;
	[tilespmem:$0x8080] =	vst v63  }
0x66: {  	_ =	swait.ge [sflag:s24], $0x8000  }
0x67: {  	p0 =	sne.s32 s28, $0x70;
	[sflag:s24] =	ssyncset.done $0x0  }
.Ltmp0:
0x68: {  	[sflag:s24] =	ssyncadd.s32 $0xFFFF8000;
	(pc) =	sbr.rel @p0 .LBB2_2-.Ltmp0, $4  }
0x69: {  	[hbm4b:s26+s2] =	stream.linear.scatter [tilespmem:s8], [sflag:$0x2], $0x8000, $0x38;
	[tilespmem:$0x8080] =	vst v63  }
0x6a: {  	_ =	swait.ge [sflag:s7], $0x8000  }
0x6b: {  	[sflag:s7] =	ssyncset.done $0x0  }
0x6c: {  	s28 =	sadd.s32 $0x10, s28;
	s26 =	sadd.s32 $0x1000, s26;
	[sflag:s7] =	ssyncadd.s32 $0xFFFF8000  }
0x6d: {  	s25 =	sadd.s32 $0x1, s25  }
0x6e: {  	p0 =	sne.s32 s25, s4  }
.Ltmp1:
0x6f: {  	_ = 	snop;
	(pc) =	sbr.rel @p0 .LBB2_1-.Ltmp1, $1  }
0x70: {  	_ =	sdelay $0x3  }
0x71: {  	_ =	sfence.sel $0x180000  }
0x72: {  	[bflag:$0x0] =	sbarrier.arrive $0xFFFF  }
0x73: {  	p0 =	sne.s32 s1, $0x0;
	_ =	strace $0x9000004D  }
0x74: {  	s0 =	sadd.s32 @!p0 $0x100000, s0;
	[bflag:$0x2] =	sbarrier.arrive $0xFFFF  }
0x75: {  	[sflag:s0] =	ssyncadd.tile.s32 @!p0 $0x1;
	_ =	shalt  }
.Lfunc_end2:
_tile_overlayer_lowered:
.L_overlay_start_2:
0x76: {  	(tag) =	ssettag $0x2  }
0x77: {  	s0 =	rddreg [dreg:$0x0];
	s2 =	stileid.u32  }
0x78: {  	s1 =	rddreg [dreg:$0x1];
	p0 =	sne.s32 s2, $0x0  }
0x79: {  	s3 =	rddreg [dreg:$0x2];
	[bflag:$0x3] =	sbarrier.arrive $0xFFFF;
	s2 =	simm.s32 @!p0 $0x1C02  }
0x7a: {  	[timem:s3], [sflag:s2] =	dma.local @!p0 [hbm:s0], s1  }
0x7b: {  	s0 =	simm.s32 @!p0 $0x2  }
0x7c: {  	_ =	swait.ge @!p0 [sflag:s0], s1  }
0x7d: {  	s1 =	ssub.s32 @!p0 $0x0, s1;
	[sflag:s0] =	ssyncset.done @!p0 $0x0  }
0x7e: {  	[sflag:s0] =	ssyncadd.s32 @!p0 s1  }
0x7f: {  	[bflag:$0x3] =	sbarrier.arrive $0xFFFF  }
0x80: {  	_ =	shalt  }

</sc_bundles>
